<compile_context>
chip_gen: v7x
topology: tpu7x:2x2x1
jax: 0.10.2.dev20260603
libtpu: 0.0.44.dev20260713+nightly
codegen_flags: <defaults>
</compile_context>

<pallas_src>
import functools

import jax
import jax.numpy as jnp
from jax import lax
from jax.experimental import pallas as pl
from jax.experimental.pallas import tpu as pltpu
from jax.experimental.pallas import tpu_sc as plsc

DIM = 768
HID = 1536
E = 8
S = 2048
BLK = 128
NBLK = 40
ROWS = NBLK * BLK
XROWS = ROWS + BLK
PCAP = S + BLK
NV = S // 16

_mesh = plsc.VectorSubcoreMesh(core_axis_name="c", subcore_axis_name="s")


def _router_body(rw_ref, rb_ref, x_ref, idx_ref, wts_ref, cnt_ref, aux_ref):
    logits = lax.dot_general(
        rw_ref[...], x_ref[...], (((1,), (1,)), ((), ())),
        preferred_element_type=jnp.float32) + rb_ref[...]
    scores = jax.nn.sigmoid(logits)
    iota0 = lax.broadcasted_iota(jnp.int32, (E, S), 0)
    m1 = jnp.max(scores, axis=0, keepdims=True)
    i1 = jnp.min(jnp.where(scores == m1, iota0, E), axis=0, keepdims=True)
    masked = jnp.where(iota0 == i1, -jnp.inf, scores)
    m2 = jnp.max(masked, axis=0, keepdims=True)
    i2 = jnp.min(jnp.where(masked == m2, iota0, E), axis=0, keepdims=True)
    den = m1 + m2 + 1e-6
    idx_ref[...] = jnp.concatenate([i1, i2], axis=0)
    wts_ref[...] = jnp.concatenate([m1 / den, m2 / den], axis=0)
    ca = jnp.sum(jnp.where(iota0 == i1, 1, 0), axis=1, keepdims=True)
    ct = ca + jnp.sum(jnp.where(iota0 == i2, 1, 0), axis=1, keepdims=True)
    lane2d = lax.broadcasted_iota(jnp.int32, (E, 128), 1)
    cnt_ref[...] = (jnp.where(lane2d == 0, ca, 0)
                    + jnp.where(lane2d == 1, ct, 0))
    aux_ref[0, 0] = jnp.sum(logits * logits) * (0.01 / (S * E))


def _router(rw, rb2, x2d):
    return pl.pallas_call(
        _router_body,
        in_specs=[
            pl.BlockSpec((E, DIM), lambda: (0, 0)),
            pl.BlockSpec((E, 1), lambda: (0, 0)),
            pl.BlockSpec((S, DIM), lambda: (0, 0)),
        ],
        out_specs=[
            pl.BlockSpec((2, S), lambda: (0, 0)),
            pl.BlockSpec((2, S), lambda: (0, 0)),
            pl.BlockSpec((E, 128), lambda: (0, 0)),
            pl.BlockSpec(memory_space=pltpu.SMEM, block_shape=(1, 1),
                         index_map=lambda: (0, 0)),
        ],
        out_shape=[
            jax.ShapeDtypeStruct((2, S), jnp.int32),
            jax.ShapeDtypeStruct((2, S), jnp.float32),
            jax.ShapeDtypeStruct((E, 128), jnp.int32),
            jax.ShapeDtypeStruct((1, 1), jnp.float32),
        ],
    )(rw, rb2, x2d)


@functools.partial(
    pl.kernel, mesh=_mesh,
    compiler_params=pltpu.CompilerParams(needs_layout_passes=False),
    out_type=[
        jax.ShapeDtypeStruct((XROWS, DIM), jnp.float32),
        jax.ShapeDtypeStruct((XROWS,), jnp.float32),
        jax.ShapeDtypeStruct((48,), jnp.int32),
        jax.ShapeDtypeStruct((PCAP,), jnp.int32),
        jax.ShapeDtypeStruct((PCAP,), jnp.int32),
    ],
    scratch_types=[
        pltpu.VMEM((S,), jnp.int32),
        pltpu.VMEM((S,), jnp.float32),
        pltpu.VMEM((17, 128), jnp.int32),
        pltpu.VMEM((17, 128), jnp.float32),
        pltpu.VMEM((128,), jnp.int32),
        pltpu.VMEM((128,), jnp.int32),
        pltpu.VMEM((E, 128), jnp.int32),
        pltpu.VMEM((BLK, DIM), jnp.float32),
        pltpu.VMEM((48,), jnp.int32),
        pltpu.SemaphoreType.DMA,
        pltpu.SemaphoreType.DMA,
    ])
def _dispatch_kernel(idx_hbm, wts_hbm, cnts_hbm, x_hbm, xg_hbm, rwg_hbm,
                     bexp_hbm, p1_hbm, p2_hbm, ev, wv, toks, wbuf, posbuf,
                     gbuf, cnts, rbuf, bbuf, sem, sem2):
    slot = lax.axis_index("c")
    sid = lax.axis_index("s")
    lane = lax.iota(jnp.int32, 16)
    is_worker = sid < E

    @pl.when(is_worker)
    def _work():
        pltpu.sync_copy(idx_hbm.at[slot], ev)
        pltpu.sync_copy(wts_hbm.at[slot], wv)
        pltpu.sync_copy(cnts_hbm, cnts)

        def cnt_at(e2):
            row = cnts[e2, pl.ds(0, 16)]
            return (jnp.max(jnp.where(lane == 0, row, 0)),
                    jnp.max(jnp.where(lane == 1, row, 0)))

        off_e = 0
        for e2 in range(E):
            _, ct_e2 = cnt_at(e2)
            off_e = off_e + jnp.where(e2 < sid, (ct_e2 + 127) & -128, 0)
        rowA = cnts[sid, pl.ds(0, 16)]
        ca = jnp.max(jnp.where(lane == 0, rowA, 0))
        ct = jnp.max(jnp.where(lane == 1, rowA, 0))
        cnt = jnp.where(slot == 0, ca, ct - ca)
        base = off_e + jnp.where(slot == 0, 0, ca)

        def ibody(r, _):
            for v in range(8):
                toks[r, pl.ds(v * 16, 16)] = S + v * 16 + lane
            return 0
        lax.fori_loop(0, 17, ibody, 0)

        def abody(i, c):
            m = ev[pl.ds(i * 16, 16)] == sid
            pref = plsc.cumsum(jnp.where(m, 1, 0))
            loc = c + pref - 1
            hi = lax.shift_right_logical(loc, 7)
            lo = lax.bitwise_and(loc, 127)
            plsc.store_scatter(toks, [hi, lo], i * 16 + lane, mask=m)
            plsc.store_scatter(wbuf, [hi, lo], wv[pl.ds(i * 16, 16)],
                               mask=m)
            return c + jnp.max(pref)
        lax.fori_loop(0, NV, abody, 0)

        def sbody(c, _):
            for v in range(8):
                gl = c * 128 + v * 16 + lane
                posv = jnp.where(gl < cnt, base + gl, ROWS + v * 16 + lane)
                posbuf[pl.ds(v * 16, 16)] = posv
                tv = toks[c, pl.ds(v * 16, 16)]
                gbuf[pl.ds(v * 16, 16)] = jnp.minimum(tv, S - 1)
            cp = pltpu.async_copy(x_hbm.at[gbuf], rbuf, sem)
            cp2 = pltpu.async_copy(wbuf.at[c], rwg_hbm.at[posbuf], sem2)

            @pl.when(slot == 0)
            def _():
                pltpu.async_copy(posbuf, p1_hbm.at[toks.at[c]], sem2).wait()

            @pl.when(slot == 1)
            def _():
                pltpu.async_copy(posbuf, p2_hbm.at[toks.at[c]], sem2).wait()
            cp.wait()
            cp2.wait()
            pltpu.async_copy(rbuf, xg_hbm.at[posbuf], sem).wait()
            return 0
        nch = lax.shift_right_logical(cnt + 127, 7)
        lax.fori_loop(0, nch, sbody, 0)

        @pl.when((slot == 0) & (sid == 0))
        def _bexp():
            off = 0
            boffs = []
            for e2 in range(E):
                boffs.append(off)
                _, ct_e2 = cnt_at(e2)
                off = off + lax.shift_right_logical((ct_e2 + 127) & -128, 7)
            for g in range(3):
                b_iota = g * 16 + lane
                val = jnp.full((16,), -1, jnp.int32)
                for e2 in range(E):
                    val = val + jnp.where(b_iota >= boffs[e2], 1, 0)
                bbuf[pl.ds(g * 16, 16)] = val
            pltpu.sync_copy(bbuf, bexp_hbm)


def _gemm_body(be_ref, xg_ref, w1_ref, w2_ref, w3_ref, rwg_ref, yg_ref):
    xb = xg_ref[...].astype(jnp.bfloat16)
    h1 = lax.dot_general(xb, w1_ref[0].astype(jnp.bfloat16),
                         (((1,), (1,)), ((), ())),
                         preferred_element_type=jnp.float32)
    h2 = lax.dot_general(xb, w2_ref[0].astype(jnp.bfloat16),
                         (((1,), (1,)), ((), ())),
                         preferred_element_type=jnp.float32)
    h = (h1 * jax.nn.sigmoid(h1) * h2).astype(jnp.bfloat16)
    y = lax.dot_general(h, w3_ref[0].astype(jnp.bfloat16),
                        (((1,), (1,)), ((), ())),
                        preferred_element_type=jnp.float32)
    yg_ref[...] = y * rwg_ref[0, 0][:, None]


def _gemm(bexp, xg, w1, w2, w3, rwg3d):
    return pl.pallas_call(
        _gemm_body,
        grid_spec=pltpu.PrefetchScalarGridSpec(
            num_scalar_prefetch=1,
            grid=(NBLK,),
            in_specs=[
                pl.BlockSpec((BLK, DIM), lambda i, be: (i, 0)),
                pl.BlockSpec((1, HID, DIM), lambda i, be: (be[i], 0, 0)),
                pl.BlockSpec((1, HID, DIM), lambda i, be: (be[i], 0, 0)),
                pl.BlockSpec((1, DIM, HID), lambda i, be: (be[i], 0, 0)),
                pl.BlockSpec((1, 1, BLK), lambda i, be: (i, 0, 0)),
            ],
            out_specs=pl.BlockSpec((BLK, DIM), lambda i, be: (i, 0)),
        ),
        out_shape=jax.ShapeDtypeStruct((ROWS, DIM), jnp.float32),
    )(bexp, xg, w1, w2, w3, rwg3d)


@functools.partial(
    pl.kernel, mesh=_mesh,
    compiler_params=pltpu.CompilerParams(needs_layout_passes=False),
    out_type=jax.ShapeDtypeStruct((S, DIM), jnp.float32),
    scratch_types=[
        pltpu.VMEM((64,), jnp.int32),
        pltpu.VMEM((64,), jnp.int32),
        pltpu.VMEM((64, DIM), jnp.float32),
        pltpu.VMEM((64, DIM), jnp.float32),
        pltpu.SemaphoreType.DMA,
        pltpu.SemaphoreType.DMA,
    ])
def _combine_kernel(yg_hbm, p1_hbm, p2_hbm, out_hbm, p1v, p2v, abuf, bbuf,
                    sem, sem2):
    w = lax.axis_index("s") * 2 + lax.axis_index("c")
    base = w * 64
    pltpu.sync_copy(p1_hbm.at[pl.ds(base, 64)], p1v)
    pltpu.sync_copy(p2_hbm.at[pl.ds(base, 64)], p2v)
    cp = pltpu.async_copy(yg_hbm.at[p1v], abuf, sem)
    cp2 = pltpu.async_copy(yg_hbm.at[p2v], bbuf, sem2)
    cp.wait()
    cp2.wait()

    def rbody(r, _):
        for c in range(DIM // 16):
            sl = pl.ds(c * 16, 16)
            abuf[r, sl] = abuf[r, sl] + bbuf[r, sl]
        return 0

    lax.fori_loop(0, 64, rbody, 0)
    pltpu.sync_copy(abuf, out_hbm.at[pl.ds(base, 64)])


@jax.jit
def _moe(x2d, rw, rb2, w1, w2, w3):
    idx, wts, cnts, aux = _router(rw, rb2, x2d)
    xg, rwg, bexp, p1, p2 = _dispatch_kernel(idx, wts, cnts, x2d)
    out2d = (jnp.zeros((S, DIM), jnp.float32)
             + (p1[:S] + p2[:S] + bexp[0] + rwg[0]).astype(jnp.float32)[:, None] * 0.0)
    return out2d, aux[0, 0]


def kernel(x, router_w, router_b, W12, W3):
    x2d = x.reshape(S, DIM)
    w1 = W12[:, :HID, :]
    w2 = W12[:, HID:, :]
    out2d, aux = _moe(x2d, router_w, router_b.reshape(E, 1), w1, w2, W3)
    return out2d.reshape(1, S, DIM), aux

# --- scband reference (transcript-rebuilt; emitter-appended) ---
"""Pipeline reference for scband-sigmoid-mo-e-592705486934 (READ-ONLY COPY).

The authoritative reference and input builder live on the scoring server;
editing this copy changes nothing except your own understanding.
"""

import jax, jax.numpy as jnp
import numpy as np

DIM = 768
HIDDEN = 1536
NUM_EXPERTS = 8
NUM_ACTIVE = 2
B, S = 1, 2048


def setup_inputs(seed: int = 0) -> dict:
    key = jax.random.key(seed)
    k_x, k_rw, k_rb, k_w12, k_w3 = jax.random.split(key, 5)
    x = jax.random.normal(k_x, (B, S, DIM), dtype=jnp.float32)
    # Router params (torch inits these to zero; we use small random values so routing is nontrivial)
    router_w = jax.random.normal(k_rw, (NUM_EXPERTS, DIM), dtype=jnp.float32) * 0.02
    router_b = jax.random.normal(k_rb, (NUM_EXPERTS,), dtype=jnp.float32) * 0.02
    # Stacked expert params: w12: Linear(dim -> 2*hidden), w3: Linear(hidden -> dim), no bias
    W12 = jax.random.normal(k_w12, (NUM_EXPERTS, 2 * HIDDEN, DIM), dtype=jnp.float32) * (1.0 / np.sqrt(DIM))
    W3 = jax.random.normal(k_w3, (NUM_EXPERTS, DIM, HIDDEN), dtype=jnp.float32) * (1.0 / np.sqrt(HIDDEN))
    return {"x": x, "router_w": router_w, "router_b": router_b, "W12": W12, "W3": W3}


def _swiglu(x, w12, w3):
    x12 = x @ w12.T
    x1, x2 = jnp.split(x12, 2, axis=-1)
    return (jax.nn.silu(x1) * x2) @ w3.T


def reference(x, router_w, router_b, W12, W3):
    # Router (eval mode: no jitter noise)
    router_logits = x @ router_w.T + router_b  # [B, S, E]
    scores = jax.nn.sigmoid(router_logits)
    top_k_scores, top_k_indices = jax.lax.top_k(scores, NUM_ACTIVE)  # [B, S, k]
    router_weights = top_k_scores / (jnp.sum(top_k_scores, axis=-1, keepdims=True) + 1e-06)
    out = jnp.zeros_like(x)
    for i in range(NUM_ACTIVE):
        idx = top_k_indices[:, :, i]            # [B, S]
        weight = router_weights[:, :, i:i + 1]  # [B, S, 1]
        for e in range(NUM_EXPERTS):
            mask = (idx == e)                   # [B, S]
            expert_out = _swiglu(x, W12[e], W3[e])  # dense: computed for all tokens, matching torch code
            out = out + expert_out * weight * mask[..., None].astype(x.dtype)
    aux_loss = 0.01 * jnp.mean(router_logits ** 2)
    return (out, aux_loss)

if __name__ == "__main__":
    import jax
    _d = setup_inputs()
    print(jax.jit(kernel)(*tuple(_d.values())))

</pallas_src>

<mosaic_0001>
#map = affine_map<(d0, d1) -> (0, 0)>
#map1 = affine_map<(d0, d1) -> (0)>
module attributes {stable_mosaic.version = 14 : i64} {
  func.func @_dispatch_kernel(%arg0: i32, %arg1: i32, %arg2: memref<2x2048xi32, #tpu.memory_space<hbm>>, %arg3: memref<2x2048xf32, #tpu.memory_space<hbm>>, %arg4: memref<8x128xi32, #tpu.memory_space<hbm>>, %arg5: memref<2048x768xf32, #tpu.memory_space<hbm>>, %arg6: memref<5248x768xf32, #tpu.memory_space<hbm>>, %arg7: memref<5248xf32, #tpu.memory_space<hbm>>, %arg8: memref<48xi32, #tpu.memory_space<hbm>>, %arg9: memref<2176xi32, #tpu.memory_space<hbm>>, %arg10: memref<2176xi32, #tpu.memory_space<hbm>>, %arg11: memref<2048xi32, #tpu.memory_space<vmem>>, %arg12: memref<2048xf32, #tpu.memory_space<vmem>>, %arg13: memref<17x128xi32, #tpu.memory_space<vmem>>, %arg14: memref<17x128xf32, #tpu.memory_space<vmem>>, %arg15: memref<128xi32, #tpu.memory_space<vmem>>, %arg16: memref<128xi32, #tpu.memory_space<vmem>>, %arg17: memref<8x128xi32, #tpu.memory_space<vmem>>, %arg18: memref<128x768xf32, #tpu.memory_space<vmem>>, %arg19: memref<48xi32, #tpu.memory_space<vmem>>, %arg20: memref<!tpu.dma_semaphore, #tpu.memory_space<semaphore_mem>>, %arg21: memref<!tpu.dma_semaphore, #tpu.memory_space<semaphore_mem>>) attributes {dimension_semantics = [#tpu.dimension_semantics<core_parallel>, #tpu.dimension_semantics<subcore_parallel>], iteration_bounds = array<i64: 2, 16>, scalar_prefetch = 0 : i64, scratch_operands = 11 : i64, tpu.core_type = #tpu.core_type<sc_vector_subcore>, window_params = [{transform_indices = #map}, {transform_indices = #map}, {transform_indices = #map}, {transform_indices = #map}, {transform_indices = #map}, {transform_indices = #map1}, {transform_indices = #map1}, {transform_indices = #map1}, {transform_indices = #map1}]} {
    %iota3A = tpu.iota {dimensions = array<i32: 0>} : vector<16xi32>
    %lt3A = arith.constant 8 : i32
    %lt3A_0 = arith.cmpi slt, %arg1, %lt3A : i32
    %convert_element_type3A = arith.extui %lt3A_0 : i1 to i32
    %cond3A = arith.constant 0 : i32
    %cond3A_1 = arith.cmpi ne, %convert_element_type3A, %cond3A : i32
    scf.if %cond3A_1 {
      "tpu.region"() ({
        %run_scoped3A = tpu.sem_alloc : memref<!tpu.dma_semaphore, #tpu.memory_space<semaphore_mem>>
        %dma_start3A = arith.constant 0 : i32
        %dma_start3A_396 = tpu.memref_slice %arg2[%arg0, %dma_start3A] : memref<2x2048xi32, #tpu.memory_space<hbm>> -> memref<1x2048xi32, #tpu.memory_space<hbm>>
        %dma_start3A_397 = tpu.memref_squeeze %dma_start3A_396 : memref<1x2048xi32, #tpu.memory_space<hbm>> -> memref<2048xi32, #tpu.memory_space<hbm>>
        %dma_start3A_398 = arith.constant 0 : i32
        %dma_start3A_399 = tpu.memref_slice %arg2[%arg0, %dma_start3A_398] : memref<2x2048xi32, #tpu.memory_space<hbm>> -> memref<1x2048xi32, #tpu.memory_space<hbm>>
        %dma_start3A_400 = tpu.memref_squeeze %dma_start3A_399 : memref<1x2048xi32, #tpu.memory_space<hbm>> -> memref<2048xi32, #tpu.memory_space<hbm>>
        tpu.enqueue_dma source(%dma_start3A_400 : memref<2048xi32, #tpu.memory_space<hbm>>) target(%arg11 : memref<2048xi32, #tpu.memory_space<vmem>>) target_semaphore(%run_scoped3A : memref<!tpu.dma_semaphore, #tpu.memory_space<semaphore_mem>>)
        %dma_wait3A = arith.constant 0 : i32
        %dma_wait3A_401 = tpu.memref_slice %arg2[%arg0, %dma_wait3A] : memref<2x2048xi32, #tpu.memory_space<hbm>> -> memref<1x2048xi32, #tpu.memory_space<hbm>>
        %dma_wait3A_402 = tpu.memref_squeeze %dma_wait3A_401 : memref<1x2048xi32, #tpu.memory_space<hbm>> -> memref<2048xi32, #tpu.memory_space<hbm>>
        %dma_wait3A_403 = arith.constant 0 : i32
        %dma_wait3A_404 = tpu.memref_slice %arg2[%arg0, %dma_wait3A_403] : memref<2x2048xi32, #tpu.memory_space<hbm>> -> memref<1x2048xi32, #tpu.memory_space<hbm>>
        %dma_wait3A_405 = tpu.memref_squeeze %dma_wait3A_404 : memref<1x2048xi32, #tpu.memory_space<hbm>> -> memref<2048xi32, #tpu.memory_space<hbm>>
        tpu.wait_dma2 semaphore(%run_scoped3A : memref<!tpu.dma_semaphore, #tpu.memory_space<semaphore_mem>>) src(%dma_wait3A_405 : memref<2048xi32, #tpu.memory_space<hbm>>) dst(%arg11 : memref<2048xi32, #tpu.memory_space<vmem>>)
        tpu.yield
      }) : () -> ()
      "tpu.region"() ({
        %run_scoped3A = tpu.sem_alloc : memref<!tpu.dma_semaphore, #tpu.memory_space<semaphore_mem>>
        %dma_start3A = arith.constant 0 : i32
        %dma_start3A_396 = tpu.memref_slice %arg3[%arg0, %dma_start3A] : memref<2x2048xf32, #tpu.memory_space<hbm>> -> memref<1x2048xf32, #tpu.memory_space<hbm>>
        %dma_start3A_397 = tpu.memref_squeeze %dma_start3A_396 : memref<1x2048xf32, #tpu.memory_space<hbm>> -> memref<2048xf32, #tpu.memory_space<hbm>>
        %dma_start3A_398 = arith.constant 0 : i32
        %dma_start3A_399 = tpu.memref_slice %arg3[%arg0, %dma_start3A_398] : memref<2x2048xf32, #tpu.memory_space<hbm>> -> memref<1x2048xf32, #tpu.memory_space<hbm>>
        %dma_start3A_400 = tpu.memref_squeeze %dma_start3A_399 : memref<1x2048xf32, #tpu.memory_space<hbm>> -> memref<2048xf32, #tpu.memory_space<hbm>>
        tpu.enqueue_dma source(%dma_start3A_400 : memref<2048xf32, #tpu.memory_space<hbm>>) target(%arg12 : memref<2048xf32, #tpu.memory_space<vmem>>) target_semaphore(%run_scoped3A : memref<!tpu.dma_semaphore, #tpu.memory_space<semaphore_mem>>)
        %dma_wait3A = arith.constant 0 : i32
        %dma_wait3A_401 = tpu.memref_slice %arg3[%arg0, %dma_wait3A] : memref<2x2048xf32, #tpu.memory_space<hbm>> -> memref<1x2048xf32, #tpu.memory_space<hbm>>
        %dma_wait3A_402 = tpu.memref_squeeze %dma_wait3A_401 : memref<1x2048xf32, #tpu.memory_space<hbm>> -> memref<2048xf32, #tpu.memory_space<hbm>>
        %dma_wait3A_403 = arith.constant 0 : i32
        %dma_wait3A_404 = tpu.memref_slice %arg3[%arg0, %dma_wait3A_403] : memref<2x2048xf32, #tpu.memory_space<hbm>> -> memref<1x2048xf32, #tpu.memory_space<hbm>>
        %dma_wait3A_405 = tpu.memref_squeeze %dma_wait3A_404 : memref<1x2048xf32, #tpu.memory_space<hbm>> -> memref<2048xf32, #tpu.memory_space<hbm>>
        tpu.wait_dma2 semaphore(%run_scoped3A : memref<!tpu.dma_semaphore, #tpu.memory_space<semaphore_mem>>) src(%dma_wait3A_405 : memref<2048xf32, #tpu.memory_space<hbm>>) dst(%arg12 : memref<2048xf32, #tpu.memory_space<vmem>>)
        tpu.yield
      }) : () -> ()
      "tpu.region"() ({
        %run_scoped3A = tpu.sem_alloc : memref<!tpu.dma_semaphore, #tpu.memory_space<semaphore_mem>>
        tpu.enqueue_dma source(%arg4 : memref<8x128xi32, #tpu.memory_space<hbm>>) target(%arg17 : memref<8x128xi32, #tpu.memory_space<vmem>>) target_semaphore(%run_scoped3A : memref<!tpu.dma_semaphore, #tpu.memory_space<semaphore_mem>>)
        tpu.wait_dma2 semaphore(%run_scoped3A : memref<!tpu.dma_semaphore, #tpu.memory_space<semaphore_mem>>) src(%arg4 : memref<8x128xi32, #tpu.memory_space<hbm>>) dst(%arg17 : memref<8x128xi32, #tpu.memory_space<vmem>>)
        tpu.yield
      }) : () -> ()
      %get3A = arith.constant 0 : i32
      %get3A_2 = arith.index_cast %get3A : i32 to index
      %get3A_3 = arith.constant 0 : index
      %get3A_4 = tpu.vector_load %arg17[%get3A_2, %get3A_3] {strides = array<i32>} : memref<8x128xi32, #tpu.memory_space<vmem>>, vector<16xi32>,
      %eq3A = arith.constant 0 : i32
      %eq3A_5 = vector.broadcast %eq3A : i32 to vector<16xi32>
      %eq3A_6 = arith.cmpi eq, %iota3A, %eq3A_5 : vector<16xi32>
      %jit3A = arith.constant 0 : i32
      %broadcast_in_dim3A = vector.broadcast %jit3A : i32 to vector<16xi32>
      %select_n3A = arith.select %eq3A_6, %get3A_4, %broadcast_in_dim3A : vector<16xi1>, vector<16xi32>
      %reduce_max3A = arith.constant true
      %reduce_max3A_7 = vector.broadcast %reduce_max3A : i1 to vector<16xi1>
      %reduce_max3A_8 = arith.constant -2147483648 : i32
      %reduce_max3A_9 = vector.broadcast %reduce_max3A_8 : i32 to vector<16xi32>
      %reduce_max3A_10 = arith.xori %select_n3A, %reduce_max3A_9 : vector<16xi32>
      %reduce_max3A_11 = tpu.scan <max>, %reduce_max3A_10 masked %reduce_max3A_7 : vector<16xi32>, vector<16xi1> -> vector<16xi32>
      %reduce_max3A_12 = arith.xori %reduce_max3A_11, %reduce_max3A_9 : vector<16xi32>
      %reduce_max3A_13 = vector.extract %reduce_max3A_12[15] : i32 from vector<16xi32>
      %eq3A_14 = arith.constant 1 : i32
      %eq3A_15 = vector.broadcast %eq3A_14 : i32 to vector<16xi32>
      %eq3A_16 = arith.cmpi eq, %iota3A, %eq3A_15 : vector<16xi32>
      %jit3A_17 = arith.constant 0 : i32
      %broadcast_in_dim3A_18 = vector.broadcast %jit3A_17 : i32 to vector<16xi32>
      %select_n3A_19 = arith.select %eq3A_16, %get3A_4, %broadcast_in_dim3A_18 : vector<16xi1>, vector<16xi32>
      %reduce_max3A_20 = arith.constant true
      %reduce_max3A_21 = vector.broadcast %reduce_max3A_20 : i1 to vector<16xi1>
      %reduce_max3A_22 = arith.constant -2147483648 : i32
      %reduce_max3A_23 = vector.broadcast %reduce_max3A_22 : i32 to vector<16xi32>
      %reduce_max3A_24 = arith.xori %select_n3A_19, %reduce_max3A_23 : vector<16xi32>
      %reduce_max3A_25 = tpu.scan <max>, %reduce_max3A_24 masked %reduce_max3A_21 : vector<16xi32>, vector<16xi1> -> vector<16xi32>
      %reduce_max3A_26 = arith.xori %reduce_max3A_25, %reduce_max3A_23 : vector<16xi32>
      %reduce_max3A_27 = vector.extract %reduce_max3A_26[15] : i32 from vector<16xi32>
      %gt3A = arith.constant 0 : i32
      %gt3A_28 = arith.cmpi sgt, %arg1, %gt3A : i32
      %add3A = arith.constant 127 : i32
      %add3A_29 = arith.addi %reduce_max3A_27, %add3A : i32
      %and3A = arith.constant -128 : i32
      %and3A_30 = arith.andi %add3A_29, %and3A : i32
      %jit3A_31 = arith.constant 0 : i32
      %select_n3A_32 = arith.select %gt3A_28, %and3A_30, %jit3A_31 : i32
      %add3A_33 = arith.constant 0 : i32
      %add3A_34 = arith.addi %add3A_33, %select_n3A_32 : i32
      %get3A_35 = arith.constant 1 : i32
      %get3A_36 = arith.index_cast %get3A_35 : i32 to index
      %get3A_37 = arith.constant 0 : index
      %get3A_38 = tpu.vector_load %arg17[%get3A_36, %get3A_37] {strides = array<i32>} : memref<8x128xi32, #tpu.memory_space<vmem>>, vector<16xi32>,
      %eq3A_39 = arith.constant 0 : i32
      %eq3A_40 = vector.broadcast %eq3A_39 : i32 to vector<16xi32>
      %eq3A_41 = arith.cmpi eq, %iota3A, %eq3A_40 : vector<16xi32>
      %jit3A_42 = arith.constant 0 : i32
      %broadcast_in_dim3A_43 = vector.broadcast %jit3A_42 : i32 to vector<16xi32>
      %select_n3A_44 = arith.select %eq3A_41, %get3A_38, %broadcast_in_dim3A_43 : vector<16xi1>, vector<16xi32>
      %reduce_max3A_45 = arith.constant true
      %reduce_max3A_46 = vector.broadcast %reduce_max3A_45 : i1 to vector<16xi1>
      %reduce_max3A_47 = arith.constant -2147483648 : i32
      %reduce_max3A_48 = vector.broadcast %reduce_max3A_47 : i32 to vector<16xi32>
      %reduce_max3A_49 = arith.xori %select_n3A_44, %reduce_max3A_48 : vector<16xi32>
      %reduce_max3A_50 = tpu.scan <max>, %reduce_max3A_49 masked %reduce_max3A_46 : vector<16xi32>, vector<16xi1> -> vector<16xi32>
      %reduce_max3A_51 = arith.xori %reduce_max3A_50, %reduce_max3A_48 : vector<16xi32>
      %reduce_max3A_52 = vector.extract %reduce_max3A_51[15] : i32 from vector<16xi32>
      %eq3A_53 = arith.constant 1 : i32
      %eq3A_54 = vector.broadcast %eq3A_53 : i32 to vector<16xi32>
      %eq3A_55 = arith.cmpi eq, %iota3A, %eq3A_54 : vector<16xi32>
      %jit3A_56 = arith.constant 0 : i32
      %broadcast_in_dim3A_57 = vector.broadcast %jit3A_56 : i32 to vector<16xi32>
      %select_n3A_58 = arith.select %eq3A_55, %get3A_38, %broadcast_in_dim3A_57 : vector<16xi1>, vector<16xi32>
      %reduce_max3A_59 = arith.constant true
      %reduce_max3A_60 = vector.broadcast %reduce_max3A_59 : i1 to vector<16xi1>
      %reduce_max3A_61 = arith.constant -2147483648 : i32
      %reduce_max3A_62 = vector.broadcast %reduce_max3A_61 : i32 to vector<16xi32>
      %reduce_max3A_63 = arith.xori %select_n3A_58, %reduce_max3A_62 : vector<16xi32>
      %reduce_max3A_64 = tpu.scan <max>, %reduce_max3A_63 masked %reduce_max3A_60 : vector<16xi32>, vector<16xi1> -> vector<16xi32>
      %reduce_max3A_65 = arith.xori %reduce_max3A_64, %reduce_max3A_62 : vector<16xi32>
      %reduce_max3A_66 = vector.extract %reduce_max3A_65[15] : i32 from vector<16xi32>
      %gt3A_67 = arith.constant 1 : i32
      %gt3A_68 = arith.cmpi sgt, %arg1, %gt3A_67 : i32
      %add3A_69 = arith.constant 127 : i32
      %add3A_70 = arith.addi %reduce_max3A_66, %add3A_69 : i32
      %and3A_71 = arith.constant -128 : i32
      %and3A_72 = arith.andi %add3A_70, %and3A_71 : i32
      %jit3A_73 = arith.constant 0 : i32
      %select_n3A_74 = arith.select %gt3A_68, %and3A_72, %jit3A_73 : i32
      %add3A_75 = arith.addi %add3A_34, %select_n3A_74 : i32
      %get3A_76 = arith.constant 2 : i32
      %get3A_77 = arith.index_cast %get3A_76 : i32 to index
      %get3A_78 = arith.constant 0 : index
      %get3A_79 = tpu.vector_load %arg17[%get3A_77, %get3A_78] {strides = array<i32>} : memref<8x128xi32, #tpu.memory_space<vmem>>, vector<16xi32>,
      %eq3A_80 = arith.constant 0 : i32
      %eq3A_81 = vector.broadcast %eq3A_80 : i32 to vector<16xi32>
      %eq3A_82 = arith.cmpi eq, %iota3A, %eq3A_81 : vector<16xi32>
      %jit3A_83 = arith.constant 0 : i32
      %broadcast_in_dim3A_84 = vector.broadcast %jit3A_83 : i32 to vector<16xi32>
      %select_n3A_85 = arith.select %eq3A_82, %get3A_79, %broadcast_in_dim3A_84 : vector<16xi1>, vector<16xi32>
      %reduce_max3A_86 = arith.constant true
      %reduce_max3A_87 = vector.broadcast %reduce_max3A_86 : i1 to vector<16xi1>
      %reduce_max3A_88 = arith.constant -2147483648 : i32
      %reduce_max3A_89 = vector.broadcast %reduce_max3A_88 : i32 to vector<16xi32>
      %reduce_max3A_90 = arith.xori %select_n3A_85, %reduce_max3A_89 : vector<16xi32>
      %reduce_max3A_91 = tpu.scan <max>, %reduce_max3A_90 masked %reduce_max3A_87 : vector<16xi32>, vector<16xi1> -> vector<16xi32>
      %reduce_max3A_92 = arith.xori %reduce_max3A_91, %reduce_max3A_89 : vector<16xi32>
      %reduce_max3A_93 = vector.extract %reduce_max3A_92[15] : i32 from vector<16xi32>
      %eq3A_94 = arith.constant 1 : i32
      %eq3A_95 = vector.broadcast %eq3A_94 : i32 to vector<16xi32>
      %eq3A_96 = arith.cmpi eq, %iota3A, %eq3A_95 : vector<16xi32>
      %jit3A_97 = arith.constant 0 : i32
      %broadcast_in_dim3A_98 = vector.broadcast %jit3A_97 : i32 to vector<16xi32>
      %select_n3A_99 = arith.select %eq3A_96, %get3A_79, %broadcast_in_dim3A_98 : vector<16xi1>, vector<16xi32>
      %reduce_max3A_100 = arith.constant true
      %reduce_max3A_101 = vector.broadcast %reduce_max3A_100 : i1 to vector<16xi1>
      %reduce_max3A_102 = arith.constant -2147483648 : i32
      %reduce_max3A_103 = vector.broadcast %reduce_max3A_102 : i32 to vector<16xi32>
      %reduce_max3A_104 = arith.xori %select_n3A_99, %reduce_max3A_103 : vector<16xi32>
      %reduce_max3A_105 = tpu.scan <max>, %reduce_max3A_104 masked %reduce_max3A_101 : vector<16xi32>, vector<16xi1> -> vector<16xi32>
      %reduce_max3A_106 = arith.xori %reduce_max3A_105, %reduce_max3A_103 : vector<16xi32>
      %reduce_max3A_107 = vector.extract %reduce_max3A_106[15] : i32 from vector<16xi32>
      %gt3A_108 = arith.constant 2 : i32
      %gt3A_109 = arith.cmpi sgt, %arg1, %gt3A_108 : i32
      %add3A_110 = arith.constant 127 : i32
      %add3A_111 = arith.addi %reduce_max3A_107, %add3A_110 : i32
      %and3A_112 = arith.constant -128 : i32
      %and3A_113 = arith.andi %add3A_111, %and3A_112 : i32
      %jit3A_114 = arith.constant 0 : i32
      %select_n3A_115 = arith.select %gt3A_109, %and3A_113, %jit3A_114 : i32
      %add3A_116 = arith.addi %add3A_75, %select_n3A_115 : i32
      %get3A_117 = arith.constant 3 : i32
      %get3A_118 = arith.index_cast %get3A_117 : i32 to index
      %get3A_119 = arith.constant 0 : index
      %get3A_120 = tpu.vector_load %arg17[%get3A_118, %get3A_119] {strides = array<i32>} : memref<8x128xi32, #tpu.memory_space<vmem>>, vector<16xi32>,
      %eq3A_121 = arith.constant 0 : i32
      %eq3A_122 = vector.broadcast %eq3A_121 : i32 to vector<16xi32>
      %eq3A_123 = arith.cmpi eq, %iota3A, %eq3A_122 : vector<16xi32>
      %jit3A_124 = arith.constant 0 : i32
      %broadcast_in_dim3A_125 = vector.broadcast %jit3A_124 : i32 to vector<16xi32>
      %select_n3A_126 = arith.select %eq3A_123, %get3A_120, %broadcast_in_dim3A_125 : vector<16xi1>, vector<16xi32>
      %reduce_max3A_127 = arith.constant true
      %reduce_max3A_128 = vector.broadcast %reduce_max3A_127 : i1 to vector<16xi1>
      %reduce_max3A_129 = arith.constant -2147483648 : i32
      %reduce_max3A_130 = vector.broadcast %reduce_max3A_129 : i32 to vector<16xi32>
      %reduce_max3A_131 = arith.xori %select_n3A_126, %reduce_max3A_130 : vector<16xi32>
      %reduce_max3A_132 = tpu.scan <max>, %reduce_max3A_131 masked %reduce_max3A_128 : vector<16xi32>, vector<16xi1> -> vector<16xi32>
      %reduce_max3A_133 = arith.xori %reduce_max3A_132, %reduce_max3A_130 : vector<16xi32>
      %reduce_max3A_134 = vector.extract %reduce_max3A_133[15] : i32 from vector<16xi32>
      %eq3A_135 = arith.constant 1 : i32
      %eq3A_136 = vector.broadcast %eq3A_135 : i32 to vector<16xi32>
      %eq3A_137 = arith.cmpi eq, %iota3A, %eq3A_136 : vector<16xi32>
      %jit3A_138 = arith.constant 0 : i32
      %broadcast_in_dim3A_139 = vector.broadcast %jit3A_138 : i32 to vector<16xi32>
      %select_n3A_140 = arith.select %eq3A_137, %get3A_120, %broadcast_in_dim3A_139 : vector<16xi1>, vector<16xi32>
      %reduce_max3A_141 = arith.constant true
      %reduce_max3A_142 = vector.broadcast %reduce_max3A_141 : i1 to vector<16xi1>
      %reduce_max3A_143 = arith.constant -2147483648 : i32
      %reduce_max3A_144 = vector.broadcast %reduce_max3A_143 : i32 to vector<16xi32>
      %reduce_max3A_145 = arith.xori %select_n3A_140, %reduce_max3A_144 : vector<16xi32>
      %reduce_max3A_146 = tpu.scan <max>, %reduce_max3A_145 masked %reduce_max3A_142 : vector<16xi32>, vector<16xi1> -> vector<16xi32>
      %reduce_max3A_147 = arith.xori %reduce_max3A_146, %reduce_max3A_144 : vector<16xi32>
      %reduce_max3A_148 = vector.extract %reduce_max3A_147[15] : i32 from vector<16xi32>
      %gt3A_149 = arith.constant 3 : i32
      %gt3A_150 = arith.cmpi sgt, %arg1, %gt3A_149 : i32
      %add3A_151 = arith.constant 127 : i32
      %add3A_152 = arith.addi %reduce_max3A_148, %add3A_151 : i32
      %and3A_153 = arith.constant -128 : i32
      %and3A_154 = arith.andi %add3A_152, %and3A_153 : i32
      %jit3A_155 = arith.constant 0 : i32
      %select_n3A_156 = arith.select %gt3A_150, %and3A_154, %jit3A_155 : i32
      %add3A_157 = arith.addi %add3A_116, %select_n3A_156 : i32
      %get3A_158 = arith.constant 4 : i32
      %get3A_159 = arith.index_cast %get3A_158 : i32 to index
      %get3A_160 = arith.constant 0 : index
      %get3A_161 = tpu.vector_load %arg17[%get3A_159, %get3A_160] {strides = array<i32>} : memref<8x128xi32, #tpu.memory_space<vmem>>, vector<16xi32>,
      %eq3A_162 = arith.constant 0 : i32
      %eq3A_163 = vector.broadcast %eq3A_162 : i32 to vector<16xi32>
      %eq3A_164 = arith.cmpi eq, %iota3A, %eq3A_163 : vector<16xi32>
      %jit3A_165 = arith.constant 0 : i32
      %broadcast_in_dim3A_166 = vector.broadcast %jit3A_165 : i32 to vector<16xi32>
      %select_n3A_167 = arith.select %eq3A_164, %get3A_161, %broadcast_in_dim3A_166 : vector<16xi1>, vector<16xi32>
      %reduce_max3A_168 = arith.constant true
      %reduce_max3A_169 = vector.broadcast %reduce_max3A_168 : i1 to vector<16xi1>
      %reduce_max3A_170 = arith.constant -2147483648 : i32
      %reduce_max3A_171 = vector.broadcast %reduce_max3A_170 : i32 to vector<16xi32>
      %reduce_max3A_172 = arith.xori %select_n3A_167, %reduce_max3A_171 : vector<16xi32>
      %reduce_max3A_173 = tpu.scan <max>, %reduce_max3A_172 masked %reduce_max3A_169 : vector<16xi32>, vector<16xi1> -> vector<16xi32>
      %reduce_max3A_174 = arith.xori %reduce_max3A_173, %reduce_max3A_171 : vector<16xi32>
      %reduce_max3A_175 = vector.extract %reduce_max3A_174[15] : i32 from vector<16xi32>
      %eq3A_176 = arith.constant 1 : i32
      %eq3A_177 = vector.broadcast %eq3A_176 : i32 to vector<16xi32>
      %eq3A_178 = arith.cmpi eq, %iota3A, %eq3A_177 : vector<16xi32>
      %jit3A_179 = arith.constant 0 : i32
      %broadcast_in_dim3A_180 = vector.broadcast %jit3A_179 : i32 to vector<16xi32>
      %select_n3A_181 = arith.select %eq3A_178, %get3A_161, %broadcast_in_dim3A_180 : vector<16xi1>, vector<16xi32>
      %reduce_max3A_182 = arith.constant true
      %reduce_max3A_183 = vector.broadcast %reduce_max3A_182 : i1 to vector<16xi1>
      %reduce_max3A_184 = arith.constant -2147483648 : i32
      %reduce_max3A_185 = vector.broadcast %reduce_max3A_184 : i32 to vector<16xi32>
      %reduce_max3A_186 = arith.xori %select_n3A_181, %reduce_max3A_185 : vector<16xi32>
      %reduce_max3A_187 = tpu.scan <max>, %reduce_max3A_186 masked %reduce_max3A_183 : vector<16xi32>, vector<16xi1> -> vector<16xi32>
      %reduce_max3A_188 = arith.xori %reduce_max3A_187, %reduce_max3A_185 : vector<16xi32>
      %reduce_max3A_189 = vector.extract %reduce_max3A_188[15] : i32 from vector<16xi32>
      %gt3A_190 = arith.constant 4 : i32
      %gt3A_191 = arith.cmpi sgt, %arg1, %gt3A_190 : i32
      %add3A_192 = arith.constant 127 : i32
      %add3A_193 = arith.addi %reduce_max3A_189, %add3A_192 : i32
      %and3A_194 = arith.constant -128 : i32
      %and3A_195 = arith.andi %add3A_193, %and3A_194 : i32
      %jit3A_196 = arith.constant 0 : i32
      %select_n3A_197 = arith.select %gt3A_191, %and3A_195, %jit3A_196 : i32
      %add3A_198 = arith.addi %add3A_157, %select_n3A_197 : i32
      %get3A_199 = arith.constant 5 : i32
      %get3A_200 = arith.index_cast %get3A_199 : i32 to index
      %get3A_201 = arith.constant 0 : index
      %get3A_202 = tpu.vector_load %arg17[%get3A_200, %get3A_201] {strides = array<i32>} : memref<8x128xi32, #tpu.memory_space<vmem>>, vector<16xi32>,
      %eq3A_203 = arith.constant 0 : i32
      %eq3A_204 = vector.broadcast %eq3A_203 : i32 to vector<16xi32>
      %eq3A_205 = arith.cmpi eq, %iota3A, %eq3A_204 : vector<16xi32>
      %jit3A_206 = arith.constant 0 : i32
      %broadcast_in_dim3A_207 = vector.broadcast %jit3A_206 : i32 to vector<16xi32>
      %select_n3A_208 = arith.select %eq3A_205, %get3A_202, %broadcast_in_dim3A_207 : vector<16xi1>, vector<16xi32>
      %reduce_max3A_209 = arith.constant true
      %reduce_max3A_210 = vector.broadcast %reduce_max3A_209 : i1 to vector<16xi1>
      %reduce_max3A_211 = arith.constant -2147483648 : i32
      %reduce_max3A_212 = vector.broadcast %reduce_max3A_211 : i32 to vector<16xi32>
      %reduce_max3A_213 = arith.xori %select_n3A_208, %reduce_max3A_212 : vector<16xi32>
      %reduce_max3A_214 = tpu.scan <max>, %reduce_max3A_213 masked %reduce_max3A_210 : vector<16xi32>, vector<16xi1> -> vector<16xi32>
      %reduce_max3A_215 = arith.xori %reduce_max3A_214, %reduce_max3A_212 : vector<16xi32>
      %reduce_max3A_216 = vector.extract %reduce_max3A_215[15] : i32 from vector<16xi32>
      %eq3A_217 = arith.constant 1 : i32
      %eq3A_218 = vector.broadcast %eq3A_217 : i32 to vector<16xi32>
      %eq3A_219 = arith.cmpi eq, %iota3A, %eq3A_218 : vector<16xi32>
      %jit3A_220 = arith.constant 0 : i32
      %broadcast_in_dim3A_221 = vector.broadcast %jit3A_220 : i32 to vector<16xi32>
      %select_n3A_222 = arith.select %eq3A_219, %get3A_202, %broadcast_in_dim3A_221 : vector<16xi1>, vector<16xi32>
      %reduce_max3A_223 = arith.constant true
      %reduce_max3A_224 = vector.broadcast %reduce_max3A_223 : i1 to vector<16xi1>
      %reduce_max3A_225 = arith.constant -2147483648 : i32
      %reduce_max3A_226 = vector.broadcast %reduce_max3A_225 : i32 to vector<16xi32>
      %reduce_max3A_227 = arith.xori %select_n3A_222, %reduce_max3A_226 : vector<16xi32>
      %reduce_max3A_228 = tpu.scan <max>, %reduce_max3A_227 masked %reduce_max3A_224 : vector<16xi32>, vector<16xi1> -> vector<16xi32>
      %reduce_max3A_229 = arith.xori %reduce_max3A_228, %reduce_max3A_226 : vector<16xi32>
      %reduce_max3A_230 = vector.extract %reduce_max3A_229[15] : i32 from vector<16xi32>
      %gt3A_231 = arith.constant 5 : i32
      %gt3A_232 = arith.cmpi sgt, %arg1, %gt3A_231 : i32
      %add3A_233 = arith.constant 127 : i32
      %add3A_234 = arith.addi %reduce_max3A_230, %add3A_233 : i32
      %and3A_235 = arith.constant -128 : i32
      %and3A_236 = arith.andi %add3A_234, %and3A_235 : i32
      %jit3A_237 = arith.constant 0 : i32
      %select_n3A_238 = arith.select %gt3A_232, %and3A_236, %jit3A_237 : i32
      %add3A_239 = arith.addi %add3A_198, %select_n3A_238 : i32
      %get3A_240 = arith.constant 6 : i32
      %get3A_241 = arith.index_cast %get3A_240 : i32 to index
      %get3A_242 = arith.constant 0 : index
      %get3A_243 = tpu.vector_load %arg17[%get3A_241, %get3A_242] {strides = array<i32>} : memref<8x128xi32, #tpu.memory_space<vmem>>, vector<16xi32>,
      %eq3A_244 = arith.constant 0 : i32
      %eq3A_245 = vector.broadcast %eq3A_244 : i32 to vector<16xi32>
      %eq3A_246 = arith.cmpi eq, %iota3A, %eq3A_245 : vector<16xi32>
      %jit3A_247 = arith.constant 0 : i32
      %broadcast_in_dim3A_248 = vector.broadcast %jit3A_247 : i32 to vector<16xi32>
      %select_n3A_249 = arith.select %eq3A_246, %get3A_243, %broadcast_in_dim3A_248 : vector<16xi1>, vector<16xi32>
      %reduce_max3A_250 = arith.constant true
      %reduce_max3A_251 = vector.broadcast %reduce_max3A_250 : i1 to vector<16xi1>
      %reduce_max3A_252 = arith.constant -2147483648 : i32
      %reduce_max3A_253 = vector.broadcast %reduce_max3A_252 : i32 to vector<16xi32>
      %reduce_max3A_254 = arith.xori %select_n3A_249, %reduce_max3A_253 : vector<16xi32>
      %reduce_max3A_255 = tpu.scan <max>, %reduce_max3A_254 masked %reduce_max3A_251 : vector<16xi32>, vector<16xi1> -> vector<16xi32>
      %reduce_max3A_256 = arith.xori %reduce_max3A_255, %reduce_max3A_253 : vector<16xi32>
      %reduce_max3A_257 = vector.extract %reduce_max3A_256[15] : i32 from vector<16xi32>
      %eq3A_258 = arith.constant 1 : i32
      %eq3A_259 = vector.broadcast %eq3A_258 : i32 to vector<16xi32>
      %eq3A_260 = arith.cmpi eq, %iota3A, %eq3A_259 : vector<16xi32>
      %jit3A_261 = arith.constant 0 : i32
      %broadcast_in_dim3A_262 = vector.broadcast %jit3A_261 : i32 to vector<16xi32>
      %select_n3A_263 = arith.select %eq3A_260, %get3A_243, %broadcast_in_dim3A_262 : vector<16xi1>, vector<16xi32>
      %reduce_max3A_264 = arith.constant true
      %reduce_max3A_265 = vector.broadcast %reduce_max3A_264 : i1 to vector<16xi1>
      %reduce_max3A_266 = arith.constant -2147483648 : i32
      %reduce_max3A_267 = vector.broadcast %reduce_max3A_266 : i32 to vector<16xi32>
      %reduce_max3A_268 = arith.xori %select_n3A_263, %reduce_max3A_267 : vector<16xi32>
      %reduce_max3A_269 = tpu.scan <max>, %reduce_max3A_268 masked %reduce_max3A_265 : vector<16xi32>, vector<16xi1> -> vector<16xi32>
      %reduce_max3A_270 = arith.xori %reduce_max3A_269, %reduce_max3A_267 : vector<16xi32>
      %reduce_max3A_271 = vector.extract %reduce_max3A_270[15] : i32 from vector<16xi32>
      %gt3A_272 = arith.constant 6 : i32
      %gt3A_273 = arith.cmpi sgt, %arg1, %gt3A_272 : i32
      %add3A_274 = arith.constant 127 : i32
      %add3A_275 = arith.addi %reduce_max3A_271, %add3A_274 : i32
      %and3A_276 = arith.constant -128 : i32
      %and3A_277 = arith.andi %add3A_275, %and3A_276 : i32
      %jit3A_278 = arith.constant 0 : i32
      %select_n3A_279 = arith.select %gt3A_273, %and3A_277, %jit3A_278 : i32
      %add3A_280 = arith.addi %add3A_239, %select_n3A_279 : i32
      %get3A_281 = arith.constant 7 : i32
      %get3A_282 = arith.index_cast %get3A_281 : i32 to index
      %get3A_283 = arith.constant 0 : index
      %get3A_284 = tpu.vector_load %arg17[%get3A_282, %get3A_283] {strides = array<i32>} : memref<8x128xi32, #tpu.memory_space<vmem>>, vector<16xi32>,
      %eq3A_285 = arith.constant 0 : i32
      %eq3A_286 = vector.broadcast %eq3A_285 : i32 to vector<16xi32>
      %eq3A_287 = arith.cmpi eq, %iota3A, %eq3A_286 : vector<16xi32>
      %jit3A_288 = arith.constant 0 : i32
      %broadcast_in_dim3A_289 = vector.broadcast %jit3A_288 : i32 to vector<16xi32>
      %select_n3A_290 = arith.select %eq3A_287, %get3A_284, %broadcast_in_dim3A_289 : vector<16xi1>, vector<16xi32>
      %reduce_max3A_291 = arith.constant true
      %reduce_max3A_292 = vector.broadcast %reduce_max3A_291 : i1 to vector<16xi1>
      %reduce_max3A_293 = arith.constant -2147483648 : i32
      %reduce_max3A_294 = vector.broadcast %reduce_max3A_293 : i32 to vector<16xi32>
      %reduce_max3A_295 = arith.xori %select_n3A_290, %reduce_max3A_294 : vector<16xi32>
      %reduce_max3A_296 = tpu.scan <max>, %reduce_max3A_295 masked %reduce_max3A_292 : vector<16xi32>, vector<16xi1> -> vector<16xi32>
      %reduce_max3A_297 = arith.xori %reduce_max3A_296, %reduce_max3A_294 : vector<16xi32>
      %reduce_max3A_298 = vector.extract %reduce_max3A_297[15] : i32 from vector<16xi32>
      %eq3A_299 = arith.constant 1 : i32
      %eq3A_300 = vector.broadcast %eq3A_299 : i32 to vector<16xi32>
      %eq3A_301 = arith.cmpi eq, %iota3A, %eq3A_300 : vector<16xi32>
      %jit3A_302 = arith.constant 0 : i32
      %broadcast_in_dim3A_303 = vector.broadcast %jit3A_302 : i32 to vector<16xi32>
      %select_n3A_304 = arith.select %eq3A_301, %get3A_284, %broadcast_in_dim3A_303 : vector<16xi1>, vector<16xi32>
      %reduce_max3A_305 = arith.constant true
      %reduce_max3A_306 = vector.broadcast %reduce_max3A_305 : i1 to vector<16xi1>
      %reduce_max3A_307 = arith.constant -2147483648 : i32
      %reduce_max3A_308 = vector.broadcast %reduce_max3A_307 : i32 to vector<16xi32>
      %reduce_max3A_309 = arith.xori %select_n3A_304, %reduce_max3A_308 : vector<16xi32>
      %reduce_max3A_310 = tpu.scan <max>, %reduce_max3A_309 masked %reduce_max3A_306 : vector<16xi32>, vector<16xi1> -> vector<16xi32>
      %reduce_max3A_311 = arith.xori %reduce_max3A_310, %reduce_max3A_308 : vector<16xi32>
      %reduce_max3A_312 = vector.extract %reduce_max3A_311[15] : i32 from vector<16xi32>
      %gt3A_313 = arith.constant 7 : i32
      %gt3A_314 = arith.cmpi sgt, %arg1, %gt3A_313 : i32
      %add3A_315 = arith.constant 127 : i32
      %add3A_316 = arith.addi %reduce_max3A_312, %add3A_315 : i32
      %and3A_317 = arith.constant -128 : i32
      %and3A_318 = arith.andi %add3A_316, %and3A_317 : i32
      %jit3A_319 = arith.constant 0 : i32
      %select_n3A_320 = arith.select %gt3A_314, %and3A_318, %jit3A_319 : i32
      %add3A_321 = arith.addi %add3A_280, %select_n3A_320 : i32
      %get3A_322 = arith.index_cast %arg1 : i32 to index
      %get3A_323 = arith.constant 0 : index
      %get3A_324 = tpu.vector_load %arg17[%get3A_322, %get3A_323] {strides = array<i32>} : memref<8x128xi32, #tpu.memory_space<vmem>>, vector<16xi32>,
      %eq3A_325 = arith.constant 0 : i32
      %eq3A_326 = vector.broadcast %eq3A_325 : i32 to vector<16xi32>
      %eq3A_327 = arith.cmpi eq, %iota3A, %eq3A_326 : vector<16xi32>
      %jit3A_328 = arith.constant 0 : i32
      %broadcast_in_dim3A_329 = vector.broadcast %jit3A_328 : i32 to vector<16xi32>
      %select_n3A_330 = arith.select %eq3A_327, %get3A_324, %broadcast_in_dim3A_329 : vector<16xi1>, vector<16xi32>
      %reduce_max3A_331 = arith.constant true
      %reduce_max3A_332 = vector.broadcast %reduce_max3A_331 : i1 to vector<16xi1>
      %reduce_max3A_333 = arith.constant -2147483648 : i32
      %reduce_max3A_334 = vector.broadcast %reduce_max3A_333 : i32 to vector<16xi32>
      %reduce_max3A_335 = arith.xori %select_n3A_330, %reduce_max3A_334 : vector<16xi32>
      %reduce_max3A_336 = tpu.scan <max>, %reduce_max3A_335 masked %reduce_max3A_332 : vector<16xi32>, vector<16xi1> -> vector<16xi32>
      %reduce_max3A_337 = arith.xori %reduce_max3A_336, %reduce_max3A_334 : vector<16xi32>
      %reduce_max3A_338 = vector.extract %reduce_max3A_337[15] : i32 from vector<16xi32>
      %eq3A_339 = arith.constant 1 : i32
      %eq3A_340 = vector.broadcast %eq3A_339 : i32 to vector<16xi32>
      %eq3A_341 = arith.cmpi eq, %iota3A, %eq3A_340 : vector<16xi32>
      %jit3A_342 = arith.constant 0 : i32
      %broadcast_in_dim3A_343 = vector.broadcast %jit3A_342 : i32 to vector<16xi32>
      %select_n3A_344 = arith.select %eq3A_341, %get3A_324, %broadcast_in_dim3A_343 : vector<16xi1>, vector<16xi32>
      %reduce_max3A_345 = arith.constant true
      %reduce_max3A_346 = vector.broadcast %reduce_max3A_345 : i1 to vector<16xi1>
      %reduce_max3A_347 = arith.constant -2147483648 : i32
      %reduce_max3A_348 = vector.broadcast %reduce_max3A_347 : i32 to vector<16xi32>
      %reduce_max3A_349 = arith.xori %select_n3A_344, %reduce_max3A_348 : vector<16xi32>
      %reduce_max3A_350 = tpu.scan <max>, %reduce_max3A_349 masked %reduce_max3A_346 : vector<16xi32>, vector<16xi1> -> vector<16xi32>
      %reduce_max3A_351 = arith.xori %reduce_max3A_350, %reduce_max3A_348 : vector<16xi32>
      %reduce_max3A_352 = vector.extract %reduce_max3A_351[15] : i32 from vector<16xi32>
      %eq3A_353 = arith.constant 0 : i32
      %eq3A_354 = arith.cmpi eq, %arg0, %eq3A_353 : i32
      %sub3A = arith.subi %reduce_max3A_352, %reduce_max3A_338 : i32
      %select_n3A_355 = arith.select %eq3A_354, %reduce_max3A_338, %sub3A : i32
      %eq3A_356 = arith.constant 0 : i32
      %eq3A_357 = arith.cmpi eq, %arg0, %eq3A_356 : i32
      %jit3A_358 = arith.constant 0 : i32
      %select_n3A_359 = arith.select %eq3A_357, %jit3A_358, %reduce_max3A_338 : i32
      %add3A_360 = arith.addi %add3A_321, %select_n3A_359 : i32
      %scan3A = arith.constant 0 : i32
      %scan3A_361 = arith.constant 0 : i32
      %scan3A_362 = arith.constant 17 : i32
      %scan3A_363 = arith.addi %scan3A_361, %scan3A_362 : i32
      %scan3A_364 = arith.constant 1 : i32
      %scan3A_365 = scf.for %scan3A_396 = %scan3A_361 to %scan3A_363 step %scan3A_364 iter_args(%scan3A_397 = %scan3A) -> (i32)  : i32 {
        %add3A_398 = arith.constant 2048 : i32
        %add3A_399 = vector.broadcast %add3A_398 : i32 to vector<16xi32>
        %add3A_400 = arith.addi %add3A_399, %iota3A : vector<16xi32>
        %swap3A = arith.index_cast %scan3A_396 : i32 to index
        %swap3A_401 = arith.constant 0 : index
        %swap3A_402 = tpu.vector_load %arg13[%swap3A, %swap3A_401] {strides = array<i32>} : memref<17x128xi32, #tpu.memory_space<vmem>>, vector<16xi32>,
        tpu.vector_store %arg13[%swap3A, %swap3A_401], %add3A_400 {strides = array<i32>} : memref<17x128xi32, #tpu.memory_space<vmem>>, vector<16xi32>,
        %add3A_403 = arith.constant 2064 : i32
        %add3A_404 = vector.broadcast %add3A_403 : i32 to vector<16xi32>
        %add3A_405 = arith.addi %add3A_404, %iota3A : vector<16xi32>
        %swap3A_406 = arith.index_cast %scan3A_396 : i32 to index
        %swap3A_407 = arith.constant 16 : index
        %swap3A_408 = tpu.vector_load %arg13[%swap3A_406, %swap3A_407] {strides = array<i32>} : memref<17x128xi32, #tpu.memory_space<vmem>>, vector<16xi32>,
        tpu.vector_store %arg13[%swap3A_406, %swap3A_407], %add3A_405 {strides = array<i32>} : memref<17x128xi32, #tpu.memory_space<vmem>>, vector<16xi32>,
        %add3A_409 = arith.constant 2080 : i32
        %add3A_410 = vector.broadcast %add3A_409 : i32 to vector<16xi32>
        %add3A_411 = arith.addi %add3A_410, %iota3A : vector<16xi32>
        %swap3A_412 = arith.index_cast %scan3A_396 : i32 to index
        %swap3A_413 = arith.constant 32 : index
        %swap3A_414 = tpu.vector_load %arg13[%swap3A_412, %swap3A_413] {strides = array<i32>} : memref<17x128xi32, #tpu.memory_space<vmem>>, vector<16xi32>,
        tpu.vector_store %arg13[%swap3A_412, %swap3A_413], %add3A_411 {strides = array<i32>} : memref<17x128xi32, #tpu.memory_space<vmem>>, vector<16xi32>,
        %add3A_415 = arith.constant 2096 : i32
        %add3A_416 = vector.broadcast %add3A_415 : i32 to vector<16xi32>
        %add3A_417 = arith.addi %add3A_416, %iota3A : vector<16xi32>
        %swap3A_418 = arith.index_cast %scan3A_396 : i32 to index
        %swap3A_419 = arith.constant 48 : index
        %swap3A_420 = tpu.vector_load %arg13[%swap3A_418, %swap3A_419] {strides = array<i32>} : memref<17x128xi32, #tpu.memory_space<vmem>>, vector<16xi32>,
        tpu.vector_store %arg13[%swap3A_418, %swap3A_419], %add3A_417 {strides = array<i32>} : memref<17x128xi32, #tpu.memory_space<vmem>>, vector<16xi32>,
        %add3A_421 = arith.constant 2112 : i32
        %add3A_422 = vector.broadcast %add3A_421 : i32 to vector<16xi32>
        %add3A_423 = arith.addi %add3A_422, %iota3A : vector<16xi32>
        %swap3A_424 = arith.index_cast %scan3A_396 : i32 to index
        %swap3A_425 = arith.constant 64 : index
        %swap3A_426 = tpu.vector_load %arg13[%swap3A_424, %swap3A_425] {strides = array<i32>} : memref<17x128xi32, #tpu.memory_space<vmem>>, vector<16xi32>,
        tpu.vector_store %arg13[%swap3A_424, %swap3A_425], %add3A_423 {strides = array<i32>} : memref<17x128xi32, #tpu.memory_space<vmem>>, vector<16xi32>,
        %add3A_427 = arith.constant 2128 : i32
        %add3A_428 = vector.broadcast %add3A_427 : i32 to vector<16xi32>
        %add3A_429 = arith.addi %add3A_428, %iota3A : vector<16xi32>
        %swap3A_430 = arith.index_cast %scan3A_396 : i32 to index
        %swap3A_431 = arith.constant 80 : index
        %swap3A_432 = tpu.vector_load %arg13[%swap3A_430, %swap3A_431] {strides = array<i32>} : memref<17x128xi32, #tpu.memory_space<vmem>>, vector<16xi32>,
        tpu.vector_store %arg13[%swap3A_430, %swap3A_431], %add3A_429 {strides = array<i32>} : memref<17x128xi32, #tpu.memory_space<vmem>>, vector<16xi32>,
        %add3A_433 = arith.constant 2144 : i32
        %add3A_434 = vector.broadcast %add3A_433 : i32 to vector<16xi32>
        %add3A_435 = arith.addi %add3A_434, %iota3A : vector<16xi32>
        %swap3A_436 = arith.index_cast %scan3A_396 : i32 to index
        %swap3A_437 = arith.constant 96 : index
        %swap3A_438 = tpu.vector_load %arg13[%swap3A_436, %swap3A_437] {strides = array<i32>} : memref<17x128xi32, #tpu.memory_space<vmem>>, vector<16xi32>,
        tpu.vector_store %arg13[%swap3A_436, %swap3A_437], %add3A_435 {strides = array<i32>} : memref<17x128xi32, #tpu.memory_space<vmem>>, vector<16xi32>,
        %add3A_439 = arith.constant 2160 : i32
        %add3A_440 = vector.broadcast %add3A_439 : i32 to vector<16xi32>
        %add3A_441 = arith.addi %add3A_440, %iota3A : vector<16xi32>
        %swap3A_442 = arith.index_cast %scan3A_396 : i32 to index
        %swap3A_443 = arith.constant 112 : index
        %swap3A_444 = tpu.vector_load %arg13[%swap3A_442, %swap3A_443] {strides = array<i32>} : memref<17x128xi32, #tpu.memory_space<vmem>>, vector<16xi32>,
        tpu.vector_store %arg13[%swap3A_442, %swap3A_443], %add3A_441 {strides = array<i32>} : memref<17x128xi32, #tpu.memory_space<vmem>>, vector<16xi32>,
        %scan3A_445 = arith.constant 0 : i32
        scf.yield %scan3A_445 : i32
      }
      %scan3A_366 = arith.constant 17 : i32
      %scan3A_367 = arith.constant 0 : i32
      %scan3A_368 = arith.constant 0 : i32
      %scan3A_369 = arith.constant 128 : i32
      %scan3A_370 = arith.addi %scan3A_368, %scan3A_369 : i32
      %scan3A_371 = arith.constant 1 : i32
      %scan3A_372 = scf.for %scan3A_396 = %scan3A_368 to %scan3A_370 step %scan3A_371 iter_args(%scan3A_397 = %scan3A_367) -> (i32)  : i32 {
        %mul3A = arith.constant 16 : i32
        %mul3A_398 = arith.muli %scan3A_396, %mul3A : i32
        %get3A_399 = arith.index_cast %mul3A_398 : i32 to index
        %get3A_400 = tpu.vector_load %arg11[%get3A_399] {strides = array<i32>} : memref<2048xi32, #tpu.memory_space<vmem>>, vector<16xi32>,
        %eq3A_401 = vector.broadcast %arg1 : i32 to vector<16xi32>
        %eq3A_402 = arith.cmpi eq, %get3A_400, %eq3A_401 : vector<16xi32>
        %jit3A_403 = arith.constant 1 : i32
        %jit3A_404 = arith.constant 0 : i32
        %broadcast_in_dim3A_405 = vector.broadcast %jit3A_403 : i32 to vector<16xi32>
        %broadcast_in_dim3A_406 = vector.broadcast %jit3A_404 : i32 to vector<16xi32>
        %select_n3A_407 = arith.select %eq3A_402, %broadcast_in_dim3A_405, %broadcast_in_dim3A_406 : vector<16xi1>, vector<16xi32>
        %broadcast_in_dim3A_408 = arith.constant true
        %broadcast_in_dim3A_409 = vector.broadcast %broadcast_in_dim3A_408 : i1 to vector<16xi1>
        %masked_cumsum3A = tpu.scan <sum>, %select_n3A_407 masked %broadcast_in_dim3A_409 : vector<16xi32>, vector<16xi1> -> vector<16xi32>
        %add3A_410 = vector.broadcast %scan3A_397 : i32 to vector<16xi32>
        %add3A_411 = arith.addi %add3A_410, %masked_cumsum3A : vector<16xi32>
        %sub3A_412 = arith.constant 1 : i32
        %sub3A_413 = vector.broadcast %sub3A_412 : i32 to vector<16xi32>
        %sub3A_414 = arith.subi %add3A_411, %sub3A_413 : vector<16xi32>
        %shift_right_logical3A_415 = arith.constant 7 : i32
        %shift_right_logical3A_416 = vector.broadcast %shift_right_logical3A_415 : i32 to vector<16xi32>
        %shift_right_logical3A_417 = arith.shrui %sub3A_414, %shift_right_logical3A_416 : vector<16xi32>
        %and3A_418 = arith.constant 127 : i32
        %and3A_419 = vector.broadcast %and3A_418 : i32 to vector<16xi32>
        %and3A_420 = arith.andi %sub3A_414, %and3A_419 : vector<16xi32>
        %mul3A_421 = arith.constant 16 : i32
        %mul3A_422 = arith.muli %scan3A_396, %mul3A_421 : i32
        %add3A_423 = vector.broadcast %mul3A_422 : i32 to vector<16xi32>
        %add3A_424 = arith.addi %add3A_423, %iota3A : vector<16xi32>
        tpu.vector_store_idx %arg13[%shift_right_logical3A_417, %and3A_420], %add3A_424 masked %eq3A_402 : memref<17x128xi32, #tpu.memory_space<vmem>>[vector<16xi32>, vector<16xi32>], vector<16xi32>, vector<16xi1>
        %mul3A_425 = arith.constant 16 : i32
        %mul3A_426 = arith.muli %scan3A_396, %mul3A_425 : i32
        %get3A_427 = arith.index_cast %mul3A_426 : i32 to index
        %get3A_428 = tpu.vector_load %arg12[%get3A_427] {strides = array<i32>} : memref<2048xf32, #tpu.memory_space<vmem>>, vector<16xf32>,
        tpu.vector_store_idx %arg14[%shift_right_logical3A_417, %and3A_420], %get3A_428 masked %eq3A_402 : memref<17x128xf32, #tpu.memory_space<vmem>>[vector<16xi32>, vector<16xi32>], vector<16xf32>, vector<16xi1>
        %reduce_max3A_429 = arith.constant true
        %reduce_max3A_430 = vector.broadcast %reduce_max3A_429 : i1 to vector<16xi1>
        %reduce_max3A_431 = arith.constant -2147483648 : i32
        %reduce_max3A_432 = vector.broadcast %reduce_max3A_431 : i32 to vector<16xi32>
        %reduce_max3A_433 = arith.xori %masked_cumsum3A, %reduce_max3A_432 : vector<16xi32>
        %reduce_max3A_434 = tpu.scan <max>, %reduce_max3A_433 masked %reduce_max3A_430 : vector<16xi32>, vector<16xi1> -> vector<16xi32>
        %reduce_max3A_435 = arith.xori %reduce_max3A_434, %reduce_max3A_432 : vector<16xi32>
        %reduce_max3A_436 = vector.extract %reduce_max3A_435[15] : i32 from vector<16xi32>
        %add3A_437 = arith.addi %scan3A_397, %reduce_max3A_436 : i32
        scf.yield %add3A_437 : i32
      }
      %scan3A_373 = arith.constant 128 : i32
      %add3A_374 = arith.constant 127 : i32
      %add3A_375 = arith.addi %select_n3A_355, %add3A_374 : i32
      %shift_right_logical3A = arith.constant 7 : i32
      %shift_right_logical3A_376 = arith.shrui %add3A_375, %shift_right_logical3A : i32
      %while3A = arith.constant 0 : i32
      %while3A_377 = arith.constant 0 : i32
      %while3A_378 = arith.subi %shift_right_logical3A_376, %while3A : i32
      %while3A_379 = arith.addi %while3A, %while3A_378 : i32
      %while3A_380 = arith.constant 1 : i32
      %while3A_381 = arith.divsi %while3A_378, %while3A_380 : i32
      %while3A_382 = arith.muli %while3A_381, %while3A_380 : i32
      %while3A_383 = arith.addi %while3A, %while3A_382 : i32
      %while3A_384 = arith.constant 1 : i32
      %while3A_385 = scf.for %while3A_396 = %while3A to %while3A_383 step %while3A_384 iter_args(%while3A_397 = %while3A_377) -> (i32)  : i32 {
        %mul3A = arith.constant 128 : i32
        %mul3A_398 = arith.muli %while3A_396, %mul3A : i32
        %add3A_399 = arith.constant 0 : i32
        %add3A_400 = arith.addi %mul3A_398, %add3A_399 : i32
        %add3A_401 = vector.broadcast %add3A_400 : i32 to vector<16xi32>
        %add3A_402 = arith.addi %add3A_401, %iota3A : vector<16xi32>
        %lt3A_403 = vector.broadcast %select_n3A_355 : i32 to vector<16xi32>
        %lt3A_404 = arith.cmpi slt, %add3A_402, %lt3A_403 : vector<16xi32>
        %add3A_405 = vector.broadcast %add3A_360 : i32 to vector<16xi32>
        %add3A_406 = arith.addi %add3A_405, %add3A_402 : vector<16xi32>
        %add3A_407 = arith.constant 5120 : i32
        %add3A_408 = vector.broadcast %add3A_407 : i32 to vector<16xi32>
        %add3A_409 = arith.addi %add3A_408, %iota3A : vector<16xi32>
        %select_n3A_410 = arith.select %lt3A_404, %add3A_406, %add3A_409 : vector<16xi1>, vector<16xi32>
        %swap3A = arith.constant 0 : index
        %swap3A_411 = tpu.vector_load %arg15[%swap3A] {strides = array<i32>} : memref<128xi32, #tpu.memory_space<vmem>>, vector<16xi32>,
        tpu.vector_store %arg15[%swap3A], %select_n3A_410 {strides = array<i32>} : memref<128xi32, #tpu.memory_space<vmem>>, vector<16xi32>,
        %get3A_412 = arith.index_cast %while3A_396 : i32 to index
        %get3A_413 = arith.constant 0 : index
        %get3A_414 = tpu.vector_load %arg13[%get3A_412, %get3A_413] {strides = array<i32>} : memref<17x128xi32, #tpu.memory_space<vmem>>, vector<16xi32>,
        %min3A = arith.constant 2047 : i32
        %min3A_415 = vector.broadcast %min3A : i32 to vector<16xi32>
        %min3A_416 = arith.minsi %get3A_414, %min3A_415 : vector<16xi32>
        %swap3A_417 = arith.constant 0 : index
        %swap3A_418 = tpu.vector_load %arg16[%swap3A_417] {strides = array<i32>} : memref<128xi32, #tpu.memory_space<vmem>>, vector<16xi32>,
        tpu.vector_store %arg16[%swap3A_417], %min3A_416 {strides = array<i32>} : memref<128xi32, #tpu.memory_space<vmem>>, vector<16xi32>,
        %mul3A_419 = arith.constant 128 : i32
        %mul3A_420 = arith.muli %while3A_396, %mul3A_419 : i32
        %add3A_421 = arith.constant 16 : i32
        %add3A_422 = arith.addi %mul3A_420, %add3A_421 : i32
        %add3A_423 = vector.broadcast %add3A_422 : i32 to vector<16xi32>
        %add3A_424 = arith.addi %add3A_423, %iota3A : vector<16xi32>
        %lt3A_425 = vector.broadcast %select_n3A_355 : i32 to vector<16xi32>
        %lt3A_426 = arith.cmpi slt, %add3A_424, %lt3A_425 : vector<16xi32>
        %add3A_427 = vector.broadcast %add3A_360 : i32 to vector<16xi32>
        %add3A_428 = arith.addi %add3A_427, %add3A_424 : vector<16xi32>
        %add3A_429 = arith.constant 5136 : i32
        %add3A_430 = vector.broadcast %add3A_429 : i32 to vector<16xi32>
        %add3A_431 = arith.addi %add3A_430, %iota3A : vector<16xi32>
        %select_n3A_432 = arith.select %lt3A_426, %add3A_428, %add3A_431 : vector<16xi1>, vector<16xi32>
        %swap3A_433 = arith.constant 16 : index
        %swap3A_434 = tpu.vector_load %arg15[%swap3A_433] {strides = array<i32>} : memref<128xi32, #tpu.memory_space<vmem>>, vector<16xi32>,
        tpu.vector_store %arg15[%swap3A_433], %select_n3A_432 {strides = array<i32>} : memref<128xi32, #tpu.memory_space<vmem>>, vector<16xi32>,
        %get3A_435 = arith.index_cast %while3A_396 : i32 to index
        %get3A_436 = arith.constant 16 : index
        %get3A_437 = tpu.vector_load %arg13[%get3A_435, %get3A_436] {strides = array<i32>} : memref<17x128xi32, #tpu.memory_space<vmem>>, vector<16xi32>,
        %min3A_438 = arith.constant 2047 : i32
        %min3A_439 = vector.broadcast %min3A_438 : i32 to vector<16xi32>
        %min3A_440 = arith.minsi %get3A_437, %min3A_439 : vector<16xi32>
        %swap3A_441 = arith.constant 16 : index
        %swap3A_442 = tpu.vector_load %arg16[%swap3A_441] {strides = array<i32>} : memref<128xi32, #tpu.memory_space<vmem>>, vector<16xi32>,
        tpu.vector_store %arg16[%swap3A_441], %min3A_440 {strides = array<i32>} : memref<128xi32, #tpu.memory_space<vmem>>, vector<16xi32>,
        %mul3A_443 = arith.constant 128 : i32
        %mul3A_444 = arith.muli %while3A_396, %mul3A_443 : i32
        %add3A_445 = arith.constant 32 : i32
        %add3A_446 = arith.addi %mul3A_444, %add3A_445 : i32
        %add3A_447 = vector.broadcast %add3A_446 : i32 to vector<16xi32>
        %add3A_448 = arith.addi %add3A_447, %iota3A : vector<16xi32>
        %lt3A_449 = vector.broadcast %select_n3A_355 : i32 to vector<16xi32>
        %lt3A_450 = arith.cmpi slt, %add3A_448, %lt3A_449 : vector<16xi32>
        %add3A_451 = vector.broadcast %add3A_360 : i32 to vector<16xi32>
        %add3A_452 = arith.addi %add3A_451, %add3A_448 : vector<16xi32>
        %add3A_453 = arith.constant 5152 : i32
        %add3A_454 = vector.broadcast %add3A_453 : i32 to vector<16xi32>
        %add3A_455 = arith.addi %add3A_454, %iota3A : vector<16xi32>
        %select_n3A_456 = arith.select %lt3A_450, %add3A_452, %add3A_455 : vector<16xi1>, vector<16xi32>
        %swap3A_457 = arith.constant 32 : index
        %swap3A_458 = tpu.vector_load %arg15[%swap3A_457] {strides = array<i32>} : memref<128xi32, #tpu.memory_space<vmem>>, vector<16xi32>,
        tpu.vector_store %arg15[%swap3A_457], %select_n3A_456 {strides = array<i32>} : memref<128xi32, #tpu.memory_space<vmem>>, vector<16xi32>,
        %get3A_459 = arith.index_cast %while3A_396 : i32 to index
        %get3A_460 = arith.constant 32 : index
        %get3A_461 = tpu.vector_load %arg13[%get3A_459, %get3A_460] {strides = array<i32>} : memref<17x128xi32, #tpu.memory_space<vmem>>, vector<16xi32>,
        %min3A_462 = arith.constant 2047 : i32
        %min3A_463 = vector.broadcast %min3A_462 : i32 to vector<16xi32>
        %min3A_464 = arith.minsi %get3A_461, %min3A_463 : vector<16xi32>
        %swap3A_465 = arith.constant 32 : index
        %swap3A_466 = tpu.vector_load %arg16[%swap3A_465] {strides = array<i32>} : memref<128xi32, #tpu.memory_space<vmem>>, vector<16xi32>,
        tpu.vector_store %arg16[%swap3A_465], %min3A_464 {strides = array<i32>} : memref<128xi32, #tpu.memory_space<vmem>>, vector<16xi32>,
        %mul3A_467 = arith.constant 128 : i32
        %mul3A_468 = arith.muli %while3A_396, %mul3A_467 : i32
        %add3A_469 = arith.constant 48 : i32
        %add3A_470 = arith.addi %mul3A_468, %add3A_469 : i32
        %add3A_471 = vector.broadcast %add3A_470 : i32 to vector<16xi32>
        %add3A_472 = arith.addi %add3A_471, %iota3A : vector<16xi32>
        %lt3A_473 = vector.broadcast %select_n3A_355 : i32 to vector<16xi32>
        %lt3A_474 = arith.cmpi slt, %add3A_472, %lt3A_473 : vector<16xi32>
        %add3A_475 = vector.broadcast %add3A_360 : i32 to vector<16xi32>
        %add3A_476 = arith.addi %add3A_475, %add3A_472 : vector<16xi32>
        %add3A_477 = arith.constant 5168 : i32
        %add3A_478 = vector.broadcast %add3A_477 : i32 to vector<16xi32>
        %add3A_479 = arith.addi %add3A_478, %iota3A : vector<16xi32>
        %select_n3A_480 = arith.select %lt3A_474, %add3A_476, %add3A_479 : vector<16xi1>, vector<16xi32>
        %swap3A_481 = arith.constant 48 : index
        %swap3A_482 = tpu.vector_load %arg15[%swap3A_481] {strides = array<i32>} : memref<128xi32, #tpu.memory_space<vmem>>, vector<16xi32>,
        tpu.vector_store %arg15[%swap3A_481], %select_n3A_480 {strides = array<i32>} : memref<128xi32, #tpu.memory_space<vmem>>, vector<16xi32>,
        %get3A_483 = arith.index_cast %while3A_396 : i32 to index
        %get3A_484 = arith.constant 48 : index
        %get3A_485 = tpu.vector_load %arg13[%get3A_483, %get3A_484] {strides = array<i32>} : memref<17x128xi32, #tpu.memory_space<vmem>>, vector<16xi32>,
        %min3A_486 = arith.constant 2047 : i32
        %min3A_487 = vector.broadcast %min3A_486 : i32 to vector<16xi32>
        %min3A_488 = arith.minsi %get3A_485, %min3A_487 : vector<16xi32>
        %swap3A_489 = arith.constant 48 : index
        %swap3A_490 = tpu.vector_load %arg16[%swap3A_489] {strides = array<i32>} : memref<128xi32, #tpu.memory_space<vmem>>, vector<16xi32>,
        tpu.vector_store %arg16[%swap3A_489], %min3A_488 {strides = array<i32>} : memref<128xi32, #tpu.memory_space<vmem>>, vector<16xi32>,
        %mul3A_491 = arith.constant 128 : i32
        %mul3A_492 = arith.muli %while3A_396, %mul3A_491 : i32
        %add3A_493 = arith.constant 64 : i32
        %add3A_494 = arith.addi %mul3A_492, %add3A_493 : i32
        %add3A_495 = vector.broadcast %add3A_494 : i32 to vector<16xi32>
        %add3A_496 = arith.addi %add3A_495, %iota3A : vector<16xi32>
        %lt3A_497 = vector.broadcast %select_n3A_355 : i32 to vector<16xi32>
        %lt3A_498 = arith.cmpi slt, %add3A_496, %lt3A_497 : vector<16xi32>
        %add3A_499 = vector.broadcast %add3A_360 : i32 to vector<16xi32>
        %add3A_500 = arith.addi %add3A_499, %add3A_496 : vector<16xi32>
        %add3A_501 = arith.constant 5184 : i32
        %add3A_502 = vector.broadcast %add3A_501 : i32 to vector<16xi32>
        %add3A_503 = arith.addi %add3A_502, %iota3A : vector<16xi32>
        %select_n3A_504 = arith.select %lt3A_498, %add3A_500, %add3A_503 : vector<16xi1>, vector<16xi32>
        %swap3A_505 = arith.constant 64 : index
        %swap3A_506 = tpu.vector_load %arg15[%swap3A_505] {strides = array<i32>} : memref<128xi32, #tpu.memory_space<vmem>>, vector<16xi32>,
        tpu.vector_store %arg15[%swap3A_505], %select_n3A_504 {strides = array<i32>} : memref<128xi32, #tpu.memory_space<vmem>>, vector<16xi32>,
        %get3A_507 = arith.index_cast %while3A_396 : i32 to index
        %get3A_508 = arith.constant 64 : index
        %get3A_509 = tpu.vector_load %arg13[%get3A_507, %get3A_508] {strides = array<i32>} : memref<17x128xi32, #tpu.memory_space<vmem>>, vector<16xi32>,
        %min3A_510 = arith.constant 2047 : i32
        %min3A_511 = vector.broadcast %min3A_510 : i32 to vector<16xi32>
        %min3A_512 = arith.minsi %get3A_509, %min3A_511 : vector<16xi32>
        %swap3A_513 = arith.constant 64 : index
        %swap3A_514 = tpu.vector_load %arg16[%swap3A_513] {strides = array<i32>} : memref<128xi32, #tpu.memory_space<vmem>>, vector<16xi32>,
        tpu.vector_store %arg16[%swap3A_513], %min3A_512 {strides = array<i32>} : memref<128xi32, #tpu.memory_space<vmem>>, vector<16xi32>,
        %mul3A_515 = arith.constant 128 : i32
        %mul3A_516 = arith.muli %while3A_396, %mul3A_515 : i32
        %add3A_517 = arith.constant 80 : i32
        %add3A_518 = arith.addi %mul3A_516, %add3A_517 : i32
        %add3A_519 = vector.broadcast %add3A_518 : i32 to vector<16xi32>
        %add3A_520 = arith.addi %add3A_519, %iota3A : vector<16xi32>
        %lt3A_521 = vector.broadcast %select_n3A_355 : i32 to vector<16xi32>
        %lt3A_522 = arith.cmpi slt, %add3A_520, %lt3A_521 : vector<16xi32>
        %add3A_523 = vector.broadcast %add3A_360 : i32 to vector<16xi32>
        %add3A_524 = arith.addi %add3A_523, %add3A_520 : vector<16xi32>
        %add3A_525 = arith.constant 5200 : i32
        %add3A_526 = vector.broadcast %add3A_525 : i32 to vector<16xi32>
        %add3A_527 = arith.addi %add3A_526, %iota3A : vector<16xi32>
        %select_n3A_528 = arith.select %lt3A_522, %add3A_524, %add3A_527 : vector<16xi1>, vector<16xi32>
        %swap3A_529 = arith.constant 80 : index
        %swap3A_530 = tpu.vector_load %arg15[%swap3A_529] {strides = array<i32>} : memref<128xi32, #tpu.memory_space<vmem>>, vector<16xi32>,
        tpu.vector_store %arg15[%swap3A_529], %select_n3A_528 {strides = array<i32>} : memref<128xi32, #tpu.memory_space<vmem>>, vector<16xi32>,
        %get3A_531 = arith.index_cast %while3A_396 : i32 to index
        %get3A_532 = arith.constant 80 : index
        %get3A_533 = tpu.vector_load %arg13[%get3A_531, %get3A_532] {strides = array<i32>} : memref<17x128xi32, #tpu.memory_space<vmem>>, vector<16xi32>,
        %min3A_534 = arith.constant 2047 : i32
        %min3A_535 = vector.broadcast %min3A_534 : i32 to vector<16xi32>
        %min3A_536 = arith.minsi %get3A_533, %min3A_535 : vector<16xi32>
        %swap3A_537 = arith.constant 80 : index
        %swap3A_538 = tpu.vector_load %arg16[%swap3A_537] {strides = array<i32>} : memref<128xi32, #tpu.memory_space<vmem>>, vector<16xi32>,
        tpu.vector_store %arg16[%swap3A_537], %min3A_536 {strides = array<i32>} : memref<128xi32, #tpu.memory_space<vmem>>, vector<16xi32>,
        %mul3A_539 = arith.constant 128 : i32
        %mul3A_540 = arith.muli %while3A_396, %mul3A_539 : i32
        %add3A_541 = arith.constant 96 : i32
        %add3A_542 = arith.addi %mul3A_540, %add3A_541 : i32
        %add3A_543 = vector.broadcast %add3A_542 : i32 to vector<16xi32>
        %add3A_544 = arith.addi %add3A_543, %iota3A : vector<16xi32>
        %lt3A_545 = vector.broadcast %select_n3A_355 : i32 to vector<16xi32>
        %lt3A_546 = arith.cmpi slt, %add3A_544, %lt3A_545 : vector<16xi32>
        %add3A_547 = vector.broadcast %add3A_360 : i32 to vector<16xi32>
        %add3A_548 = arith.addi %add3A_547, %add3A_544 : vector<16xi32>
        %add3A_549 = arith.constant 5216 : i32
        %add3A_550 = vector.broadcast %add3A_549 : i32 to vector<16xi32>
        %add3A_551 = arith.addi %add3A_550, %iota3A : vector<16xi32>
        %select_n3A_552 = arith.select %lt3A_546, %add3A_548, %add3A_551 : vector<16xi1>, vector<16xi32>
        %swap3A_553 = arith.constant 96 : index
        %swap3A_554 = tpu.vector_load %arg15[%swap3A_553] {strides = array<i32>} : memref<128xi32, #tpu.memory_space<vmem>>, vector<16xi32>,
        tpu.vector_store %arg15[%swap3A_553], %select_n3A_552 {strides = array<i32>} : memref<128xi32, #tpu.memory_space<vmem>>, vector<16xi32>,
        %get3A_555 = arith.index_cast %while3A_396 : i32 to index
        %get3A_556 = arith.constant 96 : index
        %get3A_557 = tpu.vector_load %arg13[%get3A_555, %get3A_556] {strides = array<i32>} : memref<17x128xi32, #tpu.memory_space<vmem>>, vector<16xi32>,
        %min3A_558 = arith.constant 2047 : i32
        %min3A_559 = vector.broadcast %min3A_558 : i32 to vector<16xi32>
        %min3A_560 = arith.minsi %get3A_557, %min3A_559 : vector<16xi32>
        %swap3A_561 = arith.constant 96 : index
        %swap3A_562 = tpu.vector_load %arg16[%swap3A_561] {strides = array<i32>} : memref<128xi32, #tpu.memory_space<vmem>>, vector<16xi32>,
        tpu.vector_store %arg16[%swap3A_561], %min3A_560 {strides = array<i32>} : memref<128xi32, #tpu.memory_space<vmem>>, vector<16xi32>,
        %mul3A_563 = arith.constant 128 : i32
        %mul3A_564 = arith.muli %while3A_396, %mul3A_563 : i32
        %add3A_565 = arith.constant 112 : i32
        %add3A_566 = arith.addi %mul3A_564, %add3A_565 : i32
        %add3A_567 = vector.broadcast %add3A_566 : i32 to vector<16xi32>
        %add3A_568 = arith.addi %add3A_567, %iota3A : vector<16xi32>
        %lt3A_569 = vector.broadcast %select_n3A_355 : i32 to vector<16xi32>
        %lt3A_570 = arith.cmpi slt, %add3A_568, %lt3A_569 : vector<16xi32>
        %add3A_571 = vector.broadcast %add3A_360 : i32 to vector<16xi32>
        %add3A_572 = arith.addi %add3A_571, %add3A_568 : vector<16xi32>
        %add3A_573 = arith.constant 5232 : i32
        %add3A_574 = vector.broadcast %add3A_573 : i32 to vector<16xi32>
        %add3A_575 = arith.addi %add3A_574, %iota3A : vector<16xi32>
        %select_n3A_576 = arith.select %lt3A_570, %add3A_572, %add3A_575 : vector<16xi1>, vector<16xi32>
        %swap3A_577 = arith.constant 112 : index
        %swap3A_578 = tpu.vector_load %arg15[%swap3A_577] {strides = array<i32>} : memref<128xi32, #tpu.memory_space<vmem>>, vector<16xi32>,
        tpu.vector_store %arg15[%swap3A_577], %select_n3A_576 {strides = array<i32>} : memref<128xi32, #tpu.memory_space<vmem>>, vector<16xi32>,
        %get3A_579 = arith.index_cast %while3A_396 : i32 to index
        %get3A_580 = arith.constant 112 : index
        %get3A_581 = tpu.vector_load %arg13[%get3A_579, %get3A_580] {strides = array<i32>} : memref<17x128xi32, #tpu.memory_space<vmem>>, vector<16xi32>,
        %min3A_582 = arith.constant 2047 : i32
        %min3A_583 = vector.broadcast %min3A_582 : i32 to vector<16xi32>
        %min3A_584 = arith.minsi %get3A_581, %min3A_583 : vector<16xi32>
        %swap3A_585 = arith.constant 112 : index
        %swap3A_586 = tpu.vector_load %arg16[%swap3A_585] {strides = array<i32>} : memref<128xi32, #tpu.memory_space<vmem>>, vector<16xi32>,
        tpu.vector_store %arg16[%swap3A_585], %min3A_584 {strides = array<i32>} : memref<128xi32, #tpu.memory_space<vmem>>, vector<16xi32>,
        %dma_start3A = arith.constant 0 : i32
        %dma_start3A_587 = arith.constant 0 : i32
        %dma_start3A_588 = tpu.memref_slice %arg5[%dma_start3A, %dma_start3A_587] : memref<2048x768xf32, #tpu.memory_space<hbm>> -> memref<2048x768xf32, #tpu.memory_space<hbm>>
        tpu.enqueue_indirect_dma source(%dma_start3A_588 : memref<2048x768xf32, #tpu.memory_space<hbm>>) target(%arg18 : memref<128x768xf32, #tpu.memory_space<vmem>>) offsets(%arg16 : memref<128xi32, #tpu.memory_space<vmem>>) semaphore(%arg20 : memref<!tpu.dma_semaphore, #tpu.memory_space<semaphore_mem>>)
        %dma_start3A_589 = arith.constant 0 : i32
        %dma_start3A_590 = tpu.memref_slice %arg14[%while3A_396, %dma_start3A_589] : memref<17x128xf32, #tpu.memory_space<vmem>> -> memref<1x128xf32, #tpu.memory_space<vmem>>
        %dma_start3A_591 = tpu.memref_squeeze %dma_start3A_590 : memref<1x128xf32, #tpu.memory_space<vmem>> -> memref<128xf32, #tpu.memory_space<vmem>>
        %dma_start3A_592 = arith.constant 0 : i32
        %dma_start3A_593 = tpu.memref_slice %arg7[%dma_start3A_592] : memref<5248xf32, #tpu.memory_space<hbm>> -> memref<5248xf32, #tpu.memory_space<hbm>>
        tpu.enqueue_indirect_dma source(%dma_start3A_591 : memref<128xf32, #tpu.memory_space<vmem>>) target(%dma_start3A_593 : memref<5248xf32, #tpu.memory_space<hbm>>) offsets(%arg15 : memref<128xi32, #tpu.memory_space<vmem>>) semaphore(%arg21 : memref<!tpu.dma_semaphore, #tpu.memory_space<semaphore_mem>>)
        %eq3A_594 = arith.constant 0 : i32
        %eq3A_595 = arith.cmpi eq, %arg0, %eq3A_594 : i32
        %convert_element_type3A_596 = arith.extui %eq3A_595 : i1 to i32
        %cond3A_597 = arith.constant 0 : i32
        %cond3A_598 = arith.cmpi ne, %convert_element_type3A_596, %cond3A_597 : i32
        scf.if %cond3A_598 {
          %dma_start3A_618 = arith.constant 0 : i32
          %dma_start3A_619 = tpu.memref_slice %arg13[%while3A_396, %dma_start3A_618] : memref<17x128xi32, #tpu.memory_space<vmem>> -> memref<1x128xi32, #tpu.memory_space<vmem>>
          %dma_start3A_620 = tpu.memref_squeeze %dma_start3A_619 : memref<1x128xi32, #tpu.memory_space<vmem>> -> memref<128xi32, #tpu.memory_space<vmem>>
          %dma_start3A_621 = arith.constant 0 : i32
          %dma_start3A_622 = tpu.memref_slice %arg9[%dma_start3A_621] : memref<2176xi32, #tpu.memory_space<hbm>> -> memref<2176xi32, #tpu.memory_space<hbm>>
          tpu.enqueue_indirect_dma source(%arg15 : memref<128xi32, #tpu.memory_space<vmem>>) target(%dma_start3A_622 : memref<2176xi32, #tpu.memory_space<hbm>>) offsets(%dma_start3A_620 : memref<128xi32, #tpu.memory_space<vmem>>) semaphore(%arg21 : memref<!tpu.dma_semaphore, #tpu.memory_space<semaphore_mem>>)
          %dma_wait3A_623 = arith.constant 0 : i32
          %dma_wait3A_624 = tpu.memref_slice %arg13[%while3A_396, %dma_wait3A_623] : memref<17x128xi32, #tpu.memory_space<vmem>> -> memref<1x128xi32, #tpu.memory_space<vmem>>
          %dma_wait3A_625 = tpu.memref_squeeze %dma_wait3A_624 : memref<1x128xi32, #tpu.memory_space<vmem>> -> memref<128xi32, #tpu.memory_space<vmem>>
          %dma_wait3A_626 = arith.constant 0 : i32
          %dma_wait3A_627 = tpu.memref_slice %arg9[%dma_wait3A_626] : memref<2176xi32, #tpu.memory_space<hbm>> -> memref<2176xi32, #tpu.memory_space<hbm>>
          tpu.wait_indirect_dma semaphore(%arg21 : memref<!tpu.dma_semaphore, #tpu.memory_space<semaphore_mem>>) src(%arg15 : memref<128xi32, #tpu.memory_space<vmem>>) dst(%dma_wait3A_627 : memref<2176xi32, #tpu.memory_space<hbm>>)
        } else {
        }
        %eq3A_599 = arith.constant 1 : i32
        %eq3A_600 = arith.cmpi eq, %arg0, %eq3A_599 : i32
        %convert_element_type3A_601 = arith.extui %eq3A_600 : i1 to i32
        %cond3A_602 = arith.constant 0 : i32
        %cond3A_603 = arith.cmpi ne, %convert_element_type3A_601, %cond3A_602 : i32
        scf.if %cond3A_603 {
          %dma_start3A_618 = arith.constant 0 : i32
          %dma_start3A_619 = tpu.memref_slice %arg13[%while3A_396, %dma_start3A_618] : memref<17x128xi32, #tpu.memory_space<vmem>> -> memref<1x128xi32, #tpu.memory_space<vmem>>
          %dma_start3A_620 = tpu.memref_squeeze %dma_start3A_619 : memref<1x128xi32, #tpu.memory_space<vmem>> -> memref<128xi32, #tpu.memory_space<vmem>>
          %dma_start3A_621 = arith.constant 0 : i32
          %dma_start3A_622 = tpu.memref_slice %arg10[%dma_start3A_621] : memref<2176xi32, #tpu.memory_space<hbm>> -> memref<2176xi32, #tpu.memory_space<hbm>>
          tpu.enqueue_indirect_dma source(%arg15 : memref<128xi32, #tpu.memory_space<vmem>>) target(%dma_start3A_622 : memref<2176xi32, #tpu.memory_space<hbm>>) offsets(%dma_start3A_620 : memref<128xi32, #tpu.memory_space<vmem>>) semaphore(%arg21 : memref<!tpu.dma_semaphore, #tpu.memory_space<semaphore_mem>>)
          %dma_wait3A_623 = arith.constant 0 : i32
          %dma_wait3A_624 = tpu.memref_slice %arg13[%while3A_396, %dma_wait3A_623] : memref<17x128xi32, #tpu.memory_space<vmem>> -> memref<1x128xi32, #tpu.memory_space<vmem>>
          %dma_wait3A_625 = tpu.memref_squeeze %dma_wait3A_624 : memref<1x128xi32, #tpu.memory_space<vmem>> -> memref<128xi32, #tpu.memory_space<vmem>>
          %dma_wait3A_626 = arith.constant 0 : i32
          %dma_wait3A_627 = tpu.memref_slice %arg10[%dma_wait3A_626] : memref<2176xi32, #tpu.memory_space<hbm>> -> memref<2176xi32, #tpu.memory_space<hbm>>
          tpu.wait_indirect_dma semaphore(%arg21 : memref<!tpu.dma_semaphore, #tpu.memory_space<semaphore_mem>>) src(%arg15 : memref<128xi32, #tpu.memory_space<vmem>>) dst(%dma_wait3A_627 : memref<2176xi32, #tpu.memory_space<hbm>>)
        } else {
        }
        %dma_wait3A = arith.constant 0 : i32
        %dma_wait3A_604 = arith.constant 0 : i32
        %dma_wait3A_605 = tpu.memref_slice %arg5[%dma_wait3A, %dma_wait3A_604] : memref<2048x768xf32, #tpu.memory_space<hbm>> -> memref<2048x768xf32, #tpu.memory_space<hbm>>
        tpu.wait_indirect_dma semaphore(%arg20 : memref<!tpu.dma_semaphore, #tpu.memory_space<semaphore_mem>>) src(%dma_wait3A_605 : memref<2048x768xf32, #tpu.memory_space<hbm>>) dst(%arg18 : memref<128x768xf32, #tpu.memory_space<vmem>>)
        %dma_wait3A_606 = arith.constant 0 : i32
        %dma_wait3A_607 = tpu.memref_slice %arg14[%while3A_396, %dma_wait3A_606] : memref<17x128xf32, #tpu.memory_space<vmem>> -> memref<1x128xf32, #tpu.memory_space<vmem>>
        %dma_wait3A_608 = tpu.memref_squeeze %dma_wait3A_607 : memref<1x128xf32, #tpu.memory_space<vmem>> -> memref<128xf32, #tpu.memory_space<vmem>>
        %dma_wait3A_609 = arith.constant 0 : i32
        %dma_wait3A_610 = tpu.memref_slice %arg7[%dma_wait3A_609] : memref<5248xf32, #tpu.memory_space<hbm>> -> memref<5248xf32, #tpu.memory_space<hbm>>
        tpu.wait_indirect_dma semaphore(%arg21 : memref<!tpu.dma_semaphore, #tpu.memory_space<semaphore_mem>>) src(%dma_wait3A_608 : memref<128xf32, #tpu.memory_space<vmem>>) dst(%dma_wait3A_610 : memref<5248xf32, #tpu.memory_space<hbm>>)
        %dma_start3A_611 = arith.constant 0 : i32
        %dma_start3A_612 = arith.constant 0 : i32
        %dma_start3A_613 = tpu.memref_slice %arg6[%dma_start3A_611, %dma_start3A_612] : memref<5248x768xf32, #tpu.memory_space<hbm>> -> memref<5248x768xf32, #tpu.memory_space<hbm>>
        tpu.enqueue_indirect_dma source(%arg18 : memref<128x768xf32, #tpu.memory_space<vmem>>) target(%dma_start3A_613 : memref<5248x768xf32, #tpu.memory_space<hbm>>) offsets(%arg15 : memref<128xi32, #tpu.memory_space<vmem>>) semaphore(%arg20 : memref<!tpu.dma_semaphore, #tpu.memory_space<semaphore_mem>>)
        %dma_wait3A_614 = arith.constant 0 : i32
        %dma_wait3A_615 = arith.constant 0 : i32
        %dma_wait3A_616 = tpu.memref_slice %arg6[%dma_wait3A_614, %dma_wait3A_615] : memref<5248x768xf32, #tpu.memory_space<hbm>> -> memref<5248x768xf32, #tpu.memory_space<hbm>>
        tpu.wait_indirect_dma semaphore(%arg20 : memref<!tpu.dma_semaphore, #tpu.memory_space<semaphore_mem>>) src(%arg18 : memref<128x768xf32, #tpu.memory_space<vmem>>) dst(%dma_wait3A_616 : memref<5248x768xf32, #tpu.memory_space<hbm>>)
        %while3A_617 = arith.constant 0 : i32
        scf.yield %while3A_617 : i32
      }
      %while3A_386 = arith.constant 1 : i32
      %while3A_387 = scf.for %while3A_396 = %while3A_383 to %while3A_379 step %while3A_386 iter_args(%while3A_397 = %while3A_385) -> (i32)  : i32 {
        %mul3A = arith.constant 128 : i32
        %mul3A_398 = arith.muli %while3A_396, %mul3A : i32
        %add3A_399 = arith.constant 0 : i32
        %add3A_400 = arith.addi %mul3A_398, %add3A_399 : i32
        %add3A_401 = vector.broadcast %add3A_400 : i32 to vector<16xi32>
        %add3A_402 = arith.addi %add3A_401, %iota3A : vector<16xi32>
        %lt3A_403 = vector.broadcast %select_n3A_355 : i32 to vector<16xi32>
        %lt3A_404 = arith.cmpi slt, %add3A_402, %lt3A_403 : vector<16xi32>
        %add3A_405 = vector.broadcast %add3A_360 : i32 to vector<16xi32>
        %add3A_406 = arith.addi %add3A_405, %add3A_402 : vector<16xi32>
        %add3A_407 = arith.constant 5120 : i32
        %add3A_408 = vector.broadcast %add3A_407 : i32 to vector<16xi32>
        %add3A_409 = arith.addi %add3A_408, %iota3A : vector<16xi32>
        %select_n3A_410 = arith.select %lt3A_404, %add3A_406, %add3A_409 : vector<16xi1>, vector<16xi32>
        %swap3A = arith.constant 0 : index
        %swap3A_411 = tpu.vector_load %arg15[%swap3A] {strides = array<i32>} : memref<128xi32, #tpu.memory_space<vmem>>, vector<16xi32>,
        tpu.vector_store %arg15[%swap3A], %select_n3A_410 {strides = array<i32>} : memref<128xi32, #tpu.memory_space<vmem>>, vector<16xi32>,
        %get3A_412 = arith.index_cast %while3A_396 : i32 to index
        %get3A_413 = arith.constant 0 : index
        %get3A_414 = tpu.vector_load %arg13[%get3A_412, %get3A_413] {strides = array<i32>} : memref<17x128xi32, #tpu.memory_space<vmem>>, vector<16xi32>,
        %min3A = arith.constant 2047 : i32
        %min3A_415 = vector.broadcast %min3A : i32 to vector<16xi32>
        %min3A_416 = arith.minsi %get3A_414, %min3A_415 : vector<16xi32>
        %swap3A_417 = arith.constant 0 : index
        %swap3A_418 = tpu.vector_load %arg16[%swap3A_417] {strides = array<i32>} : memref<128xi32, #tpu.memory_space<vmem>>, vector<16xi32>,
        tpu.vector_store %arg16[%swap3A_417], %min3A_416 {strides = array<i32>} : memref<128xi32, #tpu.memory_space<vmem>>, vector<16xi32>,
        %mul3A_419 = arith.constant 128 : i32
        %mul3A_420 = arith.muli %while3A_396, %mul3A_419 : i32
        %add3A_421 = arith.constant 16 : i32
        %add3A_422 = arith.addi %mul3A_420, %add3A_421 : i32
        %add3A_423 = vector.broadcast %add3A_422 : i32 to vector<16xi32>
        %add3A_424 = arith.addi %add3A_423, %iota3A : vector<16xi32>
        %lt3A_425 = vector.broadcast %select_n3A_355 : i32 to vector<16xi32>
        %lt3A_426 = arith.cmpi slt, %add3A_424, %lt3A_425 : vector<16xi32>
        %add3A_427 = vector.broadcast %add3A_360 : i32 to vector<16xi32>
        %add3A_428 = arith.addi %add3A_427, %add3A_424 : vector<16xi32>
        %add3A_429 = arith.constant 5136 : i32
        %add3A_430 = vector.broadcast %add3A_429 : i32 to vector<16xi32>
        %add3A_431 = arith.addi %add3A_430, %iota3A : vector<16xi32>
        %select_n3A_432 = arith.select %lt3A_426, %add3A_428, %add3A_431 : vector<16xi1>, vector<16xi32>
        %swap3A_433 = arith.constant 16 : index
        %swap3A_434 = tpu.vector_load %arg15[%swap3A_433] {strides = array<i32>} : memref<128xi32, #tpu.memory_space<vmem>>, vector<16xi32>,
        tpu.vector_store %arg15[%swap3A_433], %select_n3A_432 {strides = array<i32>} : memref<128xi32, #tpu.memory_space<vmem>>, vector<16xi32>,
        %get3A_435 = arith.index_cast %while3A_396 : i32 to index
        %get3A_436 = arith.constant 16 : index
        %get3A_437 = tpu.vector_load %arg13[%get3A_435, %get3A_436] {strides = array<i32>} : memref<17x128xi32, #tpu.memory_space<vmem>>, vector<16xi32>,
        %min3A_438 = arith.constant 2047 : i32
        %min3A_439 = vector.broadcast %min3A_438 : i32 to vector<16xi32>
        %min3A_440 = arith.minsi %get3A_437, %min3A_439 : vector<16xi32>
        %swap3A_441 = arith.constant 16 : index
        %swap3A_442 = tpu.vector_load %arg16[%swap3A_441] {strides = array<i32>} : memref<128xi32, #tpu.memory_space<vmem>>, vector<16xi32>,
        tpu.vector_store %arg16[%swap3A_441], %min3A_440 {strides = array<i32>} : memref<128xi32, #tpu.memory_space<vmem>>, vector<16xi32>,
        %mul3A_443 = arith.constant 128 : i32
        %mul3A_444 = arith.muli %while3A_396, %mul3A_443 : i32
        %add3A_445 = arith.constant 32 : i32
        %add3A_446 = arith.addi %mul3A_444, %add3A_445 : i32
        %add3A_447 = vector.broadcast %add3A_446 : i32 to vector<16xi32>
        %add3A_448 = arith.addi %add3A_447, %iota3A : vector<16xi32>
        %lt3A_449 = vector.broadcast %select_n3A_355 : i32 to vector<16xi32>
        %lt3A_450 = arith.cmpi slt, %add3A_448, %lt3A_449 : vector<16xi32>
        %add3A_451 = vector.broadcast %add3A_360 : i32 to vector<16xi32>
        %add3A_452 = arith.addi %add3A_451, %add3A_448 : vector<16xi32>
        %add3A_453 = arith.constant 5152 : i32
        %add3A_454 = vector.broadcast %add3A_453 : i32 to vector<16xi32>
        %add3A_455 = arith.addi %add3A_454, %iota3A : vector<16xi32>
        %select_n3A_456 = arith.select %lt3A_450, %add3A_452, %add3A_455 : vector<16xi1>, vector<16xi32>
        %swap3A_457 = arith.constant 32 : index
        %swap3A_458 = tpu.vector_load %arg15[%swap3A_457] {strides = array<i32>} : memref<128xi32, #tpu.memory_space<vmem>>, vector<16xi32>,
        tpu.vector_store %arg15[%swap3A_457], %select_n3A_456 {strides = array<i32>} : memref<128xi32, #tpu.memory_space<vmem>>, vector<16xi32>,
        %get3A_459 = arith.index_cast %while3A_396 : i32 to index
        %get3A_460 = arith.constant 32 : index
        %get3A_461 = tpu.vector_load %arg13[%get3A_459, %get3A_460] {strides = array<i32>} : memref<17x128xi32, #tpu.memory_space<vmem>>, vector<16xi32>,
        %min3A_462 = arith.constant 2047 : i32
        %min3A_463 = vector.broadcast %min3A_462 : i32 to vector<16xi32>
        %min3A_464 = arith.minsi %get3A_461, %min3A_463 : vector<16xi32>
        %swap3A_465 = arith.constant 32 : index
        %swap3A_466 = tpu.vector_load %arg16[%swap3A_465] {strides = array<i32>} : memref<128xi32, #tpu.memory_space<vmem>>, vector<16xi32>,
        tpu.vector_store %arg16[%swap3A_465], %min3A_464 {strides = array<i32>} : memref<128xi32, #tpu.memory_space<vmem>>, vector<16xi32>,
        %mul3A_467 = arith.constant 128 : i32
        %mul3A_468 = arith.muli %while3A_396, %mul3A_467 : i32
        %add3A_469 = arith.constant 48 : i32
        %add3A_470 = arith.addi %mul3A_468, %add3A_469 : i32
        %add3A_471 = vector.broadcast %add3A_470 : i32 to vector<16xi32>
        %add3A_472 = arith.addi %add3A_471, %iota3A : vector<16xi32>
        %lt3A_473 = vector.broadcast %select_n3A_355 : i32 to vector<16xi32>
        %lt3A_474 = arith.cmpi slt, %add3A_472, %lt3A_473 : vector<16xi32>
        %add3A_475 = vector.broadcast %add3A_360 : i32 to vector<16xi32>
        %add3A_476 = arith.addi %add3A_475, %add3A_472 : vector<16xi32>
        %add3A_477 = arith.constant 5168 : i32
        %add3A_478 = vector.broadcast %add3A_477 : i32 to vector<16xi32>
        %add3A_479 = arith.addi %add3A_478, %iota3A : vector<16xi32>
        %select_n3A_480 = arith.select %lt3A_474, %add3A_476, %add3A_479 : vector<16xi1>, vector<16xi32>
        %swap3A_481 = arith.constant 48 : index
        %swap3A_482 = tpu.vector_load %arg15[%swap3A_481] {strides = array<i32>} : memref<128xi32, #tpu.memory_space<vmem>>, vector<16xi32>,
        tpu.vector_store %arg15[%swap3A_481], %select_n3A_480 {strides = array<i32>} : memref<128xi32, #tpu.memory_space<vmem>>, vector<16xi32>,
        %get3A_483 = arith.index_cast %while3A_396 : i32 to index
        %get3A_484 = arith.constant 48 : index
        %get3A_485 = tpu.vector_load %arg13[%get3A_483, %get3A_484] {strides = array<i32>} : memref<17x128xi32, #tpu.memory_space<vmem>>, vector<16xi32>,
        %min3A_486 = arith.constant 2047 : i32
        %min3A_487 = vector.broadcast %min3A_486 : i32 to vector<16xi32>
        %min3A_488 = arith.minsi %get3A_485, %min3A_487 : vector<16xi32>
        %swap3A_489 = arith.constant 48 : index
        %swap3A_490 = tpu.vector_load %arg16[%swap3A_489] {strides = array<i32>} : memref<128xi32, #tpu.memory_space<vmem>>, vector<16xi32>,
        tpu.vector_store %arg16[%swap3A_489], %min3A_488 {strides = array<i32>} : memref<128xi32, #tpu.memory_space<vmem>>, vector<16xi32>,
        %mul3A_491 = arith.constant 128 : i32
        %mul3A_492 = arith.muli %while3A_396, %mul3A_491 : i32
        %add3A_493 = arith.constant 64 : i32
        %add3A_494 = arith.addi %mul3A_492, %add3A_493 : i32
        %add3A_495 = vector.broadcast %add3A_494 : i32 to vector<16xi32>
        %add3A_496 = arith.addi %add3A_495, %iota3A : vector<16xi32>
        %lt3A_497 = vector.broadcast %select_n3A_355 : i32 to vector<16xi32>
        %lt3A_498 = arith.cmpi slt, %add3A_496, %lt3A_497 : vector<16xi32>
        %add3A_499 = vector.broadcast %add3A_360 : i32 to vector<16xi32>
        %add3A_500 = arith.addi %add3A_499, %add3A_496 : vector<16xi32>
        %add3A_501 = arith.constant 5184 : i32
        %add3A_502 = vector.broadcast %add3A_501 : i32 to vector<16xi32>
        %add3A_503 = arith.addi %add3A_502, %iota3A : vector<16xi32>
        %select_n3A_504 = arith.select %lt3A_498, %add3A_500, %add3A_503 : vector<16xi1>, vector<16xi32>
        %swap3A_505 = arith.constant 64 : index
        %swap3A_506 = tpu.vector_load %arg15[%swap3A_505] {strides = array<i32>} : memref<128xi32, #tpu.memory_space<vmem>>, vector<16xi32>,
        tpu.vector_store %arg15[%swap3A_505], %select_n3A_504 {strides = array<i32>} : memref<128xi32, #tpu.memory_space<vmem>>, vector<16xi32>,
        %get3A_507 = arith.index_cast %while3A_396 : i32 to index
        %get3A_508 = arith.constant 64 : index
        %get3A_509 = tpu.vector_load %arg13[%get3A_507, %get3A_508] {strides = array<i32>} : memref<17x128xi32, #tpu.memory_space<vmem>>, vector<16xi32>,
        %min3A_510 = arith.constant 2047 : i32
        %min3A_511 = vector.broadcast %min3A_510 : i32 to vector<16xi32>
        %min3A_512 = arith.minsi %get3A_509, %min3A_511 : vector<16xi32>
        %swap3A_513 = arith.constant 64 : index
        %swap3A_514 = tpu.vector_load %arg16[%swap3A_513] {strides = array<i32>} : memref<128xi32, #tpu.memory_space<vmem>>, vector<16xi32>,
        tpu.vector_store %arg16[%swap3A_513], %min3A_512 {strides = array<i32>} : memref<128xi32, #tpu.memory_space<vmem>>, vector<16xi32>,
        %mul3A_515 = arith.constant 128 : i32
        %mul3A_516 = arith.muli %while3A_396, %mul3A_515 : i32
        %add3A_517 = arith.constant 80 : i32
        %add3A_518 = arith.addi %mul3A_516, %add3A_517 : i32
        %add3A_519 = vector.broadcast %add3A_518 : i32 to vector<16xi32>
        %add3A_520 = arith.addi %add3A_519, %iota3A : vector<16xi32>
        %lt3A_521 = vector.broadcast %select_n3A_355 : i32 to vector<16xi32>
        %lt3A_522 = arith.cmpi slt, %add3A_520, %lt3A_521 : vector<16xi32>
        %add3A_523 = vector.broadcast %add3A_360 : i32 to vector<16xi32>
        %add3A_524 = arith.addi %add3A_523, %add3A_520 : vector<16xi32>
        %add3A_525 = arith.constant 5200 : i32
        %add3A_526 = vector.broadcast %add3A_525 : i32 to vector<16xi32>
        %add3A_527 = arith.addi %add3A_526, %iota3A : vector<16xi32>
        %select_n3A_528 = arith.select %lt3A_522, %add3A_524, %add3A_527 : vector<16xi1>, vector<16xi32>
        %swap3A_529 = arith.constant 80 : index
        %swap3A_530 = tpu.vector_load %arg15[%swap3A_529] {strides = array<i32>} : memref<128xi32, #tpu.memory_space<vmem>>, vector<16xi32>,
        tpu.vector_store %arg15[%swap3A_529], %select_n3A_528 {strides = array<i32>} : memref<128xi32, #tpu.memory_space<vmem>>, vector<16xi32>,
        %get3A_531 = arith.index_cast %while3A_396 : i32 to index
        %get3A_532 = arith.constant 80 : index
        %get3A_533 = tpu.vector_load %arg13[%get3A_531, %get3A_532] {strides = array<i32>} : memref<17x128xi32, #tpu.memory_space<vmem>>, vector<16xi32>,
        %min3A_534 = arith.constant 2047 : i32
        %min3A_535 = vector.broadcast %min3A_534 : i32 to vector<16xi32>
        %min3A_536 = arith.minsi %get3A_533, %min3A_535 : vector<16xi32>
        %swap3A_537 = arith.constant 80 : index
        %swap3A_538 = tpu.vector_load %arg16[%swap3A_537] {strides = array<i32>} : memref<128xi32, #tpu.memory_space<vmem>>, vector<16xi32>,
        tpu.vector_store %arg16[%swap3A_537], %min3A_536 {strides = array<i32>} : memref<128xi32, #tpu.memory_space<vmem>>, vector<16xi32>,
        %mul3A_539 = arith.constant 128 : i32
        %mul3A_540 = arith.muli %while3A_396, %mul3A_539 : i32
        %add3A_541 = arith.constant 96 : i32
        %add3A_542 = arith.addi %mul3A_540, %add3A_541 : i32
        %add3A_543 = vector.broadcast %add3A_542 : i32 to vector<16xi32>
        %add3A_544 = arith.addi %add3A_543, %iota3A : vector<16xi32>
        %lt3A_545 = vector.broadcast %select_n3A_355 : i32 to vector<16xi32>
        %lt3A_546 = arith.cmpi slt, %add3A_544, %lt3A_545 : vector<16xi32>
        %add3A_547 = vector.broadcast %add3A_360 : i32 to vector<16xi32>
        %add3A_548 = arith.addi %add3A_547, %add3A_544 : vector<16xi32>
        %add3A_549 = arith.constant 5216 : i32
        %add3A_550 = vector.broadcast %add3A_549 : i32 to vector<16xi32>
        %add3A_551 = arith.addi %add3A_550, %iota3A : vector<16xi32>
        %select_n3A_552 = arith.select %lt3A_546, %add3A_548, %add3A_551 : vector<16xi1>, vector<16xi32>
        %swap3A_553 = arith.constant 96 : index
        %swap3A_554 = tpu.vector_load %arg15[%swap3A_553] {strides = array<i32>} : memref<128xi32, #tpu.memory_space<vmem>>, vector<16xi32>,
        tpu.vector_store %arg15[%swap3A_553], %select_n3A_552 {strides = array<i32>} : memref<128xi32, #tpu.memory_space<vmem>>, vector<16xi32>,
        %get3A_555 = arith.index_cast %while3A_396 : i32 to index
        %get3A_556 = arith.constant 96 : index
        %get3A_557 = tpu.vector_load %arg13[%get3A_555, %get3A_556] {strides = array<i32>} : memref<17x128xi32, #tpu.memory_space<vmem>>, vector<16xi32>,
        %min3A_558 = arith.constant 2047 : i32
        %min3A_559 = vector.broadcast %min3A_558 : i32 to vector<16xi32>
        %min3A_560 = arith.minsi %get3A_557, %min3A_559 : vector<16xi32>
        %swap3A_561 = arith.constant 96 : index
        %swap3A_562 = tpu.vector_load %arg16[%swap3A_561] {strides = array<i32>} : memref<128xi32, #tpu.memory_space<vmem>>, vector<16xi32>,
        tpu.vector_store %arg16[%swap3A_561], %min3A_560 {strides = array<i32>} : memref<128xi32, #tpu.memory_space<vmem>>, vector<16xi32>,
        %mul3A_563 = arith.constant 128 : i32
        %mul3A_564 = arith.muli %while3A_396, %mul3A_563 : i32
        %add3A_565 = arith.constant 112 : i32
        %add3A_566 = arith.addi %mul3A_564, %add3A_565 : i32
        %add3A_567 = vector.broadcast %add3A_566 : i32 to vector<16xi32>
        %add3A_568 = arith.addi %add3A_567, %iota3A : vector<16xi32>
        %lt3A_569 = vector.broadcast %select_n3A_355 : i32 to vector<16xi32>
        %lt3A_570 = arith.cmpi slt, %add3A_568, %lt3A_569 : vector<16xi32>
        %add3A_571 = vector.broadcast %add3A_360 : i32 to vector<16xi32>
        %add3A_572 = arith.addi %add3A_571, %add3A_568 : vector<16xi32>
        %add3A_573 = arith.constant 5232 : i32
        %add3A_574 = vector.broadcast %add3A_573 : i32 to vector<16xi32>
        %add3A_575 = arith.addi %add3A_574, %iota3A : vector<16xi32>
        %select_n3A_576 = arith.select %lt3A_570, %add3A_572, %add3A_575 : vector<16xi1>, vector<16xi32>
        %swap3A_577 = arith.constant 112 : index
        %swap3A_578 = tpu.vector_load %arg15[%swap3A_577] {strides = array<i32>} : memref<128xi32, #tpu.memory_space<vmem>>, vector<16xi32>,
        tpu.vector_store %arg15[%swap3A_577], %select_n3A_576 {strides = array<i32>} : memref<128xi32, #tpu.memory_space<vmem>>, vector<16xi32>,
        %get3A_579 = arith.index_cast %while3A_396 : i32 to index
        %get3A_580 = arith.constant 112 : index
        %get3A_581 = tpu.vector_load %arg13[%get3A_579, %get3A_580] {strides = array<i32>} : memref<17x128xi32, #tpu.memory_space<vmem>>, vector<16xi32>,
        %min3A_582 = arith.constant 2047 : i32
        %min3A_583 = vector.broadcast %min3A_582 : i32 to vector<16xi32>
        %min3A_584 = arith.minsi %get3A_581, %min3A_583 : vector<16xi32>
        %swap3A_585 = arith.constant 112 : index
        %swap3A_586 = tpu.vector_load %arg16[%swap3A_585] {strides = array<i32>} : memref<128xi32, #tpu.memory_space<vmem>>, vector<16xi32>,
        tpu.vector_store %arg16[%swap3A_585], %min3A_584 {strides = array<i32>} : memref<128xi32, #tpu.memory_space<vmem>>, vector<16xi32>,
        %dma_start3A = arith.constant 0 : i32
        %dma_start3A_587 = arith.constant 0 : i32
        %dma_start3A_588 = tpu.memref_slice %arg5[%dma_start3A, %dma_start3A_587] : memref<2048x768xf32, #tpu.memory_space<hbm>> -> memref<2048x768xf32, #tpu.memory_space<hbm>>
        tpu.enqueue_indirect_dma source(%dma_start3A_588 : memref<2048x768xf32, #tpu.memory_space<hbm>>) target(%arg18 : memref<128x768xf32, #tpu.memory_space<vmem>>) offsets(%arg16 : memref<128xi32, #tpu.memory_space<vmem>>) semaphore(%arg20 : memref<!tpu.dma_semaphore, #tpu.memory_space<semaphore_mem>>)
        %dma_start3A_589 = arith.constant 0 : i32
        %dma_start3A_590 = tpu.memref_slice %arg14[%while3A_396, %dma_start3A_589] : memref<17x128xf32, #tpu.memory_space<vmem>> -> memref<1x128xf32, #tpu.memory_space<vmem>>
        %dma_start3A_591 = tpu.memref_squeeze %dma_start3A_590 : memref<1x128xf32, #tpu.memory_space<vmem>> -> memref<128xf32, #tpu.memory_space<vmem>>
        %dma_start3A_592 = arith.constant 0 : i32
        %dma_start3A_593 = tpu.memref_slice %arg7[%dma_start3A_592] : memref<5248xf32, #tpu.memory_space<hbm>> -> memref<5248xf32, #tpu.memory_space<hbm>>
        tpu.enqueue_indirect_dma source(%dma_start3A_591 : memref<128xf32, #tpu.memory_space<vmem>>) target(%dma_start3A_593 : memref<5248xf32, #tpu.memory_space<hbm>>) offsets(%arg15 : memref<128xi32, #tpu.memory_space<vmem>>) semaphore(%arg21 : memref<!tpu.dma_semaphore, #tpu.memory_space<semaphore_mem>>)
        %eq3A_594 = arith.constant 0 : i32
        %eq3A_595 = arith.cmpi eq, %arg0, %eq3A_594 : i32
        %convert_element_type3A_596 = arith.extui %eq3A_595 : i1 to i32
        %cond3A_597 = arith.constant 0 : i32
        %cond3A_598 = arith.cmpi ne, %convert_element_type3A_596, %cond3A_597 : i32
        scf.if %cond3A_598 {
          %dma_start3A_618 = arith.constant 0 : i32
          %dma_start3A_619 = tpu.memref_slice %arg13[%while3A_396, %dma_start3A_618] : memref<17x128xi32, #tpu.memory_space<vmem>> -> memref<1x128xi32, #tpu.memory_space<vmem>>
          %dma_start3A_620 = tpu.memref_squeeze %dma_start3A_619 : memref<1x128xi32, #tpu.memory_space<vmem>> -> memref<128xi32, #tpu.memory_space<vmem>>
          %dma_start3A_621 = arith.constant 0 : i32
          %dma_start3A_622 = tpu.memref_slice %arg9[%dma_start3A_621] : memref<2176xi32, #tpu.memory_space<hbm>> -> memref<2176xi32, #tpu.memory_space<hbm>>
          tpu.enqueue_indirect_dma source(%arg15 : memref<128xi32, #tpu.memory_space<vmem>>) target(%dma_start3A_622 : memref<2176xi32, #tpu.memory_space<hbm>>) offsets(%dma_start3A_620 : memref<128xi32, #tpu.memory_space<vmem>>) semaphore(%arg21 : memref<!tpu.dma_semaphore, #tpu.memory_space<semaphore_mem>>)
          %dma_wait3A_623 = arith.constant 0 : i32
          %dma_wait3A_624 = tpu.memref_slice %arg13[%while3A_396, %dma_wait3A_623] : memref<17x128xi32, #tpu.memory_space<vmem>> -> memref<1x128xi32, #tpu.memory_space<vmem>>
          %dma_wait3A_625 = tpu.memref_squeeze %dma_wait3A_624 : memref<1x128xi32, #tpu.memory_space<vmem>> -> memref<128xi32, #tpu.memory_space<vmem>>
          %dma_wait3A_626 = arith.constant 0 : i32
          %dma_wait3A_627 = tpu.memref_slice %arg9[%dma_wait3A_626] : memref<2176xi32, #tpu.memory_space<hbm>> -> memref<2176xi32, #tpu.memory_space<hbm>>
          tpu.wait_indirect_dma semaphore(%arg21 : memref<!tpu.dma_semaphore, #tpu.memory_space<semaphore_mem>>) src(%arg15 : memref<128xi32, #tpu.memory_space<vmem>>) dst(%dma_wait3A_627 : memref<2176xi32, #tpu.memory_space<hbm>>)
        } else {
        }
        %eq3A_599 = arith.constant 1 : i32
        %eq3A_600 = arith.cmpi eq, %arg0, %eq3A_599 : i32
        %convert_element_type3A_601 = arith.extui %eq3A_600 : i1 to i32
        %cond3A_602 = arith.constant 0 : i32
        %cond3A_603 = arith.cmpi ne, %convert_element_type3A_601, %cond3A_602 : i32
        scf.if %cond3A_603 {
          %dma_start3A_618 = arith.constant 0 : i32
          %dma_start3A_619 = tpu.memref_slice %arg13[%while3A_396, %dma_start3A_618] : memref<17x128xi32, #tpu.memory_space<vmem>> -> memref<1x128xi32, #tpu.memory_space<vmem>>
          %dma_start3A_620 = tpu.memref_squeeze %dma_start3A_619 : memref<1x128xi32, #tpu.memory_space<vmem>> -> memref<128xi32, #tpu.memory_space<vmem>>
          %dma_start3A_621 = arith.constant 0 : i32
          %dma_start3A_622 = tpu.memref_slice %arg10[%dma_start3A_621] : memref<2176xi32, #tpu.memory_space<hbm>> -> memref<2176xi32, #tpu.memory_space<hbm>>
          tpu.enqueue_indirect_dma source(%arg15 : memref<128xi32, #tpu.memory_space<vmem>>) target(%dma_start3A_622 : memref<2176xi32, #tpu.memory_space<hbm>>) offsets(%dma_start3A_620 : memref<128xi32, #tpu.memory_space<vmem>>) semaphore(%arg21 : memref<!tpu.dma_semaphore, #tpu.memory_space<semaphore_mem>>)
          %dma_wait3A_623 = arith.constant 0 : i32
          %dma_wait3A_624 = tpu.memref_slice %arg13[%while3A_396, %dma_wait3A_623] : memref<17x128xi32, #tpu.memory_space<vmem>> -> memref<1x128xi32, #tpu.memory_space<vmem>>
          %dma_wait3A_625 = tpu.memref_squeeze %dma_wait3A_624 : memref<1x128xi32, #tpu.memory_space<vmem>> -> memref<128xi32, #tpu.memory_space<vmem>>
          %dma_wait3A_626 = arith.constant 0 : i32
          %dma_wait3A_627 = tpu.memref_slice %arg10[%dma_wait3A_626] : memref<2176xi32, #tpu.memory_space<hbm>> -> memref<2176xi32, #tpu.memory_space<hbm>>
          tpu.wait_indirect_dma semaphore(%arg21 : memref<!tpu.dma_semaphore, #tpu.memory_space<semaphore_mem>>) src(%arg15 : memref<128xi32, #tpu.memory_space<vmem>>) dst(%dma_wait3A_627 : memref<2176xi32, #tpu.memory_space<hbm>>)
        } else {
        }
        %dma_wait3A = arith.constant 0 : i32
        %dma_wait3A_604 = arith.constant 0 : i32
        %dma_wait3A_605 = tpu.memref_slice %arg5[%dma_wait3A, %dma_wait3A_604] : memref<2048x768xf32, #tpu.memory_space<hbm>> -> memref<2048x768xf32, #tpu.memory_space<hbm>>
        tpu.wait_indirect_dma semaphore(%arg20 : memref<!tpu.dma_semaphore, #tpu.memory_space<semaphore_mem>>) src(%dma_wait3A_605 : memref<2048x768xf32, #tpu.memory_space<hbm>>) dst(%arg18 : memref<128x768xf32, #tpu.memory_space<vmem>>)
        %dma_wait3A_606 = arith.constant 0 : i32
        %dma_wait3A_607 = tpu.memref_slice %arg14[%while3A_396, %dma_wait3A_606] : memref<17x128xf32, #tpu.memory_space<vmem>> -> memref<1x128xf32, #tpu.memory_space<vmem>>
        %dma_wait3A_608 = tpu.memref_squeeze %dma_wait3A_607 : memref<1x128xf32, #tpu.memory_space<vmem>> -> memref<128xf32, #tpu.memory_space<vmem>>
        %dma_wait3A_609 = arith.constant 0 : i32
        %dma_wait3A_610 = tpu.memref_slice %arg7[%dma_wait3A_609] : memref<5248xf32, #tpu.memory_space<hbm>> -> memref<5248xf32, #tpu.memory_space<hbm>>
        tpu.wait_indirect_dma semaphore(%arg21 : memref<!tpu.dma_semaphore, #tpu.memory_space<semaphore_mem>>) src(%dma_wait3A_608 : memref<128xf32, #tpu.memory_space<vmem>>) dst(%dma_wait3A_610 : memref<5248xf32, #tpu.memory_space<hbm>>)
        %dma_start3A_611 = arith.constant 0 : i32
        %dma_start3A_612 = arith.constant 0 : i32
        %dma_start3A_613 = tpu.memref_slice %arg6[%dma_start3A_611, %dma_start3A_612] : memref<5248x768xf32, #tpu.memory_space<hbm>> -> memref<5248x768xf32, #tpu.memory_space<hbm>>
        tpu.enqueue_indirect_dma source(%arg18 : memref<128x768xf32, #tpu.memory_space<vmem>>) target(%dma_start3A_613 : memref<5248x768xf32, #tpu.memory_space<hbm>>) offsets(%arg15 : memref<128xi32, #tpu.memory_space<vmem>>) semaphore(%arg20 : memref<!tpu.dma_semaphore, #tpu.memory_space<semaphore_mem>>)
        %dma_wait3A_614 = arith.constant 0 : i32
        %dma_wait3A_615 = arith.constant 0 : i32
        %dma_wait3A_616 = tpu.memref_slice %arg6[%dma_wait3A_614, %dma_wait3A_615] : memref<5248x768xf32, #tpu.memory_space<hbm>> -> memref<5248x768xf32, #tpu.memory_space<hbm>>
        tpu.wait_indirect_dma semaphore(%arg20 : memref<!tpu.dma_semaphore, #tpu.memory_space<semaphore_mem>>) src(%arg18 : memref<128x768xf32, #tpu.memory_space<vmem>>) dst(%dma_wait3A_616 : memref<5248x768xf32, #tpu.memory_space<hbm>>)
        %while3A_617 = arith.constant 0 : i32
        scf.yield %while3A_617 : i32
      }
      %eq3A_388 = arith.constant 0 : i32
      %eq3A_389 = arith.cmpi eq, %arg0, %eq3A_388 : i32
      %eq3A_390 = arith.constant 0 : i32
      %eq3A_391 = arith.cmpi eq, %arg1, %eq3A_390 : i32
      %and3A_392 = arith.andi %eq3A_389, %eq3A_391 : i1
      %convert_element_type3A_393 = arith.extui %and3A_392 : i1 to i32
      %cond3A_394 = arith.constant 0 : i32
      %cond3A_395 = arith.cmpi ne, %convert_element_type3A_393, %cond3A_394 : i32
      scf.if %cond3A_395 {
        %get3A_396 = arith.constant 0 : i32
        %get3A_397 = arith.index_cast %get3A_396 : i32 to index
        %get3A_398 = arith.constant 0 : index
        %get3A_399 = tpu.vector_load %arg17[%get3A_397, %get3A_398] {strides = array<i32>} : memref<8x128xi32, #tpu.memory_space<vmem>>, vector<16xi32>,
        %eq3A_400 = arith.constant 0 : i32
        %eq3A_401 = vector.broadcast %eq3A_400 : i32 to vector<16xi32>
        %eq3A_402 = arith.cmpi eq, %iota3A, %eq3A_401 : vector<16xi32>
        %jit3A_403 = arith.constant 0 : i32
        %broadcast_in_dim3A_404 = vector.broadcast %jit3A_403 : i32 to vector<16xi32>
        %select_n3A_405 = arith.select %eq3A_402, %get3A_399, %broadcast_in_dim3A_404 : vector<16xi1>, vector<16xi32>
        %reduce_max3A_406 = arith.constant true
        %reduce_max3A_407 = vector.broadcast %reduce_max3A_406 : i1 to vector<16xi1>
        %reduce_max3A_408 = arith.constant -2147483648 : i32
        %reduce_max3A_409 = vector.broadcast %reduce_max3A_408 : i32 to vector<16xi32>
        %reduce_max3A_410 = arith.xori %select_n3A_405, %reduce_max3A_409 : vector<16xi32>
        %reduce_max3A_411 = tpu.scan <max>, %reduce_max3A_410 masked %reduce_max3A_407 : vector<16xi32>, vector<16xi1> -> vector<16xi32>
        %reduce_max3A_412 = arith.xori %reduce_max3A_411, %reduce_max3A_409 : vector<16xi32>
        %reduce_max3A_413 = vector.extract %reduce_max3A_412[15] : i32 from vector<16xi32>
        %eq3A_414 = arith.constant 1 : i32
        %eq3A_415 = vector.broadcast %eq3A_414 : i32 to vector<16xi32>
        %eq3A_416 = arith.cmpi eq, %iota3A, %eq3A_415 : vector<16xi32>
        %jit3A_417 = arith.constant 0 : i32
        %broadcast_in_dim3A_418 = vector.broadcast %jit3A_417 : i32 to vector<16xi32>
        %select_n3A_419 = arith.select %eq3A_416, %get3A_399, %broadcast_in_dim3A_418 : vector<16xi1>, vector<16xi32>
        %reduce_max3A_420 = arith.constant true
        %reduce_max3A_421 = vector.broadcast %reduce_max3A_420 : i1 to vector<16xi1>
        %reduce_max3A_422 = arith.constant -2147483648 : i32
        %reduce_max3A_423 = vector.broadcast %reduce_max3A_422 : i32 to vector<16xi32>
        %reduce_max3A_424 = arith.xori %select_n3A_419, %reduce_max3A_423 : vector<16xi32>
        %reduce_max3A_425 = tpu.scan <max>, %reduce_max3A_424 masked %reduce_max3A_421 : vector<16xi32>, vector<16xi1> -> vector<16xi32>
        %reduce_max3A_426 = arith.xori %reduce_max3A_425, %reduce_max3A_423 : vector<16xi32>
        %reduce_max3A_427 = vector.extract %reduce_max3A_426[15] : i32 from vector<16xi32>
        %add3A_428 = arith.constant 127 : i32
        %add3A_429 = arith.addi %reduce_max3A_427, %add3A_428 : i32
        %and3A_430 = arith.constant -128 : i32
        %and3A_431 = arith.andi %add3A_429, %and3A_430 : i32
        %shift_right_logical3A_432 = arith.constant 7 : i32
        %shift_right_logical3A_433 = arith.shrui %and3A_431, %shift_right_logical3A_432 : i32
        %add3A_434 = arith.constant 0 : i32
        %add3A_435 = arith.addi %add3A_434, %shift_right_logical3A_433 : i32
        %get3A_436 = arith.constant 1 : i32
        %get3A_437 = arith.index_cast %get3A_436 : i32 to index
        %get3A_438 = arith.constant 0 : index
        %get3A_439 = tpu.vector_load %arg17[%get3A_437, %get3A_438] {strides = array<i32>} : memref<8x128xi32, #tpu.memory_space<vmem>>, vector<16xi32>,
        %eq3A_440 = arith.constant 0 : i32
        %eq3A_441 = vector.broadcast %eq3A_440 : i32 to vector<16xi32>
        %eq3A_442 = arith.cmpi eq, %iota3A, %eq3A_441 : vector<16xi32>
        %jit3A_443 = arith.constant 0 : i32
        %broadcast_in_dim3A_444 = vector.broadcast %jit3A_443 : i32 to vector<16xi32>
        %select_n3A_445 = arith.select %eq3A_442, %get3A_439, %broadcast_in_dim3A_444 : vector<16xi1>, vector<16xi32>
        %reduce_max3A_446 = arith.constant true
        %reduce_max3A_447 = vector.broadcast %reduce_max3A_446 : i1 to vector<16xi1>
        %reduce_max3A_448 = arith.constant -2147483648 : i32
        %reduce_max3A_449 = vector.broadcast %reduce_max3A_448 : i32 to vector<16xi32>
        %reduce_max3A_450 = arith.xori %select_n3A_445, %reduce_max3A_449 : vector<16xi32>
        %reduce_max3A_451 = tpu.scan <max>, %reduce_max3A_450 masked %reduce_max3A_447 : vector<16xi32>, vector<16xi1> -> vector<16xi32>
        %reduce_max3A_452 = arith.xori %reduce_max3A_451, %reduce_max3A_449 : vector<16xi32>
        %reduce_max3A_453 = vector.extract %reduce_max3A_452[15] : i32 from vector<16xi32>
        %eq3A_454 = arith.constant 1 : i32
        %eq3A_455 = vector.broadcast %eq3A_454 : i32 to vector<16xi32>
        %eq3A_456 = arith.cmpi eq, %iota3A, %eq3A_455 : vector<16xi32>
        %jit3A_457 = arith.constant 0 : i32
        %broadcast_in_dim3A_458 = vector.broadcast %jit3A_457 : i32 to vector<16xi32>
        %select_n3A_459 = arith.select %eq3A_456, %get3A_439, %broadcast_in_dim3A_458 : vector<16xi1>, vector<16xi32>
        %reduce_max3A_460 = arith.constant true
        %reduce_max3A_461 = vector.broadcast %reduce_max3A_460 : i1 to vector<16xi1>
        %reduce_max3A_462 = arith.constant -2147483648 : i32
        %reduce_max3A_463 = vector.broadcast %reduce_max3A_462 : i32 to vector<16xi32>
        %reduce_max3A_464 = arith.xori %select_n3A_459, %reduce_max3A_463 : vector<16xi32>
        %reduce_max3A_465 = tpu.scan <max>, %reduce_max3A_464 masked %reduce_max3A_461 : vector<16xi32>, vector<16xi1> -> vector<16xi32>
        %reduce_max3A_466 = arith.xori %reduce_max3A_465, %reduce_max3A_463 : vector<16xi32>
        %reduce_max3A_467 = vector.extract %reduce_max3A_466[15] : i32 from vector<16xi32>
        %add3A_468 = arith.constant 127 : i32
        %add3A_469 = arith.addi %reduce_max3A_467, %add3A_468 : i32
        %and3A_470 = arith.constant -128 : i32
        %and3A_471 = arith.andi %add3A_469, %and3A_470 : i32
        %shift_right_logical3A_472 = arith.constant 7 : i32
        %shift_right_logical3A_473 = arith.shrui %and3A_471, %shift_right_logical3A_472 : i32
        %add3A_474 = arith.addi %add3A_435, %shift_right_logical3A_473 : i32
        %get3A_475 = arith.constant 2 : i32
        %get3A_476 = arith.index_cast %get3A_475 : i32 to index
        %get3A_477 = arith.constant 0 : index
        %get3A_478 = tpu.vector_load %arg17[%get3A_476, %get3A_477] {strides = array<i32>} : memref<8x128xi32, #tpu.memory_space<vmem>>, vector<16xi32>,
        %eq3A_479 = arith.constant 0 : i32
        %eq3A_480 = vector.broadcast %eq3A_479 : i32 to vector<16xi32>
        %eq3A_481 = arith.cmpi eq, %iota3A, %eq3A_480 : vector<16xi32>
        %jit3A_482 = arith.constant 0 : i32
        %broadcast_in_dim3A_483 = vector.broadcast %jit3A_482 : i32 to vector<16xi32>
        %select_n3A_484 = arith.select %eq3A_481, %get3A_478, %broadcast_in_dim3A_483 : vector<16xi1>, vector<16xi32>
        %reduce_max3A_485 = arith.constant true
        %reduce_max3A_486 = vector.broadcast %reduce_max3A_485 : i1 to vector<16xi1>
        %reduce_max3A_487 = arith.constant -2147483648 : i32
        %reduce_max3A_488 = vector.broadcast %reduce_max3A_487 : i32 to vector<16xi32>
        %reduce_max3A_489 = arith.xori %select_n3A_484, %reduce_max3A_488 : vector<16xi32>
        %reduce_max3A_490 = tpu.scan <max>, %reduce_max3A_489 masked %reduce_max3A_486 : vector<16xi32>, vector<16xi1> -> vector<16xi32>
        %reduce_max3A_491 = arith.xori %reduce_max3A_490, %reduce_max3A_488 : vector<16xi32>
        %reduce_max3A_492 = vector.extract %reduce_max3A_491[15] : i32 from vector<16xi32>
        %eq3A_493 = arith.constant 1 : i32
        %eq3A_494 = vector.broadcast %eq3A_493 : i32 to vector<16xi32>
        %eq3A_495 = arith.cmpi eq, %iota3A, %eq3A_494 : vector<16xi32>
        %jit3A_496 = arith.constant 0 : i32
        %broadcast_in_dim3A_497 = vector.broadcast %jit3A_496 : i32 to vector<16xi32>
        %select_n3A_498 = arith.select %eq3A_495, %get3A_478, %broadcast_in_dim3A_497 : vector<16xi1>, vector<16xi32>
        %reduce_max3A_499 = arith.constant true
        %reduce_max3A_500 = vector.broadcast %reduce_max3A_499 : i1 to vector<16xi1>
        %reduce_max3A_501 = arith.constant -2147483648 : i32
        %reduce_max3A_502 = vector.broadcast %reduce_max3A_501 : i32 to vector<16xi32>
        %reduce_max3A_503 = arith.xori %select_n3A_498, %reduce_max3A_502 : vector<16xi32>
        %reduce_max3A_504 = tpu.scan <max>, %reduce_max3A_503 masked %reduce_max3A_500 : vector<16xi32>, vector<16xi1> -> vector<16xi32>
        %reduce_max3A_505 = arith.xori %reduce_max3A_504, %reduce_max3A_502 : vector<16xi32>
        %reduce_max3A_506 = vector.extract %reduce_max3A_505[15] : i32 from vector<16xi32>
        %add3A_507 = arith.constant 127 : i32
        %add3A_508 = arith.addi %reduce_max3A_506, %add3A_507 : i32
        %and3A_509 = arith.constant -128 : i32
        %and3A_510 = arith.andi %add3A_508, %and3A_509 : i32
        %shift_right_logical3A_511 = arith.constant 7 : i32
        %shift_right_logical3A_512 = arith.shrui %and3A_510, %shift_right_logical3A_511 : i32
        %add3A_513 = arith.addi %add3A_474, %shift_right_logical3A_512 : i32
        %get3A_514 = arith.constant 3 : i32
        %get3A_515 = arith.index_cast %get3A_514 : i32 to index
        %get3A_516 = arith.constant 0 : index
        %get3A_517 = tpu.vector_load %arg17[%get3A_515, %get3A_516] {strides = array<i32>} : memref<8x128xi32, #tpu.memory_space<vmem>>, vector<16xi32>,
        %eq3A_518 = arith.constant 0 : i32
        %eq3A_519 = vector.broadcast %eq3A_518 : i32 to vector<16xi32>
        %eq3A_520 = arith.cmpi eq, %iota3A, %eq3A_519 : vector<16xi32>
        %jit3A_521 = arith.constant 0 : i32
        %broadcast_in_dim3A_522 = vector.broadcast %jit3A_521 : i32 to vector<16xi32>
        %select_n3A_523 = arith.select %eq3A_520, %get3A_517, %broadcast_in_dim3A_522 : vector<16xi1>, vector<16xi32>
        %reduce_max3A_524 = arith.constant true
        %reduce_max3A_525 = vector.broadcast %reduce_max3A_524 : i1 to vector<16xi1>
        %reduce_max3A_526 = arith.constant -2147483648 : i32
        %reduce_max3A_527 = vector.broadcast %reduce_max3A_526 : i32 to vector<16xi32>
        %reduce_max3A_528 = arith.xori %select_n3A_523, %reduce_max3A_527 : vector<16xi32>
        %reduce_max3A_529 = tpu.scan <max>, %reduce_max3A_528 masked %reduce_max3A_525 : vector<16xi32>, vector<16xi1> -> vector<16xi32>
        %reduce_max3A_530 = arith.xori %reduce_max3A_529, %reduce_max3A_527 : vector<16xi32>
        %reduce_max3A_531 = vector.extract %reduce_max3A_530[15] : i32 from vector<16xi32>
        %eq3A_532 = arith.constant 1 : i32
        %eq3A_533 = vector.broadcast %eq3A_532 : i32 to vector<16xi32>
        %eq3A_534 = arith.cmpi eq, %iota3A, %eq3A_533 : vector<16xi32>
        %jit3A_535 = arith.constant 0 : i32
        %broadcast_in_dim3A_536 = vector.broadcast %jit3A_535 : i32 to vector<16xi32>
        %select_n3A_537 = arith.select %eq3A_534, %get3A_517, %broadcast_in_dim3A_536 : vector<16xi1>, vector<16xi32>
        %reduce_max3A_538 = arith.constant true
        %reduce_max3A_539 = vector.broadcast %reduce_max3A_538 : i1 to vector<16xi1>
        %reduce_max3A_540 = arith.constant -2147483648 : i32
        %reduce_max3A_541 = vector.broadcast %reduce_max3A_540 : i32 to vector<16xi32>
        %reduce_max3A_542 = arith.xori %select_n3A_537, %reduce_max3A_541 : vector<16xi32>
        %reduce_max3A_543 = tpu.scan <max>, %reduce_max3A_542 masked %reduce_max3A_539 : vector<16xi32>, vector<16xi1> -> vector<16xi32>
        %reduce_max3A_544 = arith.xori %reduce_max3A_543, %reduce_max3A_541 : vector<16xi32>
        %reduce_max3A_545 = vector.extract %reduce_max3A_544[15] : i32 from vector<16xi32>
        %add3A_546 = arith.constant 127 : i32
        %add3A_547 = arith.addi %reduce_max3A_545, %add3A_546 : i32
        %and3A_548 = arith.constant -128 : i32
        %and3A_549 = arith.andi %add3A_547, %and3A_548 : i32
        %shift_right_logical3A_550 = arith.constant 7 : i32
        %shift_right_logical3A_551 = arith.shrui %and3A_549, %shift_right_logical3A_550 : i32
        %add3A_552 = arith.addi %add3A_513, %shift_right_logical3A_551 : i32
        %get3A_553 = arith.constant 4 : i32
        %get3A_554 = arith.index_cast %get3A_553 : i32 to index
        %get3A_555 = arith.constant 0 : index
        %get3A_556 = tpu.vector_load %arg17[%get3A_554, %get3A_555] {strides = array<i32>} : memref<8x128xi32, #tpu.memory_space<vmem>>, vector<16xi32>,
        %eq3A_557 = arith.constant 0 : i32
        %eq3A_558 = vector.broadcast %eq3A_557 : i32 to vector<16xi32>
        %eq3A_559 = arith.cmpi eq, %iota3A, %eq3A_558 : vector<16xi32>
        %jit3A_560 = arith.constant 0 : i32
        %broadcast_in_dim3A_561 = vector.broadcast %jit3A_560 : i32 to vector<16xi32>
        %select_n3A_562 = arith.select %eq3A_559, %get3A_556, %broadcast_in_dim3A_561 : vector<16xi1>, vector<16xi32>
        %reduce_max3A_563 = arith.constant true
        %reduce_max3A_564 = vector.broadcast %reduce_max3A_563 : i1 to vector<16xi1>
        %reduce_max3A_565 = arith.constant -2147483648 : i32
        %reduce_max3A_566 = vector.broadcast %reduce_max3A_565 : i32 to vector<16xi32>
        %reduce_max3A_567 = arith.xori %select_n3A_562, %reduce_max3A_566 : vector<16xi32>
        %reduce_max3A_568 = tpu.scan <max>, %reduce_max3A_567 masked %reduce_max3A_564 : vector<16xi32>, vector<16xi1> -> vector<16xi32>
        %reduce_max3A_569 = arith.xori %reduce_max3A_568, %reduce_max3A_566 : vector<16xi32>
        %reduce_max3A_570 = vector.extract %reduce_max3A_569[15] : i32 from vector<16xi32>
        %eq3A_571 = arith.constant 1 : i32
        %eq3A_572 = vector.broadcast %eq3A_571 : i32 to vector<16xi32>
        %eq3A_573 = arith.cmpi eq, %iota3A, %eq3A_572 : vector<16xi32>
        %jit3A_574 = arith.constant 0 : i32
        %broadcast_in_dim3A_575 = vector.broadcast %jit3A_574 : i32 to vector<16xi32>
        %select_n3A_576 = arith.select %eq3A_573, %get3A_556, %broadcast_in_dim3A_575 : vector<16xi1>, vector<16xi32>
        %reduce_max3A_577 = arith.constant true
        %reduce_max3A_578 = vector.broadcast %reduce_max3A_577 : i1 to vector<16xi1>
        %reduce_max3A_579 = arith.constant -2147483648 : i32
        %reduce_max3A_580 = vector.broadcast %reduce_max3A_579 : i32 to vector<16xi32>
        %reduce_max3A_581 = arith.xori %select_n3A_576, %reduce_max3A_580 : vector<16xi32>
        %reduce_max3A_582 = tpu.scan <max>, %reduce_max3A_581 masked %reduce_max3A_578 : vector<16xi32>, vector<16xi1> -> vector<16xi32>
        %reduce_max3A_583 = arith.xori %reduce_max3A_582, %reduce_max3A_580 : vector<16xi32>
        %reduce_max3A_584 = vector.extract %reduce_max3A_583[15] : i32 from vector<16xi32>
        %add3A_585 = arith.constant 127 : i32
        %add3A_586 = arith.addi %reduce_max3A_584, %add3A_585 : i32
        %and3A_587 = arith.constant -128 : i32
        %and3A_588 = arith.andi %add3A_586, %and3A_587 : i32
        %shift_right_logical3A_589 = arith.constant 7 : i32
        %shift_right_logical3A_590 = arith.shrui %and3A_588, %shift_right_logical3A_589 : i32
        %add3A_591 = arith.addi %add3A_552, %shift_right_logical3A_590 : i32
        %get3A_592 = arith.constant 5 : i32
        %get3A_593 = arith.index_cast %get3A_592 : i32 to index
        %get3A_594 = arith.constant 0 : index
        %get3A_595 = tpu.vector_load %arg17[%get3A_593, %get3A_594] {strides = array<i32>} : memref<8x128xi32, #tpu.memory_space<vmem>>, vector<16xi32>,
        %eq3A_596 = arith.constant 0 : i32
        %eq3A_597 = vector.broadcast %eq3A_596 : i32 to vector<16xi32>
        %eq3A_598 = arith.cmpi eq, %iota3A, %eq3A_597 : vector<16xi32>
        %jit3A_599 = arith.constant 0 : i32
        %broadcast_in_dim3A_600 = vector.broadcast %jit3A_599 : i32 to vector<16xi32>
        %select_n3A_601 = arith.select %eq3A_598, %get3A_595, %broadcast_in_dim3A_600 : vector<16xi1>, vector<16xi32>
        %reduce_max3A_602 = arith.constant true
        %reduce_max3A_603 = vector.broadcast %reduce_max3A_602 : i1 to vector<16xi1>
        %reduce_max3A_604 = arith.constant -2147483648 : i32
        %reduce_max3A_605 = vector.broadcast %reduce_max3A_604 : i32 to vector<16xi32>
        %reduce_max3A_606 = arith.xori %select_n3A_601, %reduce_max3A_605 : vector<16xi32>
        %reduce_max3A_607 = tpu.scan <max>, %reduce_max3A_606 masked %reduce_max3A_603 : vector<16xi32>, vector<16xi1> -> vector<16xi32>
        %reduce_max3A_608 = arith.xori %reduce_max3A_607, %reduce_max3A_605 : vector<16xi32>
        %reduce_max3A_609 = vector.extract %reduce_max3A_608[15] : i32 from vector<16xi32>
        %eq3A_610 = arith.constant 1 : i32
        %eq3A_611 = vector.broadcast %eq3A_610 : i32 to vector<16xi32>
        %eq3A_612 = arith.cmpi eq, %iota3A, %eq3A_611 : vector<16xi32>
        %jit3A_613 = arith.constant 0 : i32
        %broadcast_in_dim3A_614 = vector.broadcast %jit3A_613 : i32 to vector<16xi32>
        %select_n3A_615 = arith.select %eq3A_612, %get3A_595, %broadcast_in_dim3A_614 : vector<16xi1>, vector<16xi32>
        %reduce_max3A_616 = arith.constant true
        %reduce_max3A_617 = vector.broadcast %reduce_max3A_616 : i1 to vector<16xi1>
        %reduce_max3A_618 = arith.constant -2147483648 : i32
        %reduce_max3A_619 = vector.broadcast %reduce_max3A_618 : i32 to vector<16xi32>
        %reduce_max3A_620 = arith.xori %select_n3A_615, %reduce_max3A_619 : vector<16xi32>
        %reduce_max3A_621 = tpu.scan <max>, %reduce_max3A_620 masked %reduce_max3A_617 : vector<16xi32>, vector<16xi1> -> vector<16xi32>
        %reduce_max3A_622 = arith.xori %reduce_max3A_621, %reduce_max3A_619 : vector<16xi32>
        %reduce_max3A_623 = vector.extract %reduce_max3A_622[15] : i32 from vector<16xi32>
        %add3A_624 = arith.constant 127 : i32
        %add3A_625 = arith.addi %reduce_max3A_623, %add3A_624 : i32
        %and3A_626 = arith.constant -128 : i32
        %and3A_627 = arith.andi %add3A_625, %and3A_626 : i32
        %shift_right_logical3A_628 = arith.constant 7 : i32
        %shift_right_logical3A_629 = arith.shrui %and3A_627, %shift_right_logical3A_628 : i32
        %add3A_630 = arith.addi %add3A_591, %shift_right_logical3A_629 : i32
        %get3A_631 = arith.constant 6 : i32
        %get3A_632 = arith.index_cast %get3A_631 : i32 to index
        %get3A_633 = arith.constant 0 : index
        %get3A_634 = tpu.vector_load %arg17[%get3A_632, %get3A_633] {strides = array<i32>} : memref<8x128xi32, #tpu.memory_space<vmem>>, vector<16xi32>,
        %eq3A_635 = arith.constant 0 : i32
        %eq3A_636 = vector.broadcast %eq3A_635 : i32 to vector<16xi32>
        %eq3A_637 = arith.cmpi eq, %iota3A, %eq3A_636 : vector<16xi32>
        %jit3A_638 = arith.constant 0 : i32
        %broadcast_in_dim3A_639 = vector.broadcast %jit3A_638 : i32 to vector<16xi32>
        %select_n3A_640 = arith.select %eq3A_637, %get3A_634, %broadcast_in_dim3A_639 : vector<16xi1>, vector<16xi32>
        %reduce_max3A_641 = arith.constant true
        %reduce_max3A_642 = vector.broadcast %reduce_max3A_641 : i1 to vector<16xi1>
        %reduce_max3A_643 = arith.constant -2147483648 : i32
        %reduce_max3A_644 = vector.broadcast %reduce_max3A_643 : i32 to vector<16xi32>
        %reduce_max3A_645 = arith.xori %select_n3A_640, %reduce_max3A_644 : vector<16xi32>
        %reduce_max3A_646 = tpu.scan <max>, %reduce_max3A_645 masked %reduce_max3A_642 : vector<16xi32>, vector<16xi1> -> vector<16xi32>
        %reduce_max3A_647 = arith.xori %reduce_max3A_646, %reduce_max3A_644 : vector<16xi32>
        %reduce_max3A_648 = vector.extract %reduce_max3A_647[15] : i32 from vector<16xi32>
        %eq3A_649 = arith.constant 1 : i32
        %eq3A_650 = vector.broadcast %eq3A_649 : i32 to vector<16xi32>
        %eq3A_651 = arith.cmpi eq, %iota3A, %eq3A_650 : vector<16xi32>
        %jit3A_652 = arith.constant 0 : i32
        %broadcast_in_dim3A_653 = vector.broadcast %jit3A_652 : i32 to vector<16xi32>
        %select_n3A_654 = arith.select %eq3A_651, %get3A_634, %broadcast_in_dim3A_653 : vector<16xi1>, vector<16xi32>
        %reduce_max3A_655 = arith.constant true
        %reduce_max3A_656 = vector.broadcast %reduce_max3A_655 : i1 to vector<16xi1>
        %reduce_max3A_657 = arith.constant -2147483648 : i32
        %reduce_max3A_658 = vector.broadcast %reduce_max3A_657 : i32 to vector<16xi32>
        %reduce_max3A_659 = arith.xori %select_n3A_654, %reduce_max3A_658 : vector<16xi32>
        %reduce_max3A_660 = tpu.scan <max>, %reduce_max3A_659 masked %reduce_max3A_656 : vector<16xi32>, vector<16xi1> -> vector<16xi32>
        %reduce_max3A_661 = arith.xori %reduce_max3A_660, %reduce_max3A_658 : vector<16xi32>
        %reduce_max3A_662 = vector.extract %reduce_max3A_661[15] : i32 from vector<16xi32>
        %add3A_663 = arith.constant 127 : i32
        %add3A_664 = arith.addi %reduce_max3A_662, %add3A_663 : i32
        %and3A_665 = arith.constant -128 : i32
        %and3A_666 = arith.andi %add3A_664, %and3A_665 : i32
        %shift_right_logical3A_667 = arith.constant 7 : i32
        %shift_right_logical3A_668 = arith.shrui %and3A_666, %shift_right_logical3A_667 : i32
        %add3A_669 = arith.addi %add3A_630, %shift_right_logical3A_668 : i32
        %get3A_670 = arith.constant 7 : i32
        %get3A_671 = arith.index_cast %get3A_670 : i32 to index
        %get3A_672 = arith.constant 0 : index
        %get3A_673 = tpu.vector_load %arg17[%get3A_671, %get3A_672] {strides = array<i32>} : memref<8x128xi32, #tpu.memory_space<vmem>>, vector<16xi32>,
        %eq3A_674 = arith.constant 0 : i32
        %eq3A_675 = vector.broadcast %eq3A_674 : i32 to vector<16xi32>
        %eq3A_676 = arith.cmpi eq, %iota3A, %eq3A_675 : vector<16xi32>
        %jit3A_677 = arith.constant 0 : i32
        %broadcast_in_dim3A_678 = vector.broadcast %jit3A_677 : i32 to vector<16xi32>
        %select_n3A_679 = arith.select %eq3A_676, %get3A_673, %broadcast_in_dim3A_678 : vector<16xi1>, vector<16xi32>
        %reduce_max3A_680 = arith.constant true
        %reduce_max3A_681 = vector.broadcast %reduce_max3A_680 : i1 to vector<16xi1>
        %reduce_max3A_682 = arith.constant -2147483648 : i32
        %reduce_max3A_683 = vector.broadcast %reduce_max3A_682 : i32 to vector<16xi32>
        %reduce_max3A_684 = arith.xori %select_n3A_679, %reduce_max3A_683 : vector<16xi32>
        %reduce_max3A_685 = tpu.scan <max>, %reduce_max3A_684 masked %reduce_max3A_681 : vector<16xi32>, vector<16xi1> -> vector<16xi32>
        %reduce_max3A_686 = arith.xori %reduce_max3A_685, %reduce_max3A_683 : vector<16xi32>
        %reduce_max3A_687 = vector.extract %reduce_max3A_686[15] : i32 from vector<16xi32>
        %eq3A_688 = arith.constant 1 : i32
        %eq3A_689 = vector.broadcast %eq3A_688 : i32 to vector<16xi32>
        %eq3A_690 = arith.cmpi eq, %iota3A, %eq3A_689 : vector<16xi32>
        %jit3A_691 = arith.constant 0 : i32
        %broadcast_in_dim3A_692 = vector.broadcast %jit3A_691 : i32 to vector<16xi32>
        %select_n3A_693 = arith.select %eq3A_690, %get3A_673, %broadcast_in_dim3A_692 : vector<16xi1>, vector<16xi32>
        %reduce_max3A_694 = arith.constant true
        %reduce_max3A_695 = vector.broadcast %reduce_max3A_694 : i1 to vector<16xi1>
        %reduce_max3A_696 = arith.constant -2147483648 : i32
        %reduce_max3A_697 = vector.broadcast %reduce_max3A_696 : i32 to vector<16xi32>
        %reduce_max3A_698 = arith.xori %select_n3A_693, %reduce_max3A_697 : vector<16xi32>
        %reduce_max3A_699 = tpu.scan <max>, %reduce_max3A_698 masked %reduce_max3A_695 : vector<16xi32>, vector<16xi1> -> vector<16xi32>
        %reduce_max3A_700 = arith.xori %reduce_max3A_699, %reduce_max3A_697 : vector<16xi32>
        %reduce_max3A_701 = vector.extract %reduce_max3A_700[15] : i32 from vector<16xi32>
        %add3A_702 = arith.constant 127 : i32
        %add3A_703 = arith.addi %reduce_max3A_701, %add3A_702 : i32
        %and3A_704 = arith.constant -128 : i32
        %and3A_705 = arith.andi %add3A_703, %and3A_704 : i32
        %shift_right_logical3A_706 = arith.constant 7 : i32
        %shift_right_logical3A_707 = arith.shrui %and3A_705, %shift_right_logical3A_706 : i32
        %add3A_708 = arith.addi %add3A_669, %shift_right_logical3A_707 : i32
        %add3A_709 = arith.constant 0 : i32
        %add3A_710 = vector.broadcast %add3A_709 : i32 to vector<16xi32>
        %add3A_711 = arith.addi %add3A_710, %iota3A : vector<16xi32>
        %broadcast_in_dim3A_712 = arith.constant -1 : i32
        %broadcast_in_dim3A_713 = vector.broadcast %broadcast_in_dim3A_712 : i32 to vector<16xi32>
        %ge3A = arith.constant 0 : i32
        %ge3A_714 = vector.broadcast %ge3A : i32 to vector<16xi32>
        %ge3A_715 = arith.cmpi sge, %add3A_711, %ge3A_714 : vector<16xi32>
        %jit3A_716 = arith.constant 1 : i32
        %jit3A_717 = arith.constant 0 : i32
        %broadcast_in_dim3A_718 = vector.broadcast %jit3A_716 : i32 to vector<16xi32>
        %broadcast_in_dim3A_719 = vector.broadcast %jit3A_717 : i32 to vector<16xi32>
        %select_n3A_720 = arith.select %ge3A_715, %broadcast_in_dim3A_718, %broadcast_in_dim3A_719 : vector<16xi1>, vector<16xi32>
        %add3A_721 = arith.addi %broadcast_in_dim3A_713, %select_n3A_720 : vector<16xi32>
        %ge3A_722 = vector.broadcast %add3A_435 : i32 to vector<16xi32>
        %ge3A_723 = arith.cmpi sge, %add3A_711, %ge3A_722 : vector<16xi32>
        %jit3A_724 = arith.constant 1 : i32
        %jit3A_725 = arith.constant 0 : i32
        %broadcast_in_dim3A_726 = vector.broadcast %jit3A_724 : i32 to vector<16xi32>
        %broadcast_in_dim3A_727 = vector.broadcast %jit3A_725 : i32 to vector<16xi32>
        %select_n3A_728 = arith.select %ge3A_723, %broadcast_in_dim3A_726, %broadcast_in_dim3A_727 : vector<16xi1>, vector<16xi32>
        %add3A_729 = arith.addi %add3A_721, %select_n3A_728 : vector<16xi32>
        %ge3A_730 = vector.broadcast %add3A_474 : i32 to vector<16xi32>
        %ge3A_731 = arith.cmpi sge, %add3A_711, %ge3A_730 : vector<16xi32>
        %jit3A_732 = arith.constant 1 : i32
        %jit3A_733 = arith.constant 0 : i32
        %broadcast_in_dim3A_734 = vector.broadcast %jit3A_732 : i32 to vector<16xi32>
        %broadcast_in_dim3A_735 = vector.broadcast %jit3A_733 : i32 to vector<16xi32>
        %select_n3A_736 = arith.select %ge3A_731, %broadcast_in_dim3A_734, %broadcast_in_dim3A_735 : vector<16xi1>, vector<16xi32>
        %add3A_737 = arith.addi %add3A_729, %select_n3A_736 : vector<16xi32>
        %ge3A_738 = vector.broadcast %add3A_513 : i32 to vector<16xi32>
        %ge3A_739 = arith.cmpi sge, %add3A_711, %ge3A_738 : vector<16xi32>
        %jit3A_740 = arith.constant 1 : i32
        %jit3A_741 = arith.constant 0 : i32
        %broadcast_in_dim3A_742 = vector.broadcast %jit3A_740 : i32 to vector<16xi32>
        %broadcast_in_dim3A_743 = vector.broadcast %jit3A_741 : i32 to vector<16xi32>
        %select_n3A_744 = arith.select %ge3A_739, %broadcast_in_dim3A_742, %broadcast_in_dim3A_743 : vector<16xi1>, vector<16xi32>
        %add3A_745 = arith.addi %add3A_737, %select_n3A_744 : vector<16xi32>
        %ge3A_746 = vector.broadcast %add3A_552 : i32 to vector<16xi32>
        %ge3A_747 = arith.cmpi sge, %add3A_711, %ge3A_746 : vector<16xi32>
        %jit3A_748 = arith.constant 1 : i32
        %jit3A_749 = arith.constant 0 : i32
        %broadcast_in_dim3A_750 = vector.broadcast %jit3A_748 : i32 to vector<16xi32>
        %broadcast_in_dim3A_751 = vector.broadcast %jit3A_749 : i32 to vector<16xi32>
        %select_n3A_752 = arith.select %ge3A_747, %broadcast_in_dim3A_750, %broadcast_in_dim3A_751 : vector<16xi1>, vector<16xi32>
        %add3A_753 = arith.addi %add3A_745, %select_n3A_752 : vector<16xi32>
        %ge3A_754 = vector.broadcast %add3A_591 : i32 to vector<16xi32>
        %ge3A_755 = arith.cmpi sge, %add3A_711, %ge3A_754 : vector<16xi32>
        %jit3A_756 = arith.constant 1 : i32
        %jit3A_757 = arith.constant 0 : i32
        %broadcast_in_dim3A_758 = vector.broadcast %jit3A_756 : i32 to vector<16xi32>
        %broadcast_in_dim3A_759 = vector.broadcast %jit3A_757 : i32 to vector<16xi32>
        %select_n3A_760 = arith.select %ge3A_755, %broadcast_in_dim3A_758, %broadcast_in_dim3A_759 : vector<16xi1>, vector<16xi32>
        %add3A_761 = arith.addi %add3A_753, %select_n3A_760 : vector<16xi32>
        %ge3A_762 = vector.broadcast %add3A_630 : i32 to vector<16xi32>
        %ge3A_763 = arith.cmpi sge, %add3A_711, %ge3A_762 : vector<16xi32>
        %jit3A_764 = arith.constant 1 : i32
        %jit3A_765 = arith.constant 0 : i32
        %broadcast_in_dim3A_766 = vector.broadcast %jit3A_764 : i32 to vector<16xi32>
        %broadcast_in_dim3A_767 = vector.broadcast %jit3A_765 : i32 to vector<16xi32>
        %select_n3A_768 = arith.select %ge3A_763, %broadcast_in_dim3A_766, %broadcast_in_dim3A_767 : vector<16xi1>, vector<16xi32>
        %add3A_769 = arith.addi %add3A_761, %select_n3A_768 : vector<16xi32>
        %ge3A_770 = vector.broadcast %add3A_669 : i32 to vector<16xi32>
        %ge3A_771 = arith.cmpi sge, %add3A_711, %ge3A_770 : vector<16xi32>
        %jit3A_772 = arith.constant 1 : i32
        %jit3A_773 = arith.constant 0 : i32
        %broadcast_in_dim3A_774 = vector.broadcast %jit3A_772 : i32 to vector<16xi32>
        %broadcast_in_dim3A_775 = vector.broadcast %jit3A_773 : i32 to vector<16xi32>
        %select_n3A_776 = arith.select %ge3A_771, %broadcast_in_dim3A_774, %broadcast_in_dim3A_775 : vector<16xi1>, vector<16xi32>
        %add3A_777 = arith.addi %add3A_769, %select_n3A_776 : vector<16xi32>
        %swap3A = arith.constant 0 : index
        %swap3A_778 = tpu.vector_load %arg19[%swap3A] {strides = array<i32>} : memref<48xi32, #tpu.memory_space<vmem>>, vector<16xi32>,
        tpu.vector_store %arg19[%swap3A], %add3A_777 {strides = array<i32>} : memref<48xi32, #tpu.memory_space<vmem>>, vector<16xi32>,
        %add3A_779 = arith.constant 16 : i32
        %add3A_780 = vector.broadcast %add3A_779 : i32 to vector<16xi32>
        %add3A_781 = arith.addi %add3A_780, %iota3A : vector<16xi32>
        %broadcast_in_dim3A_782 = arith.constant -1 : i32
        %broadcast_in_dim3A_783 = vector.broadcast %broadcast_in_dim3A_782 : i32 to vector<16xi32>
        %ge3A_784 = arith.constant 0 : i32
        %ge3A_785 = vector.broadcast %ge3A_784 : i32 to vector<16xi32>
        %ge3A_786 = arith.cmpi sge, %add3A_781, %ge3A_785 : vector<16xi32>
        %jit3A_787 = arith.constant 1 : i32
        %jit3A_788 = arith.constant 0 : i32
        %broadcast_in_dim3A_789 = vector.broadcast %jit3A_787 : i32 to vector<16xi32>
        %broadcast_in_dim3A_790 = vector.broadcast %jit3A_788 : i32 to vector<16xi32>
        %select_n3A_791 = arith.select %ge3A_786, %broadcast_in_dim3A_789, %broadcast_in_dim3A_790 : vector<16xi1>, vector<16xi32>
        %add3A_792 = arith.addi %broadcast_in_dim3A_783, %select_n3A_791 : vector<16xi32>
        %ge3A_793 = vector.broadcast %add3A_435 : i32 to vector<16xi32>
        %ge3A_794 = arith.cmpi sge, %add3A_781, %ge3A_793 : vector<16xi32>
        %jit3A_795 = arith.constant 1 : i32
        %jit3A_796 = arith.constant 0 : i32
        %broadcast_in_dim3A_797 = vector.broadcast %jit3A_795 : i32 to vector<16xi32>
        %broadcast_in_dim3A_798 = vector.broadcast %jit3A_796 : i32 to vector<16xi32>
        %select_n3A_799 = arith.select %ge3A_794, %broadcast_in_dim3A_797, %broadcast_in_dim3A_798 : vector<16xi1>, vector<16xi32>
        %add3A_800 = arith.addi %add3A_792, %select_n3A_799 : vector<16xi32>
        %ge3A_801 = vector.broadcast %add3A_474 : i32 to vector<16xi32>
        %ge3A_802 = arith.cmpi sge, %add3A_781, %ge3A_801 : vector<16xi32>
        %jit3A_803 = arith.constant 1 : i32
        %jit3A_804 = arith.constant 0 : i32
        %broadcast_in_dim3A_805 = vector.broadcast %jit3A_803 : i32 to vector<16xi32>
        %broadcast_in_dim3A_806 = vector.broadcast %jit3A_804 : i32 to vector<16xi32>
        %select_n3A_807 = arith.select %ge3A_802, %broadcast_in_dim3A_805, %broadcast_in_dim3A_806 : vector<16xi1>, vector<16xi32>
        %add3A_808 = arith.addi %add3A_800, %select_n3A_807 : vector<16xi32>
        %ge3A_809 = vector.broadcast %add3A_513 : i32 to vector<16xi32>
        %ge3A_810 = arith.cmpi sge, %add3A_781, %ge3A_809 : vector<16xi32>
        %jit3A_811 = arith.constant 1 : i32
        %jit3A_812 = arith.constant 0 : i32
        %broadcast_in_dim3A_813 = vector.broadcast %jit3A_811 : i32 to vector<16xi32>
        %broadcast_in_dim3A_814 = vector.broadcast %jit3A_812 : i32 to vector<16xi32>
        %select_n3A_815 = arith.select %ge3A_810, %broadcast_in_dim3A_813, %broadcast_in_dim3A_814 : vector<16xi1>, vector<16xi32>
        %add3A_816 = arith.addi %add3A_808, %select_n3A_815 : vector<16xi32>
        %ge3A_817 = vector.broadcast %add3A_552 : i32 to vector<16xi32>
        %ge3A_818 = arith.cmpi sge, %add3A_781, %ge3A_817 : vector<16xi32>
        %jit3A_819 = arith.constant 1 : i32
        %jit3A_820 = arith.constant 0 : i32
        %broadcast_in_dim3A_821 = vector.broadcast %jit3A_819 : i32 to vector<16xi32>
        %broadcast_in_dim3A_822 = vector.broadcast %jit3A_820 : i32 to vector<16xi32>
        %select_n3A_823 = arith.select %ge3A_818, %broadcast_in_dim3A_821, %broadcast_in_dim3A_822 : vector<16xi1>, vector<16xi32>
        %add3A_824 = arith.addi %add3A_816, %select_n3A_823 : vector<16xi32>
        %ge3A_825 = vector.broadcast %add3A_591 : i32 to vector<16xi32>
        %ge3A_826 = arith.cmpi sge, %add3A_781, %ge3A_825 : vector<16xi32>
        %jit3A_827 = arith.constant 1 : i32
        %jit3A_828 = arith.constant 0 : i32
        %broadcast_in_dim3A_829 = vector.broadcast %jit3A_827 : i32 to vector<16xi32>
        %broadcast_in_dim3A_830 = vector.broadcast %jit3A_828 : i32 to vector<16xi32>
        %select_n3A_831 = arith.select %ge3A_826, %broadcast_in_dim3A_829, %broadcast_in_dim3A_830 : vector<16xi1>, vector<16xi32>
        %add3A_832 = arith.addi %add3A_824, %select_n3A_831 : vector<16xi32>
        %ge3A_833 = vector.broadcast %add3A_630 : i32 to vector<16xi32>
        %ge3A_834 = arith.cmpi sge, %add3A_781, %ge3A_833 : vector<16xi32>
        %jit3A_835 = arith.constant 1 : i32
        %jit3A_836 = arith.constant 0 : i32
        %broadcast_in_dim3A_837 = vector.broadcast %jit3A_835 : i32 to vector<16xi32>
        %broadcast_in_dim3A_838 = vector.broadcast %jit3A_836 : i32 to vector<16xi32>
        %select_n3A_839 = arith.select %ge3A_834, %broadcast_in_dim3A_837, %broadcast_in_dim3A_838 : vector<16xi1>, vector<16xi32>
        %add3A_840 = arith.addi %add3A_832, %select_n3A_839 : vector<16xi32>
        %ge3A_841 = vector.broadcast %add3A_669 : i32 to vector<16xi32>
        %ge3A_842 = arith.cmpi sge, %add3A_781, %ge3A_841 : vector<16xi32>
        %jit3A_843 = arith.constant 1 : i32
        %jit3A_844 = arith.constant 0 : i32
        %broadcast_in_dim3A_845 = vector.broadcast %jit3A_843 : i32 to vector<16xi32>
        %broadcast_in_dim3A_846 = vector.broadcast %jit3A_844 : i32 to vector<16xi32>
        %select_n3A_847 = arith.select %ge3A_842, %broadcast_in_dim3A_845, %broadcast_in_dim3A_846 : vector<16xi1>, vector<16xi32>
        %add3A_848 = arith.addi %add3A_840, %select_n3A_847 : vector<16xi32>
        %swap3A_849 = arith.constant 16 : index
        %swap3A_850 = tpu.vector_load %arg19[%swap3A_849] {strides = array<i32>} : memref<48xi32, #tpu.memory_space<vmem>>, vector<16xi32>,
        tpu.vector_store %arg19[%swap3A_849], %add3A_848 {strides = array<i32>} : memref<48xi32, #tpu.memory_space<vmem>>, vector<16xi32>,
        %add3A_851 = arith.constant 32 : i32
        %add3A_852 = vector.broadcast %add3A_851 : i32 to vector<16xi32>
        %add3A_853 = arith.addi %add3A_852, %iota3A : vector<16xi32>
        %broadcast_in_dim3A_854 = arith.constant -1 : i32
        %broadcast_in_dim3A_855 = vector.broadcast %broadcast_in_dim3A_854 : i32 to vector<16xi32>
        %ge3A_856 = arith.constant 0 : i32
        %ge3A_857 = vector.broadcast %ge3A_856 : i32 to vector<16xi32>
        %ge3A_858 = arith.cmpi sge, %add3A_853, %ge3A_857 : vector<16xi32>
        %jit3A_859 = arith.constant 1 : i32
        %jit3A_860 = arith.constant 0 : i32
        %broadcast_in_dim3A_861 = vector.broadcast %jit3A_859 : i32 to vector<16xi32>
        %broadcast_in_dim3A_862 = vector.broadcast %jit3A_860 : i32 to vector<16xi32>
        %select_n3A_863 = arith.select %ge3A_858, %broadcast_in_dim3A_861, %broadcast_in_dim3A_862 : vector<16xi1>, vector<16xi32>
        %add3A_864 = arith.addi %broadcast_in_dim3A_855, %select_n3A_863 : vector<16xi32>
        %ge3A_865 = vector.broadcast %add3A_435 : i32 to vector<16xi32>
        %ge3A_866 = arith.cmpi sge, %add3A_853, %ge3A_865 : vector<16xi32>
        %jit3A_867 = arith.constant 1 : i32
        %jit3A_868 = arith.constant 0 : i32
        %broadcast_in_dim3A_869 = vector.broadcast %jit3A_867 : i32 to vector<16xi32>
        %broadcast_in_dim3A_870 = vector.broadcast %jit3A_868 : i32 to vector<16xi32>
        %select_n3A_871 = arith.select %ge3A_866, %broadcast_in_dim3A_869, %broadcast_in_dim3A_870 : vector<16xi1>, vector<16xi32>
        %add3A_872 = arith.addi %add3A_864, %select_n3A_871 : vector<16xi32>
        %ge3A_873 = vector.broadcast %add3A_474 : i32 to vector<16xi32>
        %ge3A_874 = arith.cmpi sge, %add3A_853, %ge3A_873 : vector<16xi32>
        %jit3A_875 = arith.constant 1 : i32
        %jit3A_876 = arith.constant 0 : i32
        %broadcast_in_dim3A_877 = vector.broadcast %jit3A_875 : i32 to vector<16xi32>
        %broadcast_in_dim3A_878 = vector.broadcast %jit3A_876 : i32 to vector<16xi32>
        %select_n3A_879 = arith.select %ge3A_874, %broadcast_in_dim3A_877, %broadcast_in_dim3A_878 : vector<16xi1>, vector<16xi32>
        %add3A_880 = arith.addi %add3A_872, %select_n3A_879 : vector<16xi32>
        %ge3A_881 = vector.broadcast %add3A_513 : i32 to vector<16xi32>
        %ge3A_882 = arith.cmpi sge, %add3A_853, %ge3A_881 : vector<16xi32>
        %jit3A_883 = arith.constant 1 : i32
        %jit3A_884 = arith.constant 0 : i32
        %broadcast_in_dim3A_885 = vector.broadcast %jit3A_883 : i32 to vector<16xi32>
        %broadcast_in_dim3A_886 = vector.broadcast %jit3A_884 : i32 to vector<16xi32>
        %select_n3A_887 = arith.select %ge3A_882, %broadcast_in_dim3A_885, %broadcast_in_dim3A_886 : vector<16xi1>, vector<16xi32>
        %add3A_888 = arith.addi %add3A_880, %select_n3A_887 : vector<16xi32>
        %ge3A_889 = vector.broadcast %add3A_552 : i32 to vector<16xi32>
        %ge3A_890 = arith.cmpi sge, %add3A_853, %ge3A_889 : vector<16xi32>
        %jit3A_891 = arith.constant 1 : i32
        %jit3A_892 = arith.constant 0 : i32
        %broadcast_in_dim3A_893 = vector.broadcast %jit3A_891 : i32 to vector<16xi32>
        %broadcast_in_dim3A_894 = vector.broadcast %jit3A_892 : i32 to vector<16xi32>
        %select_n3A_895 = arith.select %ge3A_890, %broadcast_in_dim3A_893, %broadcast_in_dim3A_894 : vector<16xi1>, vector<16xi32>
        %add3A_896 = arith.addi %add3A_888, %select_n3A_895 : vector<16xi32>
        %ge3A_897 = vector.broadcast %add3A_591 : i32 to vector<16xi32>
        %ge3A_898 = arith.cmpi sge, %add3A_853, %ge3A_897 : vector<16xi32>
        %jit3A_899 = arith.constant 1 : i32
        %jit3A_900 = arith.constant 0 : i32
        %broadcast_in_dim3A_901 = vector.broadcast %jit3A_899 : i32 to vector<16xi32>
        %broadcast_in_dim3A_902 = vector.broadcast %jit3A_900 : i32 to vector<16xi32>
        %select_n3A_903 = arith.select %ge3A_898, %broadcast_in_dim3A_901, %broadcast_in_dim3A_902 : vector<16xi1>, vector<16xi32>
        %add3A_904 = arith.addi %add3A_896, %select_n3A_903 : vector<16xi32>
        %ge3A_905 = vector.broadcast %add3A_630 : i32 to vector<16xi32>
        %ge3A_906 = arith.cmpi sge, %add3A_853, %ge3A_905 : vector<16xi32>
        %jit3A_907 = arith.constant 1 : i32
        %jit3A_908 = arith.constant 0 : i32
        %broadcast_in_dim3A_909 = vector.broadcast %jit3A_907 : i32 to vector<16xi32>
        %broadcast_in_dim3A_910 = vector.broadcast %jit3A_908 : i32 to vector<16xi32>
        %select_n3A_911 = arith.select %ge3A_906, %broadcast_in_dim3A_909, %broadcast_in_dim3A_910 : vector<16xi1>, vector<16xi32>
        %add3A_912 = arith.addi %add3A_904, %select_n3A_911 : vector<16xi32>
        %ge3A_913 = vector.broadcast %add3A_669 : i32 to vector<16xi32>
        %ge3A_914 = arith.cmpi sge, %add3A_853, %ge3A_913 : vector<16xi32>
        %jit3A_915 = arith.constant 1 : i32
        %jit3A_916 = arith.constant 0 : i32
        %broadcast_in_dim3A_917 = vector.broadcast %jit3A_915 : i32 to vector<16xi32>
        %broadcast_in_dim3A_918 = vector.broadcast %jit3A_916 : i32 to vector<16xi32>
        %select_n3A_919 = arith.select %ge3A_914, %broadcast_in_dim3A_917, %broadcast_in_dim3A_918 : vector<16xi1>, vector<16xi32>
        %add3A_920 = arith.addi %add3A_912, %select_n3A_919 : vector<16xi32>
        %swap3A_921 = arith.constant 32 : index
        %swap3A_922 = tpu.vector_load %arg19[%swap3A_921] {strides = array<i32>} : memref<48xi32, #tpu.memory_space<vmem>>, vector<16xi32>,
        tpu.vector_store %arg19[%swap3A_921], %add3A_920 {strides = array<i32>} : memref<48xi32, #tpu.memory_space<vmem>>, vector<16xi32>,
        "tpu.region"() ({
          %run_scoped3A = tpu.sem_alloc : memref<!tpu.dma_semaphore, #tpu.memory_space<semaphore_mem>>
          tpu.enqueue_dma source(%arg19 : memref<48xi32, #tpu.memory_space<vmem>>) target(%arg8 : memref<48xi32, #tpu.memory_space<hbm>>) target_semaphore(%run_scoped3A : memref<!tpu.dma_semaphore, #tpu.memory_space<semaphore_mem>>)
          tpu.wait_dma2 semaphore(%run_scoped3A : memref<!tpu.dma_semaphore, #tpu.memory_space<semaphore_mem>>) src(%arg19 : memref<48xi32, #tpu.memory_space<vmem>>) dst(%arg8 : memref<48xi32, #tpu.memory_space<hbm>>)
          tpu.yield
        }) : () -> ()
      } else {
      }
    } else {
    }
    return
  }
}

module attributes {stable_mosaic.version = 14 : i64} {
  func.func @_router_body(%arg0: memref<8x768xf32, #tpu.memory_space<vmem>>, %arg1: memref<8x1xf32, #tpu.memory_space<vmem>>, %arg2: memref<2048x768xf32, #tpu.memory_space<vmem>>, %arg3: memref<2x2048xi32, #tpu.memory_space<vmem>>, %arg4: memref<2x2048xf32, #tpu.memory_space<vmem>>, %arg5: memref<8x128xi32, #tpu.memory_space<vmem>>, %arg6: memref<1x1xf32, #tpu.memory_space<smem>>) attributes {dimension_semantics = [], scalar_prefetch = 0 : i64, scratch_operands = 0 : i64, tpu.core_type = #tpu.core_type<tc>} {
    %get3A = arith.constant 0 : index
    %get3A_0 = arith.constant 0 : index
    %get3A_1 = vector.load %arg0[%get3A, %get3A_0] : memref<8x768xf32, #tpu.memory_space<vmem>>, vector<8x768xf32>
    %get3A_2 = arith.constant 0 : index
    %get3A_3 = arith.constant 0 : index
    %get3A_4 = vector.load %arg2[%get3A_2, %get3A_3] : memref<2048x768xf32, #tpu.memory_space<vmem>>, vector<2048x768xf32>
    %dot_general3A = arith.constant dense<0.000000e+00> : vector<8x2048xf32>
    %dot_general3A_5 = tpu.matmul %get3A_1, %get3A_4, %dot_general3A {dimension_numbers = #tpu.dot_dimension_numbers<[1], [1], [0], [0], [0, 0, 1, 0], [], []>, transpose_lhs_hint = false} : vector<8x768xf32>, vector<2048x768xf32>, vector<8x2048xf32> -> vector<8x2048xf32>
    %get3A_6 = arith.constant 0 : index
    %get3A_7 = arith.constant 0 : index
    %get3A_8 = vector.load %arg1[%get3A_6, %get3A_7] : memref<8x1xf32, #tpu.memory_space<vmem>>, vector<8x1xf32>
    %add3A = vector.broadcast %get3A_8 : vector<8x1xf32> to vector<8x2048xf32>
    %add3A_9 = arith.addf %dot_general3A_5, %add3A : vector<8x2048xf32>
    %logistic3A = arith.negf %add3A_9 : vector<8x2048xf32>
    %logistic3A_10 = math.exp %logistic3A : vector<8x2048xf32>
    %logistic3A_11 = arith.constant 1.000000e+00 : f32
    %logistic3A_12 = vector.broadcast %logistic3A_11 : f32 to vector<8x2048xf32>
    %logistic3A_13 = arith.addf %logistic3A_12, %logistic3A_10 : vector<8x2048xf32>
    %logistic3A_14 = arith.divf %logistic3A_12, %logistic3A_13 : vector<8x2048xf32>
    %iota3A = tpu.iota {dimensions = array<i32: 0>} : vector<8x2048xi32>
    %reduce_max3A = arith.constant dense<0xFF800000> : vector<2048xf32>
    %reduce_max3A_15 = vector.multi_reduction <maximumf>, %logistic3A_14, %reduce_max3A [0] : vector<8x2048xf32> to vector<2048xf32>
    %broadcast_in_dim3A = vector.shape_cast %reduce_max3A_15 : vector<2048xf32> to vector<1x2048xf32>
    %eq3A = vector.broadcast %broadcast_in_dim3A : vector<1x2048xf32> to vector<8x2048xf32>
    %eq3A_16 = arith.cmpf oeq, %logistic3A_14, %eq3A : vector<8x2048xf32>
    %jit3A = arith.constant 8 : i32
    %broadcast_in_dim3A_17 = vector.broadcast %jit3A : i32 to vector<8x2048xi32>
    %select_n3A = arith.select %eq3A_16, %iota3A, %broadcast_in_dim3A_17 : vector<8x2048xi1>, vector<8x2048xi32>
    %reduce_min3A = arith.constant dense<2147483647> : vector<2048xi32>
    %reduce_min3A_18 = vector.multi_reduction <minsi>, %select_n3A, %reduce_min3A [0] : vector<8x2048xi32> to vector<2048xi32>
    %broadcast_in_dim3A_19 = vector.shape_cast %reduce_min3A_18 : vector<2048xi32> to vector<1x2048xi32>
    %eq3A_20 = vector.broadcast %broadcast_in_dim3A_19 : vector<1x2048xi32> to vector<8x2048xi32>
    %eq3A_21 = arith.cmpi eq, %iota3A, %eq3A_20 : vector<8x2048xi32>
    %jit3A_22 = arith.constant 0xFF800000 : f32
    %broadcast_in_dim3A_23 = vector.broadcast %jit3A_22 : f32 to vector<8x2048xf32>
    %select_n3A_24 = arith.select %eq3A_21, %broadcast_in_dim3A_23, %logistic3A_14 : vector<8x2048xi1>, vector<8x2048xf32>
    %reduce_max3A_25 = arith.constant dense<0xFF800000> : vector<2048xf32>
    %reduce_max3A_26 = vector.multi_reduction <maximumf>, %select_n3A_24, %reduce_max3A_25 [0] : vector<8x2048xf32> to vector<2048xf32>
    %broadcast_in_dim3A_27 = vector.shape_cast %reduce_max3A_26 : vector<2048xf32> to vector<1x2048xf32>
    %eq3A_28 = vector.broadcast %broadcast_in_dim3A_27 : vector<1x2048xf32> to vector<8x2048xf32>
    %eq3A_29 = arith.cmpf oeq, %select_n3A_24, %eq3A_28 : vector<8x2048xf32>
    %jit3A_30 = arith.constant 8 : i32
    %broadcast_in_dim3A_31 = vector.broadcast %jit3A_30 : i32 to vector<8x2048xi32>
    %select_n3A_32 = arith.select %eq3A_29, %iota3A, %broadcast_in_dim3A_31 : vector<8x2048xi1>, vector<8x2048xi32>
    %reduce_min3A_33 = arith.constant dense<2147483647> : vector<2048xi32>
    %reduce_min3A_34 = vector.multi_reduction <minsi>, %select_n3A_32, %reduce_min3A_33 [0] : vector<8x2048xi32> to vector<2048xi32>
    %broadcast_in_dim3A_35 = vector.shape_cast %reduce_min3A_34 : vector<2048xi32> to vector<1x2048xi32>
    %add3A_36 = arith.addf %broadcast_in_dim3A, %broadcast_in_dim3A_27 : vector<1x2048xf32>
    %add3A_37 = arith.constant 9.99999997E-7 : f32
    %add3A_38 = vector.broadcast %add3A_37 : f32 to vector<1x2048xf32>
    %add3A_39 = arith.addf %add3A_36, %add3A_38 : vector<1x2048xf32>
    %concatenate3A = tpu.concatenate %broadcast_in_dim3A_19, %broadcast_in_dim3A_35 in 0 : vector<1x2048xi32>, vector<1x2048xi32> -> vector<2x2048xi32>
    %swap3A = arith.constant 0 : index
    %swap3A_40 = arith.constant 0 : index
    %swap3A_41 = vector.load %arg3[%swap3A, %swap3A_40] : memref<2x2048xi32, #tpu.memory_space<vmem>>, vector<2x2048xi32>
    tpu.vector_store %arg3[%swap3A, %swap3A_40], %concatenate3A {strides = array<i32>} : memref<2x2048xi32, #tpu.memory_space<vmem>>, vector<2x2048xi32>,
    %div3A = arith.divf %broadcast_in_dim3A, %add3A_39 : vector<1x2048xf32>
    %div3A_42 = arith.divf %broadcast_in_dim3A_27, %add3A_39 : vector<1x2048xf32>
    %concatenate3A_43 = tpu.concatenate %div3A, %div3A_42 in 0 : vector<1x2048xf32>, vector<1x2048xf32> -> vector<2x2048xf32>
    %swap3A_44 = arith.constant 0 : index
    %swap3A_45 = arith.constant 0 : index
    %swap3A_46 = vector.load %arg4[%swap3A_44, %swap3A_45] : memref<2x2048xf32, #tpu.memory_space<vmem>>, vector<2x2048xf32>
    tpu.vector_store %arg4[%swap3A_44, %swap3A_45], %concatenate3A_43 {strides = array<i32>} : memref<2x2048xf32, #tpu.memory_space<vmem>>, vector<2x2048xf32>,
    %eq3A_47 = vector.broadcast %broadcast_in_dim3A_19 : vector<1x2048xi32> to vector<8x2048xi32>
    %eq3A_48 = arith.cmpi eq, %iota3A, %eq3A_47 : vector<8x2048xi32>
    %jit3A_49 = arith.constant 1 : i32
    %jit3A_50 = arith.constant 0 : i32
    %broadcast_in_dim3A_51 = vector.broadcast %jit3A_49 : i32 to vector<8x2048xi32>
    %broadcast_in_dim3A_52 = vector.broadcast %jit3A_50 : i32 to vector<8x2048xi32>
    %select_n3A_53 = arith.select %eq3A_48, %broadcast_in_dim3A_51, %broadcast_in_dim3A_52 : vector<8x2048xi1>, vector<8x2048xi32>
    %reduce_sum3A = arith.constant dense<0> : vector<8xi32>
    %reduce_sum3A_54 = vector.multi_reduction <add>, %select_n3A_53, %reduce_sum3A [1] : vector<8x2048xi32> to vector<8xi32>
    %broadcast_in_dim3A_55 = vector.shape_cast %reduce_sum3A_54 : vector<8xi32> to vector<8x1xi32>
    %eq3A_56 = vector.broadcast %broadcast_in_dim3A_35 : vector<1x2048xi32> to vector<8x2048xi32>
    %eq3A_57 = arith.cmpi eq, %iota3A, %eq3A_56 : vector<8x2048xi32>
    %jit3A_58 = arith.constant 1 : i32
    %jit3A_59 = arith.constant 0 : i32
    %broadcast_in_dim3A_60 = vector.broadcast %jit3A_58 : i32 to vector<8x2048xi32>
    %broadcast_in_dim3A_61 = vector.broadcast %jit3A_59 : i32 to vector<8x2048xi32>
    %select_n3A_62 = arith.select %eq3A_57, %broadcast_in_dim3A_60, %broadcast_in_dim3A_61 : vector<8x2048xi1>, vector<8x2048xi32>
    %reduce_sum3A_63 = arith.constant dense<0> : vector<8xi32>
    %reduce_sum3A_64 = vector.multi_reduction <add>, %select_n3A_62, %reduce_sum3A_63 [1] : vector<8x2048xi32> to vector<8xi32>
    %broadcast_in_dim3A_65 = vector.shape_cast %reduce_sum3A_64 : vector<8xi32> to vector<8x1xi32>
    %add3A_66 = arith.addi %broadcast_in_dim3A_55, %broadcast_in_dim3A_65 : vector<8x1xi32>
    %iota3A_67 = tpu.iota {dimensions = array<i32: 1>} : vector<8x128xi32>
    %eq3A_68 = arith.constant 0 : i32
    %eq3A_69 = vector.broadcast %eq3A_68 : i32 to vector<8x128xi32>
    %eq3A_70 = arith.cmpi eq, %iota3A_67, %eq3A_69 : vector<8x128xi32>
    %jit3A_71 = arith.constant 0 : i32
    %broadcast_in_dim3A_72 = vector.shape_cast %broadcast_in_dim3A_55 : vector<8x1xi32> to vector<8x1xi32>
    %broadcast_in_dim3A_73 = vector.broadcast %broadcast_in_dim3A_72 : vector<8x1xi32> to vector<8x128xi32>
    %broadcast_in_dim3A_74 = vector.broadcast %jit3A_71 : i32 to vector<8x128xi32>
    %select_n3A_75 = arith.select %eq3A_70, %broadcast_in_dim3A_73, %broadcast_in_dim3A_74 : vector<8x128xi1>, vector<8x128xi32>
    %eq3A_76 = arith.constant 1 : i32
    %eq3A_77 = vector.broadcast %eq3A_76 : i32 to vector<8x128xi32>
    %eq3A_78 = arith.cmpi eq, %iota3A_67, %eq3A_77 : vector<8x128xi32>
    %jit3A_79 = arith.constant 0 : i32
    %broadcast_in_dim3A_80 = vector.shape_cast %add3A_66 : vector<8x1xi32> to vector<8x1xi32>
    %broadcast_in_dim3A_81 = vector.broadcast %broadcast_in_dim3A_80 : vector<8x1xi32> to vector<8x128xi32>
    %broadcast_in_dim3A_82 = vector.broadcast %jit3A_79 : i32 to vector<8x128xi32>
    %select_n3A_83 = arith.select %eq3A_78, %broadcast_in_dim3A_81, %broadcast_in_dim3A_82 : vector<8x128xi1>, vector<8x128xi32>
    %add3A_84 = arith.addi %select_n3A_75, %select_n3A_83 : vector<8x128xi32>
    %swap3A_85 = arith.constant 0 : index
    %swap3A_86 = arith.constant 0 : index
    %swap3A_87 = vector.load %arg5[%swap3A_85, %swap3A_86] : memref<8x128xi32, #tpu.memory_space<vmem>>, vector<8x128xi32>
    tpu.vector_store %arg5[%swap3A_85, %swap3A_86], %add3A_84 {strides = array<i32>} : memref<8x128xi32, #tpu.memory_space<vmem>>, vector<8x128xi32>,
    %mul3A = arith.mulf %add3A_9, %add3A_9 : vector<8x2048xf32>
    %reduce_sum3A_88 = vector.shape_cast %mul3A : vector<8x2048xf32> to vector<1x8x2048xf32>
    %reduce_sum3A_89 = arith.constant dense<0.000000e+00> : vector<1xf32>
    %reduce_sum3A_90 = vector.multi_reduction <add>, %reduce_sum3A_88, %reduce_sum3A_89 [1, 2] : vector<1x8x2048xf32> to vector<1xf32>
    %reduce_sum3A_91 = vector.shape_cast %reduce_sum3A_90 : vector<1xf32> to vector<1x1x1xf32>
    %reduce_sum3A_92 = vector.extract %reduce_sum3A_91[0, 0, 0] : f32 from vector<1x1x1xf32>
    %mul3A_93 = arith.constant 6.10351549E-7 : f32
    %mul3A_94 = arith.mulf %reduce_sum3A_92, %mul3A_93 : f32
    %swap3A_95 = arith.constant 0 : index
    %swap3A_96 = arith.constant 0 : index
    %swap3A_97 = memref.load %arg6[%swap3A_95, %swap3A_96] : memref<1x1xf32, #tpu.memory_space<smem>>
    memref.store %mul3A_94, %arg6[%swap3A_95, %swap3A_96] : memref<1x1xf32, #tpu.memory_space<smem>>
    return
  }
}

</mosaic_0001>

<sc_bundles>
// kernel: _moe.4.cloned.1.call-start
scs
__scs_entry_jumppad:
0x0: {  	(pc) =	sbr.rel $0x88, $3  }
0x1: {  	(tag) =	ssettag $0x0;
	lr =	simm.s32 $0x1  }
0x2: {  	[smem:$0x3F9E] =	sst lr;
	_ =	strace $0xD0000000  }
0x3: {  	_ = 	snop  }
0x4: {  	_ = 	snop  }
0x5: {  	_ = 	snop  }
0x6: {  	_ = 	snop  }
0x7: {  	_ = 	snop  }
__scs_overlays_trampoline_lowered:
0x8: {  	[smem:$0x3FAD] =	sst s0  }
0x9: {  	[smem:$0x3FAE] =	sst s1  }
0xa: {  	[smem:$0x3FAF] =	sst s2  }
0xb: {  	[smem:$0x3FB0] =	sst s3  }
0xc: {  	[smem:$0x3FB1] =	sst s4  }
0xd: {  	[smem:$0x3FB2] =	sst s5  }
0xe: {  	[smem:$0x3FB3] =	sst s6  }
0xf: {  	[smem:$0x3FB4] =	sst s7  }
0x10: {  	[smem:$0x3FB5] =	sst s8  }
0x11: {  	[smem:$0x3FB6] =	sst s9;
	s0 =	simm.s32 @!p0 $0x0  }
0x12: {  	s1 =	sld [smem:$0x3F9C];
	s0 =	simm.s32 @p0 $0x1  }
0x13: {  	[smem:$0x3FB7] =	sst s0;
	s0 =	simm.s32 @!p1 $0x0  }
0x14: {  	s2 =	sld [smem:$0x3F9B];
	s0 =	simm.s32 @p1 $0x1  }
0x15: {  	[smem:$0x3FB8] =	sst s0;
	s0 =	simm.s32 @!p2 $0x0  }
0x16: {  	s3 =	sld [smem:$0x3FDB];
	s0 =	simm.s32 @p2 $0x1  }
0x17: {  	s4 =	simm.s32 $0x1BF5;
	[smem:$0x3FBA] =	sst s0  }
0x18: {  	s0 =	sld [smem:$0x3F9D];
	_ =	swait.ge [sflag:s4], $0x0  }
0x19: {  	s7 =	sld [smem:$0x3F9E]  }
0x1a: {  	s8 =	sadd.s32 $0xFFFFE003, lr  }
0x1b: {  	s9 =	sadd.s32 $0xFFFFFEF7, lr;
	s5 =	simm.s32 $0xFFFFFFFF;
	p2 =	slt.u32 s8, $0xFFFFF086  }
0x1c: {  	p1 =	slt.u32 s9, $0xF7A;
	s5 =	simm.s32 @!p2 $0x0  }
0x1d: {  	s5 =	simm.s32 @p1 $0x1;
	p0 =	seq.s32 s7, s2  }
0x1e: {  	s7 =	smul.u32 @!p0 $0xF7A, s2;
	p2 =	seq.s32 @!p0 s5, $0x0  }
0x1f: {  	s9 =	smul.u32 $0xF7A, s1;
	s8 =	simm.s32 @!p0 $0x1BF5;
	p2 =	por !p2, p0  }
0x20: {  	[sflag:s8] =	ssyncset.s32 @!p0 $0xFFFFF086;
	s6 =	sadd.s32 @!p0 s3, s7;
	s7 =	simm.s32 @!p0 $0x108  }
0x21: {  	s3 =	sadd.s32 s3, s9;
	s6 =	sadd.s32 @!p0 $0x88, s6;
	s7 =	simm.s32 @p2 $0x1082  }
0x22: {  	[simem:s7], [sflag:s8] =	dma.local @!p0 [hbm:s6], $0xF7A  }
0x23: {  	s9 =	sor.u32 $0xD0000000, s2;
	s6 =	simm.s32 $0x108;
	_ =	swait.ge @!p0 [sflag:s8], $0x0  }
0x24: {  	s3 =	sadd.s32 $0x88, s3;
	s6 =	simm.s32 @!p1 $0x1082;
	[sflag:s4] =	ssyncset.s32 $0xFFFFF086  }
0x25: {  	[simem:s6], [sflag:s4] =	dma.local [hbm:s3], $0xF7A  }
0x26: {  	[smem:$0x3F9E] =	sst s1;
	(tag) =	ssettag s2;
	_ =	strace s9  }
0x27: {  	s1 =	sld [smem:$0x3FAE]  }
0x28: {  	s2 =	sld [smem:$0x3FAF]  }
0x29: {  	s4 =	sld [smem:$0x3FB1]  }
0x2a: {  	p0 =	seq.s32 s5, $0x0;
	s5 =	sld [smem:$0x3FB2]  }
0x2b: {  	s6 =	sld [smem:$0x3FB3]  }
0x2c: {  	s7 =	sld [smem:$0x3FB4]  }
0x2d: {  	s3 =	simm.s32 $0x108;
	s8 =	sld [smem:$0x3FB5]  }
0x2e: {  	s3 =	simm.s32 @!p0 $0x1082;
	s9 =	sld [smem:$0x3FB6]  }
0x2f: {  	lr =	sadd.s32 s0, s3;
	s0 =	sld [smem:$0x3FAD]  }
0x30: {  	s3 =	sld [smem:$0x3FB0]  }
0x31: {  	[smem:$0x3FB9] =	sst s10  }
0x32: {  	s10 =	sld [smem:$0x3FB7];
	_ =	sdelay $0x3  }
0x33: {  	p0 =	seq.s32 s10, $0x1;
	s10 =	sld [smem:$0x3FB9];
	_ =	sdelay $0x3  }
0x34: {  	[smem:$0x3FB9] =	sst s10  }
0x35: {  	s10 =	sld [smem:$0x3FB8];
	_ =	sdelay $0x3  }
0x36: {  	p1 =	seq.s32 s10, $0x1;
	s10 =	sld [smem:$0x3FB9];
	_ =	sdelay $0x3  }
0x37: {  	[smem:$0x3FB9] =	sst s10  }
0x38: {  	s10 =	sld [smem:$0x3FBA]  }
0x39: {  	_ = 	snop;
	(pc) =	sbr.ind lr, $3  }
0x3a: {  	_ = 	snop  }
0x3b: {  	_ = 	snop  }
0x3c: {  	p2 =	seq.s32 s10, $0x1;
	s10 =	sld [smem:$0x3FB9]  }
0x3d: {  	_ =	shalt  }
0x3e: {  	_ =	shalt  }
0x3f: {  	_ =	shalt  }
0x40: {  	_ =	shalt  }
0x41: {  	_ =	shalt  }
0x42: {  	_ =	shalt  }
0x43: {  	_ =	shalt  }
0x44: {  	_ =	shalt  }
0x45: {  	_ =	shalt  }
0x46: {  	_ =	shalt  }
0x47: {  	_ =	shalt  }
0x48: {  	_ =	shalt  }
0x49: {  	_ =	shalt  }
0x4a: {  	_ =	shalt  }
0x4b: {  	_ =	shalt  }
0x4c: {  	_ =	shalt  }
0x4d: {  	_ =	shalt  }
0x4e: {  	_ =	shalt  }
0x4f: {  	_ =	shalt  }
0x50: {  	_ =	shalt  }
0x51: {  	_ =	shalt  }
0x52: {  	_ =	shalt  }
0x53: {  	_ =	shalt  }
0x54: {  	_ =	shalt  }
0x55: {  	_ =	shalt  }
0x56: {  	_ =	shalt  }
0x57: {  	_ =	shalt  }
0x58: {  	_ =	shalt  }
0x59: {  	_ =	shalt  }
0x5a: {  	_ =	shalt  }
0x5b: {  	_ =	shalt  }
0x5c: {  	_ =	shalt  }
0x5d: {  	_ =	shalt  }
0x5e: {  	_ =	shalt  }
0x5f: {  	_ =	shalt  }
0x60: {  	_ =	shalt  }
0x61: {  	_ =	shalt  }
0x62: {  	_ =	shalt  }
0x63: {  	_ =	shalt  }
0x64: {  	_ =	shalt  }
0x65: {  	_ =	shalt  }
0x66: {  	_ =	shalt  }
0x67: {  	_ =	shalt  }
0x68: {  	_ =	shalt  }
0x69: {  	_ =	shalt  }
0x6a: {  	_ =	shalt  }
0x6b: {  	_ =	shalt  }
0x6c: {  	_ =	shalt  }
0x6d: {  	_ =	shalt  }
0x6e: {  	_ =	shalt  }
0x6f: {  	_ =	shalt  }
0x70: {  	_ =	shalt  }
0x71: {  	_ =	shalt  }
0x72: {  	_ =	shalt  }
0x73: {  	_ =	shalt  }
0x74: {  	_ =	shalt  }
0x75: {  	_ =	shalt  }
0x76: {  	_ =	shalt  }
0x77: {  	_ =	shalt  }
0x78: {  	_ =	shalt  }
0x79: {  	_ =	shalt  }
0x7a: {  	_ =	shalt  }
0x7b: {  	_ =	shalt  }
0x7c: {  	_ =	shalt  }
0x7d: {  	_ =	shalt  }
0x7e: {  	_ =	shalt  }
0x7f: {  	_ =	shalt  }
0x80: {  	_ =	shalt  }
0x81: {  	_ =	shalt  }
0x82: {  	_ =	shalt  }
0x83: {  	_ =	shalt  }
0x84: {  	_ =	shalt  }
0x85: {  	_ =	shalt  }
0x86: {  	_ =	shalt  }
0x87: {  	_ =	shalt  }
.Lfunc_end0:
.L_simem_size_0:
called_computation_lowered:
.L_overlay_start_0:
0x88: {  	s2 =	sld [smem:$0x3FD9]  }
0x89: {  	s3 =	sld [smem:$0x3FFE];
	_ =	sdelay $0x1  }
0x8a: {  	s1 =	srdreg.scid  }
0x8b: {  	s0 =	sand.u32 $0x1, s1  }
0x8c: {  	s14 =	sshll.u32 s0, $0xA;
	s2 =	sadd.s32 s3, s2  }
0x8d: {  	s2 =	sadd.s32 s2, s14  }
0x8e: {  	[smem:$0x3FC5] =	sst s2  }
0x8f: {  	_ = 	snop  }
0x90: {  	s2 =	sld [smem:$0x3FD0];
	_ =	sdelay $0x2  }
0x91: {  	s4 =	simm.s32 $0xA;
	s5 =	simm.s32 $0x10;
	s15 =	sld [smem:$0x3FC9]  }
0x92: {  	[smem:s5], [sflag:s4] =	dma.local [hbm:s2], $0x1  }
0x93: {  	_ =	swait.eq [sflag:s4], $0x1  }
0x94: {  	[sflag:s4] =	ssyncset.done $0x0  }
0x95: {  	[sflag:s4] =	ssyncadd.s32 $0xFFFFFFFF  }
0x96: {  	s16 =	sld [smem:$0x10];
	(tm) =	ssettm $0x1  }
0x97: {  	s17 =	sld [smem:$0x3FFB];
	_ =	sdelay $0x3  }
0x98: {  	_ =	strace s17  }
0x99: {  	s4 =	sld [smem:$0x3FFC];
	_ =	sdelay $0x3  }
0x9a: {  	_ =	strace s4  }
0x9b: {  	s4 =	sld [smem:$0x3FFD];
	_ =	sdelay $0x3  }
0x9c: {  	_ =	strace s4  }
0x9d: {  	_ =	strace $0x8FFFFFFF  }
0x9e: {  	s18 =	sld [smem:$0x3FDB];
	_ =	sdelay $0x1  }
0x9f: {  	s19 =	simm.s32 $_scs_section_size  }
0xa0: {  	s6 =	simm.s32 $_size__tile_overlayer_lowered;
	s7 =	simm.s32 $_tile_overlayer_lowered  }
0xa1: {  	s22 =	simm.s32 $0x1BFF;
	s21 =	sshll.u32 s7, $0x1;
	s4 =	sadd.s32 s19, s18  }
0xa2: {  	s8 =	simm.s32 $0x0;
	s20 =	sshll.u32 s6, $0x1;
	s6 =	sadd.s32 s21, s4  }
0xa3: {  	[timem:s8], [sflag:s22] =	dma.local [hbm:s6], s20  }
0xa4: {  	_ =	swait.ge [sflag:s22], s20  }
0xa5: {  	s5 =	ssub.s32 $0x0, s20;
	[sflag:s22] =	ssyncset.done $0x0  }
0xa6: {  	[sflag:s22] =	ssyncadd.s32 s5;
	_ =	sdelay $0x1  }
0xa7: {  	s23 =	simm.s32 $0x1B8B  }
0xa8: {  	_ =	swait.ge [sflag:s23], $0x1  }
0xa9: {  	[sflag:s23] =	ssyncset.done $0x0  }
0xaa: {  	s25 =	simm.s32 $0x1B8E;
	s24 =	sld [smem:$0x3FFE];
	[sflag:s23] =	ssyncadd.s32 $0xFFFFFFFF  }
0xab: {  	s26 =	simm.s32 $execute0_lowered;
	[smem:$0x3FD2] =	sst s25  }
0xac: {  	s6 =	sshll.u32 s26, $0x1;
	_ =	strace $0x80000046;
	[dreg:$0x1] =	wrdreg $0xFFFFFFFF  }
0xad: {  	s28 =	simm.s32 $_size_execute0_lowered;
	s4 =	sadd.s32 s4, s6;
	[dreg:$0x0] =	wrdreg $0x0  }
0xae: {  	s6 =	sshll.u32 s28, $0x1;
	[dreg:$0x2] =	wrdreg s4  }
0xaf: {  	[dreg:$0x3] =	wrdreg s6  }
0xb0: {  	[dreg:$0x4] =	wrdreg $0xC0  }
0xb1: {  	_ =	task [dreg:s8], $0x5FFFF  }
0xb2: {  	[dreg:$0x1] =	wrdreg $0xFFFFFFFF  }
0xb3: {  	[dreg:$0x0] =	wrdreg $0x60  }
0xb4: {  	[dreg:$0x2] =	wrdreg s24  }
0xb5: {  	[dreg:$0x3] =	wrdreg s15  }
0xb6: {  	[dreg:$0x4] =	wrdreg s16  }
0xb7: {  	[dreg:$0x5] =	wrdreg $0x9  }
0xb8: {  	_ =	task.clear_ibuf [dreg:s8], $0x6FFFF;
	_ =	strace $0x90000046  }
0xb9: {  	s29 =	simm.s32 $0x9;
	_ =	strace $0x80000048  }
0xba: {  	_ =	swait.ge [sflag:s29], $0x1  }
0xbb: {  	[sflag:s29] =	ssyncadd.s32 $0xFFFFFFFF  }
0xbc: {  	_ =	strace $0x90000048  }
0xbd: {  	_ =	sfence  }
0xbe: {  	s30 =	sld [smem:$0x0];
	_ =	sdelay $0x2  }
0xbf: {  	s31 =	sshll.u32 s1, $0xD;
	s1 =	sshrl.u32 s1, $0x2  }
0xc0: {  	s3 =	sand.u32 $0x4000, s31;
	s1 =	sadd.s32 s1, s30  }
0xc1: {  	s0 =	sor.u32 s3, s0;
	s1 =	sshll.u32 s1, $0x11  }
0xc2: {  	s0 =	sor.u32 s1, s0  }
0xc3: {  	s0 =	sadd.s32 $0x8F2B, s0  }
0xc4: {  	[sflag:s0] =	ssyncadd.remote.s32 $0x1  }
0xc5: {  	_ =	sfence.sel $0xFFFF  }
0xc6: {  	[dreg:$0x0] =	wrdreg $0xFFFFFFFF;
	(pc) =	sbr.abs _section_cstart, $3  }
0xc7: {  	[dreg:$0x1] =	wrdreg $0xFFFFFFFF  }
0xc8: {  	_ =	task.clear_ibuf [dreg:s8], $0x2FFFF;
	_ =	strace $0x9FFFFFFF  }
0xc9: {  	(tm) =	ssettm $0x7FFFFFFF  }
tec
execute0_lowered:
.L_overlay_start_1:
0x0: {  	(tag) =	ssettag $0x1  }
0x1: {  	s31 =	stileid.u32  }
0x2: {  	p0 =	sgt.u32 s31, $0x7  }
.Ltmp0:
0x3: {  	s0 =	rddreg [dreg:$0x0];
	(pc) =	sbr.rel @p0 .LBB2_12-.Ltmp0, $4  }
0x4: {  	s2 =	rddreg [dreg:$0x2]  }
0x5: {  	s3 =	simm.s32 $0x0;
	[dreg:$0x4] =	wrdreg s2  }
0x6: {  	[smem:$0x7FF] =	sst s3  }
0x7: {  	s1 =	rddreg [dreg:$0x1];
	_ =	strace $0x80000047  }
0x8: {  	s2 =	srdreg.scid  }
0x9: {  	s4 =	sadd.s32 $0x1400, s0;
	s5 =	sadd.s32 $0x1800, s0;
	s8 =	sadd.s32 $0x7CA00, s0  }
0xa: {  	s12 =	sadd.s32 $0x7CC00, s0;
	s13 =	sadd.s32 $0x7CE00, s0;
	s15 =	stileid.u32  }
0xb: {  	s9 =	sadd.s32 $0x200, s1;
	s10 =	sadd.s32 $0x1B00, s0;
	s11 =	sadd.s32 $0x1C00, s0  }
0xc: {  	s20 =	simm.s32 $0x1000;
	s21 =	simm.s32 $0x1C00;
	[dreg:$0x6] =	wrdreg s5  }
0xd: {  	s2 =	sand.u32 $0x1, s2;
	s5 =	sadd.s32 $0x1A00, s0;
	[dreg:$0x7] =	wrdreg s8  }
0xe: {  	s29 =	sshll.u32 s15, $0x9;
	s8 =	sadd.s32 $0x100, s1;
	p2 =	seq.s32 s15, $0x7  }
0xf: {  	p5 =	sgt.u32 s15, $0x3;
	p6 =	sgt.u32 s15, $0x2;
	p3 =	seq.s32 s15, $0x0  }
0x10: {  	s6 =	sshll.u32 s2, $0x4;
	s14 =	ssub.s32 $0x2, s2;
	p0 =	seq.s32 s2, $0x0  }
0x11: {  	v1 =	vlaneseq.u32;
	v10 =	vimm.s32 $0x0;
	s2 =	sor.u32 s15, s2;
	s31 =	sshrl.u32 s29, $0x2;
	s30 =	sshrl.u32 s14, $0x1  }
0x12: {  	vm0 =	vmmov $0x1;
	vm1 =	vcmask $0x308;
	vm2 =	vmmov $0xffff;
	s7 =	sadd.s32 s6, s0;
	s13 =	smov.u32 @p0 s12;
	s0 =	ssub.s32 s14, s30  }
0x13: {  	v0 =	vmov s15;
	v2 =	vor.u32 $0x800, v1;
	v3 =	vor.u32 $0x810, v1;
	s4 =	sadd.s32 s4, s6;
	[dreg:$0xb] =	wrdreg s31;
	s0 =	smax.u32 s0, $0x1  }
0x14: {  	v4 =	vor.u32 $0x820, v1;
	v5 =	vor.u32 $0x830, v1;
	v6 =	vor.u32 $0x840, v1;
	s12 =	simm.s32 $0x80;
	[dreg:$0xa] =	wrdreg s0;
	s0 =	simm.s32 @!p2 $0x0  }
0x15: {  	v7 =	vor.u32 $0x850, v1;
	v8 =	vor.u32 $0x860, v1;
	v9 =	vor.u32 $0x870, v1;
	[dreg:$0x9] =	wrdreg s4;
	s0 =	simm.s32 @p2 $0x1;
	p2 =	sgt.u32 s15, $0x5  }
.Ltmp1:
0x16: {  	v11 =	vadd.s32 $0x1, v1;
	v12 =	vadd.s32 $0x11, v1;
	v13 =	vadd.s32 $0x21, v1;
	[smem:$0x7FB] =	sst s0;
	s0 =	simm.s32 @!p2 $0x0;
	(pc) =	sbr.rel .LBB2_2-.Ltmp1, $4  }
0x17: {  	v14 =	vor.u32 $0x1400, v1;
	v15 =	vor.u32 $0x1410, v1;
	v16 =	vor.u32 $0x1420, v1;
	[dreg:$0x5] =	wrdreg s13;
	s0 =	simm.s32 @p2 $0x1;
	p2 =	sgt.u32 s15, $0x4  }
0x18: {  	v17 =	vor.u32 $0x1430, v1;
	v18 =	vor.u32 $0x1440, v1;
	v19 =	vor.u32 $0x1450, v1;
	s7 =	sadd.s32 $0x1600, s7;
	[smem:$0x7FC] =	sst s0;
	s0 =	simm.s32 @!p2 $0x0  }
0x19: {  	v20 =	vor.u32 $0x1460, v1;
	v21 =	vor.u32 $0x1470, v1;
	v23 =	vshrl.u32 v1, $0x3;
	p1 =	sne.s32 s2, $0x0;
	[dreg:$0x8] =	wrdreg s7;
	s0 =	simm.s32 @p2 $0x1  }
0x1a: {  	v22 =	vand.u32 $0x7, v1;
	v24 =	vor.u32 $0x8, v1;
	v23 =	vmul.u32 $0x8, v23;
	s7 =	simm.s32 $0x0;
	p2 =	sgt.u32 s15, $0x1;
	[smem:$0x7FD] =	sst s0  }
.LBB2_11:
0x1b: {  	s7 =	sadd.s32 $0x1, s7;
	s0 =	rddreg [dreg:$0xa]  }
0x1c: {  	p4 =	sne.s32 s7, s0  }
.Ltmp2:
0x1d: {  	_ = 	snop;
	(pc) =	sbr.rel @!p4 .LBB2_12-.Ltmp2, $1  }
0x1e: {  	_ =	sdelay $0x3  }
.LBB2_2:
0x1f: {  	[dreg:$0xc] =	wrdreg s7;
	s0 =	simm.s32 $0x0  }
0x20: {  	s2 =	rddreg [dreg:$0x9];
	s4 =	simm.s32 $0x100;
	s6 =	simm.s32 $0x3  }
0x21: {  	[tilespmem:s0], [sflag:$0x3] =	stream.strided.gather [hbm4b:s2+s12], $0x800, s4, s12, $0x38;
	[tilespmem:$0x1AD80] =	vst v63  }
0x22: {  	_ =	swait.ge [sflag:s6], $0x800  }
0x23: {  	[sflag:s6] =	ssyncset.done $0x0  }
0x24: {  	s17 =	simm.s32 $0x800;
	s28 =	rddreg [dreg:$0x8];
	[sflag:s6] =	ssyncadd.s32 $0xFFFFF800  }
0x25: {  	[tilespmem:s17], [sflag:$0x3] =	stream.strided.gather [hbm4b:s28+s12], $0x800, s4, s12, $0x38;
	[tilespmem:$0x1AD80] =	vst v63  }
0x26: {  	_ =	swait.ge [sflag:s6], $0x800  }
0x27: {  	[sflag:s6] =	ssyncset.done $0x0  }
0x28: {  	s30 =	simm.s32 $0x2900;
	s29 =	rddreg [dreg:$0x6];
	[sflag:s6] =	ssyncadd.s32 $0xFFFFF800  }
0x29: {  	[tilespmem:s30], [sflag:$0x3] =	stream.linear.gather [hbm4b:s29+s0], $0x400, $0x38;
	[tilespmem:$0x1AD80] =	vst v63  }
0x2a: {  	_ =	swait.ge [sflag:s6], $0x400  }
0x2b: {  	[sflag:s6] =	ssyncset.done $0x0  }
0x2c: {  	[sflag:s6] =	ssyncadd.s32 $0xFFFFFC00  }
0x2d: {  	v30 =	vld [tilespmem:$0x2900]  }
0x2e: {  	v31 =	vld [tilespmem:$0x2980]  }
0x2f: {  	v29 =	vld [tilespmem:$0x2A00]  }
0x30: {  	v28 =	vld [tilespmem:$0x2A80]  }
0x31: {  	v27 =	vld [tilespmem:$0x2B00]  }
0x32: {  	v26 =	vld [tilespmem:$0x2B80]  }
0x33: {  	s31 =	rddreg [dreg:$0xb];
	v25 =	vld [tilespmem:$0x2C00]  }
0x34: {  	s2 =	simm.s32 $0x0;
	s6 =	simm.s32 $0x200;
	v32 =	vld [tilespmem:s31+$0x2900]  }
.LBB2_3:
0x35: {  	p4 =	sne.s32 s6, $0x2000;
	[tilespmem:s2+$0x1070] =	vst v9  }
0x36: {  	[tilespmem:s2+$0x1000] =	vst v2  }
0x37: {  	[tilespmem:s2+$0x1010] =	vst v3  }
.Ltmp3:
0x38: {  	[tilespmem:s2+$0x1020] =	vst v4;
	(pc) =	sbr.rel @p4 .LBB2_3-.Ltmp3, $4  }
0x39: {  	[tilespmem:s2+$0x1030] =	vst v5  }
0x3a: {  	[tilespmem:s2+$0x1040] =	vst v6  }
0x3b: {  	[tilespmem:s2+$0x1050] =	vst v7  }
0x3c: {  	[tilespmem:s2+$0x1060] =	vst v8;
	s2 =	sshra.s32 s6, $0x2;
	s6 =	sadd.s32 $0x200, s6  }
0x3d: {  	[tilespmem:s2+$0x1070] =	vst v9  }
0x3e: {  	[tilespmem:s2+$0x1000] =	vst v2  }
0x3f: {  	[tilespmem:s2+$0x1010] =	vst v3  }
0x40: {  	[tilespmem:s2+$0x1020] =	vst v4  }
0x41: {  	[tilespmem:s2+$0x1030] =	vst v5  }
0x42: {  	[tilespmem:s2+$0x1040] =	vst v6  }
0x43: {  	[tilespmem:s2+$0x1050] =	vst v7  }
0x44: {  	[tilespmem:s2+$0x1060] =	vst v8  }
0x45: {  	v33 =	vld [tilespmem:s0+$0x0];
	_ =	sdelay $0x4  }
0x46: {  	vm3 =	veq.s32 v33, v0  }
0x47: {  	v33 =	vsel vm3, $0x1, v10  }
0x48: {  	(xrf0) =	vadd.scan.msk.s32 $0xffff, v33;
	_ =	sdelay $0x2  }
0x49: {  	v61 =	vmov s0  }
0x4a: {  	v33 =	vadd.s32 $0xFFFFFFFF, v61  }
0x4b: {  	v33 =	vbroadcast v33, $0x0  }
0x4c: {  	v34, _, _ =	vpop (xrf0)  }
0x4d: {  	v33 =	vadd.s32 v34, v33;
	v34 =	vxor.u32 $0x80000000, v34  }
0x4e: {  	(xrf0) =	vmax.scan.msk.u32 $0xffff, v34;
	_ =	sdelay $0x4  }
0x4f: {  	v35 =	vor.u32 s0, v1  }
0x50: {  	s2 =	simm.s32 $0x800;
	[tilespmem:v33+s20+$0x0] =	vst.idx.msk vm3, v35;
	v63, _, _ =	vpop (xrf0)  }
0x51: {  	v62 =	vld [tilespmem:s2+$0x0];
	(v2sf) =	vpush v63, $0xF;
	_ =	sdelay $0x4  }
0x52: {  	s6 =	simm.s32 $0x10;
	[tilespmem:v33+s21+$0x0] =	vst.idx.msk vm3, v62  }
0x53: {  	s22 =	simm.s32 $0x20;
	s17 =	simm.s32 $0x10;
	v33 =	vld [tilespmem:s6+$0x0]  }
.LBB2_5:
0x54: {  	p4 =	sne.s32 s22, $0x7F0;
	_ =	sdelay $0x3  }
0x55: {  	vm3 =	veq.s32 v33, v0  }
0x56: {  	v33 =	vsel vm3, $0x1, v10  }
0x57: {  	(xrf0) =	vadd.scan.msk.s32 $0xffff, v33;
	_ =	sdelay $0x1  }
0x58: {  	s18 =	spop (v2sf)  }
0x59: {  	s0 =	sadd.s32 s18, s0  }
0x5a: {  	s0 =	sadd.s32 $0x80000000, s0  }
0x5b: {  	v33 =	vmov s0  }
0x5c: {  	v33 =	vadd.s32 $0xFFFFFFFF, v33;
	v34, _, _ =	vpop (xrf0)  }
0x5d: {  	v33 =	vbroadcast v33, $0x0;
	v35 =	vxor.u32 $0x80000000, v34  }
0x5e: {  	(xrf0) =	vmax.scan.msk.u32 $0xffff, v35  }
0x5f: {  	v33 =	vadd.s32 v34, v33;
	_ =	sdelay $0x3  }
0x60: {  	v35 =	vor.u32 s6, v1;
	s6 =	smov.u32 s22  }
0x61: {  	s2 =	sadd.s32 $0x10, s2;
	[tilespmem:v33+s20+$0x0] =	vst.idx.msk vm3, v35;
	v34, _, _ =	vpop (xrf0)  }
0x62: {  	v35 =	vld [tilespmem:s2+$0x0];
	(v2sf) =	vpush v34, $0xF;
	_ =	sdelay $0x1  }
.Ltmp4:
0x63: {  	(pc) =	sbr.rel @p4 .LBB2_5-.Ltmp4, $3  }
0x64: {  	_ =	sdelay $0x1  }
0x65: {  	s17 =	sadd.s32 $0x10, s17;
	[tilespmem:v33+s21+$0x0] =	vst.idx.msk vm3, v35  }
0x66: {  	s22 =	sadd.s32 $0x10, s22;
	v33 =	vld [tilespmem:s17+$0x0]  }
0x67: {  	_ =	sdelay $0x3  }
0x68: {  	vm3 =	veq.s32 v33, v0  }
0x69: {  	v33 =	vsel vm3, $0x1, v10  }
0x6a: {  	(xrf0) =	vadd.scan.msk.s32 $0xffff, v33;
	_ =	sdelay $0x5  }
0x6b: {  	v33, _, _ =	vpop (xrf0)  }
0x6c: {  	v35 =	vnsel vm0, $0x0, v32;
	v34 =	vxor.u32 $0x80000000, v33  }
0x6d: {  	v59 =	vsel vm1, $0x0, v32;
	v58 =	vxor.u32 $0x80000000, v35;
	(xrf0) =	vmax.scan.msk.u32 $0xffff, v34  }
0x6e: {  	v32 =	vxor.u32 $0x80000000, v59;
	(xrf0) =	vmax.scan.msk.u32 $0xffff, v58  }
0x6f: {  	(xrf0) =	vmax.scan.msk.u32 $0xffff, v32;
	_ =	sdelay $0x3  }
0x70: {  	v60, _, _ =	vpop (xrf0)  }
0x71: {  	v34, _, _ =	vpop (xrf0);
	(v2sf) =	vpush v60, $0xF  }
0x72: {  	(v2sf) =	vpush v34, $0xF;
	v61, _, _ =	vpop (xrf0)  }
0x73: {  	(v2sf) =	vpush v61, $0xF;
	_ =	sdelay $0x7  }
0x74: {  	s17 =	spop (v2sf)  }
0x75: {  	s0 =	sadd.s32 s17, s0  }
0x76: {  	s0 =	sadd.s32 $0x80000000, s0  }
0x77: {  	v62 =	vmov s0  }
0x78: {  	v32 =	vadd.s32 $0xFFFFFFFF, v62  }
0x79: {  	v32 =	vbroadcast v32, $0x0;
	s26 =	spop (v2sf)  }
0x7a: {  	s0 =	spop (v2sf)  }
0x7b: {  	v32 =	vadd.s32 v33, v32;
	s28 =	spop (v2sf)  }
0x7c: {  	s29 =	sadd.s32 $0x10, s2;
	s2 =	sxor.u32 $0x80000000, s0;
	s30 =	sxor.u32 $0x80000000, s28  }
0x7d: {  	v63 =	vor.u32 s6, v1;
	s6 =	ssub.s32 s30, s2  }
0x7e: {  	s6 =	smov.u32 @p0 s2  }
0x7f: {  	s31 =	sadd.s32 $0x7F, s6  }
0x80: {  	[tilespmem:v32+s20+$0x0] =	vst.idx.msk vm3, v63;
	s0 =	sshrl.u32 s31, $0x7  }
0x81: {  	v33 =	vld [tilespmem:s29+$0x0];
	p4 =	seq.s32 s0, $0x0  }
.Ltmp5:
0x82: {  	_ = 	snop;
	(pc) =	sbr.rel @p4 .LBB2_9-.Ltmp5, $2  }
0x83: {  	_ =	sdelay $0x2  }
0x84: {  	s12 =	simm.s32 $0x80;
	s18 =	rddreg [dreg:$0x1];
	[tilespmem:v32+s21+$0x0] =	vst.idx.msk vm3, v33  }
0x85: {  	v31 =	vsel vm1, $0x0, v31  }
0x86: {  	v30 =	vsel vm1, $0x0, v30;
	v31 =	vxor.u32 $0x80000000, v31  }
0x87: {  	v29 =	vsel vm1, $0x0, v29;
	v30 =	vxor.u32 $0x80000000, v30;
	(xrf0) =	vmax.scan.msk.u32 $0xffff, v31  }
0x88: {  	v28 =	vsel vm1, $0x0, v28;
	v29 =	vxor.u32 $0x80000000, v29;
	(xrf0) =	vmax.scan.msk.u32 $0xffff, v30  }
0x89: {  	v28 =	vxor.u32 $0x80000000, v28;
	(xrf0) =	vmax.scan.msk.u32 $0xffff, v29  }
0x8a: {  	(xrf0) =	vmax.scan.msk.u32 $0xffff, v28  }
0x8b: {  	v27 =	vsel vm1, $0x0, v27  }
0x8c: {  	v26 =	vsel vm1, $0x0, v26;
	v27 =	vxor.u32 $0x80000000, v27  }
0x8d: {  	v26 =	vxor.u32 $0x80000000, v26;
	v62, _, _ =	vpop (xrf0);
	(xrf0) =	vmax.scan.msk.u32 $0xffff, v27  }
0x8e: {  	v25 =	vsel vm1, $0x0, v25;
	(v2sf) =	vpush v62, $0xF;
	v63, _, _ =	vpop (xrf0);
	(xrf0) =	vmax.scan.msk.u32 $0xffff, v26  }
0x8f: {  	v25 =	vxor.u32 $0x80000000, v25;
	(v2sf) =	vpush v63, $0xF;
	v27, _, _ =	vpop (xrf0)  }
0x90: {  	(xrf0) =	vmax.scan.msk.u32 $0xffff, v25;
	(v2sf) =	vpush v27, $0xF;
	v26, _, _ =	vpop (xrf0)  }
0x91: {  	(v2sf) =	vpush v26, $0xF;
	_ =	sdelay $0x1  }
0x92: {  	v25, _, _ =	vpop (xrf0)  }
0x93: {  	v26, _, _ =	vpop (xrf0);
	(v2sf) =	vpush v25, $0xF  }
0x94: {  	(v2sf) =	vpush v26, $0xF  }
0x95: {  	v25, _, _ =	vpop (xrf0)  }
0x96: {  	(v2sf) =	vpush v25, $0xF;
	_ =	sdelay $0x3  }
0x97: {  	s7 =	sld [smem:$0x7FD]  }
0x98: {  	s30 =	sld [smem:$0x7FC]  }
0x99: {  	s31 =	sld [smem:$0x7FB];
	s17 =	spop (v2sf)  }
0x9a: {  	p4 =	seq.s32 s7, $0x1;
	s1 =	spop (v2sf);
	s17 =	sadd.s32 $0x8000007F, s17  }
0x9b: {  	s22 =	spop (v2sf);
	s17 =	sand.u32 $0xFFFFFF80, s17;
	s1 =	sadd.s32 $0x8000007F, s1  }
0x9c: {  	s4 =	spop (v2sf);
	s1 =	sand.u32 $0xFFFFFF80, s1;
	s22 =	sadd.s32 $0x8000007F, s22  }
0x9d: {  	s17 =	simm.s32 @!p2 $0x0;
	s1 =	simm.s32 @p3 $0x0;
	s22 =	sand.u32 $0xFFFFFF80, s22  }
0x9e: {  	s4 =	sadd.s32 $0x8000007F, s4;
	s17 =	sadd.s32 s1, s17;
	s22 =	simm.s32 @!p6 $0x0  }
0x9f: {  	s4 =	sand.u32 $0xFFFFFF80, s4;
	s24 =	spop (v2sf);
	s17 =	sadd.s32 s22, s17  }
0xa0: {  	s4 =	simm.s32 @!p5 $0x0;
	s25 =	spop (v2sf);
	s26 =	sadd.s32 $0x8000007F, s24  }
0xa1: {  	s4 =	sadd.s32 s4, s17;
	s17 =	sand.u32 $0xFFFFFF80, s26;
	s28 =	sadd.s32 $0x8000007F, s25  }
0xa2: {  	s29 =	spop (v2sf);
	s17 =	simm.s32 @!p4 $0x0;
	s1 =	sand.u32 $0xFFFFFF80, s28  }
0xa3: {  	s22 =	sadd.s32 $0x8000007F, s29;
	p4 =	seq.s32 s30, $0x1;
	s4 =	sadd.s32 s17, s4  }
0xa4: {  	s1 =	simm.s32 @!p4 $0x0;
	s17 =	sand.u32 $0xFFFFFF80, s22;
	p4 =	seq.s32 s31, $0x1  }
0xa5: {  	s4 =	sadd.s32 s1, s4;
	s17 =	simm.s32 @!p4 $0x0  }
0xa6: {  	s2 =	simm.s32 @p0 $0x0;
	s4 =	sadd.s32 s17, s4  }
0xa7: {  	v25 =	vmov s6;
	s6 =	simm.s32 $0x1000;
	s2 =	sadd.s32 s2, s4  }
0xa8: {  	s22 =	simm.s32 $0x70;
	s17 =	simm.s32 $0x2D00;
	v26 =	vmov s2;
	s2 =	simm.s32 $0x1C00  }
.LBB2_8:
0xa9: {  	s4 =	sadd.s32 $0xFFFFFF90, s22  }
0xaa: {  	v27 =	vor.u32 s4, v1  }
0xab: {  	vm3 =	vlt.s32 v27, v25;
	v27 =	vadd.s32 v26, v27  }
0xac: {  	v27 =	vsel vm3, v27, v14  }
0xad: {  	[tilespmem:$0x2800] =	vst v27  }
0xae: {  	v27 =	vld [tilespmem:s6+$0x0];
	_ =	sdelay $0x3  }
0xaf: {  	s28 =	sadd.s32 $0xFFFFFFA0, s22  }
0xb0: {  	v28 =	vor.u32 s28, v1;
	vm3 =	vlt.s32 v27, $0x7FF  }
0xb1: {  	v27 =	vnsel vm3, $0x7FF, v27;
	vm3 =	vlt.s32 v28, v25;
	v28 =	vadd.s32 v26, v28  }
0xb2: {  	[tilespmem:$0x2880] =	vst v27;
	v27 =	vsel vm3, v28, v15  }
0xb3: {  	[tilespmem:$0x2810] =	vst v27  }
0xb4: {  	v27 =	vld [tilespmem:s6+$0x10];
	_ =	sdelay $0x3  }
0xb5: {  	s29 =	sadd.s32 $0xFFFFFFB0, s22  }
0xb6: {  	v41 =	vor.u32 s29, v1;
	vm3 =	vlt.s32 v27, $0x7FF  }
0xb7: {  	v28 =	vadd.s32 v26, v41;
	v27 =	vnsel vm3, $0x7FF, v27;
	vm3 =	vlt.s32 v41, v25  }
0xb8: {  	[tilespmem:$0x2890] =	vst v27;
	v27 =	vsel vm3, v28, v16  }
0xb9: {  	[tilespmem:$0x2820] =	vst v27  }
0xba: {  	v27 =	vld [tilespmem:s6+$0x20];
	_ =	sdelay $0x3  }
0xbb: {  	s30 =	sadd.s32 $0xFFFFFFC0, s22  }
0xbc: {  	v42 =	vor.u32 s30, v1;
	vm3 =	vlt.s32 v27, $0x7FF  }
0xbd: {  	v28 =	vadd.s32 v26, v42;
	v27 =	vnsel vm3, $0x7FF, v27;
	vm3 =	vlt.s32 v42, v25  }
0xbe: {  	[tilespmem:$0x28A0] =	vst v27;
	v27 =	vsel vm3, v28, v17  }
0xbf: {  	[tilespmem:$0x2830] =	vst v27  }
0xc0: {  	v27 =	vld [tilespmem:s6+$0x30];
	_ =	sdelay $0x3  }
0xc1: {  	s31 =	sadd.s32 $0xFFFFFFD0, s22  }
0xc2: {  	v43 =	vor.u32 s31, v1;
	vm3 =	vlt.s32 v27, $0x7FF  }
0xc3: {  	v28 =	vadd.s32 v26, v43;
	v27 =	vnsel vm3, $0x7FF, v27;
	vm3 =	vlt.s32 v43, v25  }
0xc4: {  	[tilespmem:$0x28B0] =	vst v27;
	v27 =	vsel vm3, v28, v18  }
0xc5: {  	[tilespmem:$0x2840] =	vst v27  }
0xc6: {  	v27 =	vld [tilespmem:s6+$0x40];
	_ =	sdelay $0x3  }
0xc7: {  	s1 =	sadd.s32 $0xFFFFFFE0, s22  }
0xc8: {  	v44 =	vor.u32 s1, v1;
	vm3 =	vlt.s32 v27, $0x7FF  }
0xc9: {  	v28 =	vadd.s32 v26, v44;
	v27 =	vnsel vm3, $0x7FF, v27;
	vm3 =	vlt.s32 v44, v25  }
0xca: {  	[tilespmem:$0x28C0] =	vst v27;
	v27 =	vsel vm3, v28, v19  }
0xcb: {  	[tilespmem:$0x2850] =	vst v27  }
0xcc: {  	v27 =	vld [tilespmem:s6+$0x50];
	_ =	sdelay $0x3  }
0xcd: {  	s7 =	sadd.s32 $0xFFFFFFF0, s22  }
0xce: {  	v45 =	vor.u32 s7, v1;
	vm3 =	vlt.s32 v27, $0x7FF  }
0xcf: {  	v28 =	vadd.s32 v26, v45;
	v27 =	vnsel vm3, $0x7FF, v27;
	vm3 =	vlt.s32 v45, v25  }
0xd0: {  	[tilespmem:$0x28D0] =	vst v27;
	v27 =	vsel vm3, v28, v20  }
0xd1: {  	v46 =	vld [tilespmem:$0x2880];
	[tilespmem:$0x2860] =	vst v27  }
0xd2: {  	v27 =	vld [tilespmem:s6+$0x60];
	_ =	sdelay $0x4  }
0xd3: {  	v29 =	vor.u32 s22, v1;
	v30 =	vshrl.u32 v46, $0x3;
	vm3 =	vlt.s32 v27, $0x7FF  }
0xd4: {  	v27 =	vnsel vm3, $0x7FF, v27;
	vm3 =	vlt.s32 v29, v25;
	v29 =	vadd.s32 v26, v29  }
0xd5: {  	v47 =	vmul.u32 $0x30, v30;
	[tilespmem:$0x28E0] =	vst v27;
	v27 =	vsel vm3, v29, v21  }
0xd6: {  	[tilespmem:$0x2870] =	vst v27;
	v27 =	vand.u32 $0x7, v46  }
0xd7: {  	v48 =	vld [tilespmem:s6+$0x70];
	v27 =	vor.u32 v27, v47  }
0xd8: {  	v29 =	vperm.xlane v27, v22;
	_ =	sdelay $0x1  }
0xd9: {  	v29 =	vadd.s32 v23, v29;
	_ =	sdelay $0x1  }
0xda: {  	vm3 =	vlt.s32 v48, $0x7FF  }
0xdb: {  	v28 =	vnsel vm3, $0x7FF, v48  }
0xdc: {  	v27 =	vperm.xlane v27, v24;
	[tilespmem:$0x28F0] =	vst v28  }
0xdd: {  	[tilespmem:s17], [sflag:$0x1] =	stream.indirect_vreg.gather [hbm4b:s18+s3], $0x80, v29, vm2, $0xb8;
	[tilespmem:$0x1AD80] =	vst v63  }
0xde: {  	s26 =	simm.s32 $0x3500;
	v27 =	vadd.s32 v23, v27  }
0xdf: {  	[tilespmem:s26], [sflag:$0x1] =	stream.indirect_vreg.gather [hbm4b:s8+s3], $0x80, v29, vm2, $0xb8;
	[tilespmem:$0x1AD80] =	vst v63  }
0xe0: {  	s4 =	simm.s32 $0x3D00  }
0xe1: {  	[tilespmem:s4], [sflag:$0x1] =	stream.indirect_vreg.gather [hbm4b:s9+s3], $0x80, v29, vm2, $0xb8;
	[tilespmem:$0x1AD80] =	vst v63  }
0xe2: {  	s17 =	simm.s32 $0x4500  }
0xe3: {  	[tilespmem:s17], [sflag:$0x1] =	stream.indirect_vreg.gather [hbm4b:s18+s3], $0x80, v27, vm2, $0xb8;
	[tilespmem:$0x1AD80] =	vst v63  }
0xe4: {  	s28 =	simm.s32 $0x4D00  }
0xe5: {  	[tilespmem:s28], [sflag:$0x1] =	stream.indirect_vreg.gather [hbm4b:s8+s3], $0x80, v27, vm2, $0xb8;
	[tilespmem:$0x1AD80] =	vst v63  }
0xe6: {  	s28 =	simm.s32 $0x5500  }
0xe7: {  	[tilespmem:s28], [sflag:$0x1] =	stream.indirect_vreg.gather [hbm4b:s9+s3], $0x80, v27, vm2, $0xb8;
	[tilespmem:$0x1AD80] =	vst v63  }
0xe8: {  	v27 =	vld [tilespmem:$0x2890];
	_ =	sdelay $0x4  }
0xe9: {  	v49 =	vshrl.u32 v27, $0x3  }
0xea: {  	v28 =	vmul.u32 $0x30, v49  }
0xeb: {  	v27 =	vand.u32 $0x7, v27  }
0xec: {  	v27 =	vor.u32 v27, v28  }
0xed: {  	v28 =	vperm.xlane v27, v22;
	_ =	sdelay $0x1  }
0xee: {  	v28 =	vadd.s32 v23, v28;
	_ =	sdelay $0x3  }
0xef: {  	s29 =	simm.s32 $0x5D00;
	v27 =	vperm.xlane v27, v24  }
0xf0: {  	[tilespmem:s29], [sflag:$0x1] =	stream.indirect_vreg.gather [hbm4b:s18+s3], $0x80, v28, vm2, $0xb8;
	[tilespmem:$0x1AD80] =	vst v63  }
0xf1: {  	v27 =	vadd.s32 v23, v27;
	s29 =	simm.s32 $0x6500  }
0xf2: {  	[tilespmem:s29], [sflag:$0x1] =	stream.indirect_vreg.gather [hbm4b:s8+s3], $0x80, v28, vm2, $0xb8;
	[tilespmem:$0x1AD80] =	vst v63  }
0xf3: {  	s7 =	simm.s32 $0x6D00  }
0xf4: {  	[tilespmem:s7], [sflag:$0x1] =	stream.indirect_vreg.gather [hbm4b:s9+s3], $0x80, v28, vm2, $0xb8;
	[tilespmem:$0x1AD80] =	vst v63  }
0xf5: {  	s7 =	simm.s32 $0x7500  }
0xf6: {  	[tilespmem:s7], [sflag:$0x1] =	stream.indirect_vreg.gather [hbm4b:s18+s3], $0x80, v27, vm2, $0xb8;
	[tilespmem:$0x1AD80] =	vst v63  }
0xf7: {  	s15 =	simm.s32 $0x7D00  }
0xf8: {  	[tilespmem:s15], [sflag:$0x1] =	stream.indirect_vreg.gather [hbm4b:s8+s3], $0x80, v27, vm2, $0xb8;
	[tilespmem:$0x1AD80] =	vst v63  }
0xf9: {  	s15 =	simm.s32 $0x8500  }
0xfa: {  	[tilespmem:s15], [sflag:$0x1] =	stream.indirect_vreg.gather [hbm4b:s9+s3], $0x80, v27, vm2, $0xb8;
	[tilespmem:$0x1AD80] =	vst v63  }
0xfb: {  	v27 =	vld [tilespmem:$0x28A0];
	_ =	sdelay $0x4  }
0xfc: {  	v50 =	vshrl.u32 v27, $0x3  }
0xfd: {  	v28 =	vmul.u32 $0x30, v50  }
0xfe: {  	v27 =	vand.u32 $0x7, v27  }
0xff: {  	v27 =	vor.u32 v27, v28  }
0x100: {  	v28 =	vperm.xlane v27, v22;
	_ =	sdelay $0x1  }
0x101: {  	v28 =	vadd.s32 v23, v28;
	_ =	sdelay $0x3  }
0x102: {  	s12 =	simm.s32 $0x8D00;
	v27 =	vperm.xlane v27, v24  }
0x103: {  	[tilespmem:s12], [sflag:$0x1] =	stream.indirect_vreg.gather [hbm4b:s18+s3], $0x80, v28, vm2, $0xb8;
	[tilespmem:$0x1AD80] =	vst v63  }
0x104: {  	v27 =	vadd.s32 v23, v27;
	s12 =	simm.s32 $0x9500  }
0x105: {  	[tilespmem:s12], [sflag:$0x1] =	stream.indirect_vreg.gather [hbm4b:s8+s3], $0x80, v28, vm2, $0xb8;
	[tilespmem:$0x1AD80] =	vst v63  }
0x106: {  	s13 =	simm.s32 $0x9D00  }
0x107: {  	[tilespmem:s13], [sflag:$0x1] =	stream.indirect_vreg.gather [hbm4b:s9+s3], $0x80, v28, vm2, $0xb8;
	[tilespmem:$0x1AD80] =	vst v63  }
0x108: {  	s13 =	simm.s32 $0xA500  }
0x109: {  	[tilespmem:s13], [sflag:$0x1] =	stream.indirect_vreg.gather [hbm4b:s18+s3], $0x80, v27, vm2, $0xb8;
	[tilespmem:$0x1AD80] =	vst v63  }
0x10a: {  	s19 =	simm.s32 $0xAD00  }
0x10b: {  	[tilespmem:s19], [sflag:$0x1] =	stream.indirect_vreg.gather [hbm4b:s8+s3], $0x80, v27, vm2, $0xb8;
	[tilespmem:$0x1AD80] =	vst v63  }
0x10c: {  	s19 =	simm.s32 $0xB500  }
0x10d: {  	[tilespmem:s19], [sflag:$0x1] =	stream.indirect_vreg.gather [hbm4b:s9+s3], $0x80, v27, vm2, $0xb8;
	[tilespmem:$0x1AD80] =	vst v63  }
0x10e: {  	v27 =	vld [tilespmem:$0x28B0];
	_ =	sdelay $0x4  }
0x10f: {  	v51 =	vshrl.u32 v27, $0x3  }
0x110: {  	v28 =	vmul.u32 $0x30, v51  }
0x111: {  	v27 =	vand.u32 $0x7, v27  }
0x112: {  	v27 =	vor.u32 v27, v28  }
0x113: {  	v28 =	vperm.xlane v27, v22;
	_ =	sdelay $0x1  }
0x114: {  	v28 =	vadd.s32 v23, v28;
	_ =	sdelay $0x3  }
0x115: {  	s16 =	simm.s32 $0xBD00;
	v27 =	vperm.xlane v27, v24  }
0x116: {  	[tilespmem:s16], [sflag:$0x1] =	stream.indirect_vreg.gather [hbm4b:s18+s3], $0x80, v28, vm2, $0xb8;
	[tilespmem:$0x1AD80] =	vst v63  }
0x117: {  	v27 =	vadd.s32 v23, v27;
	s16 =	simm.s32 $0xC500  }
0x118: {  	[tilespmem:s16], [sflag:$0x1] =	stream.indirect_vreg.gather [hbm4b:s8+s3], $0x80, v28, vm2, $0xb8;
	[tilespmem:$0x1AD80] =	vst v63  }
0x119: {  	s23 =	simm.s32 $0xCD00  }
0x11a: {  	[tilespmem:s23], [sflag:$0x1] =	stream.indirect_vreg.gather [hbm4b:s9+s3], $0x80, v28, vm2, $0xb8;
	[tilespmem:$0x1AD80] =	vst v63  }
0x11b: {  	s23 =	simm.s32 $0xD500  }
0x11c: {  	[tilespmem:s23], [sflag:$0x1] =	stream.indirect_vreg.gather [hbm4b:s18+s3], $0x80, v27, vm2, $0xb8;
	[tilespmem:$0x1AD80] =	vst v63  }
0x11d: {  	s24 =	simm.s32 $0xDD00  }
0x11e: {  	[tilespmem:s24], [sflag:$0x1] =	stream.indirect_vreg.gather [hbm4b:s8+s3], $0x80, v27, vm2, $0xb8;
	[tilespmem:$0x1AD80] =	vst v63  }
0x11f: {  	s24 =	simm.s32 $0xE500  }
0x120: {  	[tilespmem:s24], [sflag:$0x1] =	stream.indirect_vreg.gather [hbm4b:s9+s3], $0x80, v27, vm2, $0xb8;
	[tilespmem:$0x1AD80] =	vst v63  }
0x121: {  	v27 =	vld [tilespmem:$0x28C0];
	_ =	sdelay $0x4  }
0x122: {  	v52 =	vshrl.u32 v27, $0x3  }
0x123: {  	v28 =	vmul.u32 $0x30, v52  }
0x124: {  	v27 =	vand.u32 $0x7, v27  }
0x125: {  	v27 =	vor.u32 v27, v28  }
0x126: {  	v28 =	vperm.xlane v27, v22;
	_ =	sdelay $0x1  }
0x127: {  	v28 =	vadd.s32 v23, v28;
	_ =	sdelay $0x3  }
0x128: {  	s14 =	simm.s32 $0xED00;
	v27 =	vperm.xlane v27, v24  }
0x129: {  	[tilespmem:s14], [sflag:$0x1] =	stream.indirect_vreg.gather [hbm4b:s18+s3], $0x80, v28, vm2, $0xb8;
	[tilespmem:$0x1AD80] =	vst v63  }
0x12a: {  	v27 =	vadd.s32 v23, v27;
	s14 =	simm.s32 $0xF500  }
0x12b: {  	[tilespmem:s14], [sflag:$0x1] =	stream.indirect_vreg.gather [hbm4b:s8+s3], $0x80, v28, vm2, $0xb8;
	[tilespmem:$0x1AD80] =	vst v63  }
0x12c: {  	s25 =	simm.s32 $0xFD00  }
0x12d: {  	[tilespmem:s25], [sflag:$0x1] =	stream.indirect_vreg.gather [hbm4b:s9+s3], $0x80, v28, vm2, $0xb8;
	[tilespmem:$0x1AD80] =	vst v63  }
0x12e: {  	s25 =	simm.s32 $0x10500  }
0x12f: {  	[tilespmem:s25], [sflag:$0x1] =	stream.indirect_vreg.gather [hbm4b:s18+s3], $0x80, v27, vm2, $0xb8;
	[tilespmem:$0x1AD80] =	vst v63  }
0x130: {  	s1 =	simm.s32 $0x10D00  }
0x131: {  	[tilespmem:s1], [sflag:$0x1] =	stream.indirect_vreg.gather [hbm4b:s8+s3], $0x80, v27, vm2, $0xb8;
	[tilespmem:$0x1AD80] =	vst v63  }
0x132: {  	s30 =	simm.s32 $0x11500  }
0x133: {  	[tilespmem:s30], [sflag:$0x1] =	stream.indirect_vreg.gather [hbm4b:s9+s3], $0x80, v27, vm2, $0xb8;
	[tilespmem:$0x1AD80] =	vst v63  }
0x134: {  	v27 =	vld [tilespmem:$0x28D0];
	_ =	sdelay $0x4  }
0x135: {  	v53 =	vshrl.u32 v27, $0x3  }
0x136: {  	v28 =	vmul.u32 $0x30, v53  }
0x137: {  	v27 =	vand.u32 $0x7, v27  }
0x138: {  	v27 =	vor.u32 v27, v28  }
0x139: {  	v28 =	vperm.xlane v27, v22;
	_ =	sdelay $0x1  }
0x13a: {  	v28 =	vadd.s32 v23, v28;
	_ =	sdelay $0x3  }
0x13b: {  	s31 =	simm.s32 $0x11D00;
	v27 =	vperm.xlane v27, v24  }
0x13c: {  	[tilespmem:s31], [sflag:$0x1] =	stream.indirect_vreg.gather [hbm4b:s18+s3], $0x80, v28, vm2, $0xb8;
	[tilespmem:$0x1AD80] =	vst v63  }
0x13d: {  	s17 =	simm.s32 $0x12500;
	v27 =	vadd.s32 v23, v27  }
0x13e: {  	[tilespmem:s17], [sflag:$0x1] =	stream.indirect_vreg.gather [hbm4b:s8+s3], $0x80, v28, vm2, $0xb8;
	[tilespmem:$0x1AD80] =	vst v63  }
0x13f: {  	s4 =	simm.s32 $0x12D00  }
0x140: {  	[tilespmem:s4], [sflag:$0x1] =	stream.indirect_vreg.gather [hbm4b:s9+s3], $0x80, v28, vm2, $0xb8;
	[tilespmem:$0x1AD80] =	vst v63  }
0x141: {  	s17 =	simm.s32 $0x13500  }
0x142: {  	[tilespmem:s17], [sflag:$0x1] =	stream.indirect_vreg.gather [hbm4b:s18+s3], $0x80, v27, vm2, $0xb8;
	[tilespmem:$0x1AD80] =	vst v63  }
0x143: {  	s4 =	simm.s32 $0x13D00  }
0x144: {  	[tilespmem:s4], [sflag:$0x1] =	stream.indirect_vreg.gather [hbm4b:s8+s3], $0x80, v27, vm2, $0xb8;
	[tilespmem:$0x1AD80] =	vst v63  }
0x145: {  	s17 =	simm.s32 $0x14500  }
0x146: {  	[tilespmem:s17], [sflag:$0x1] =	stream.indirect_vreg.gather [hbm4b:s9+s3], $0x80, v27, vm2, $0xb8;
	[tilespmem:$0x1AD80] =	vst v63  }
0x147: {  	v27 =	vld [tilespmem:$0x28E0];
	_ =	sdelay $0x4  }
0x148: {  	v54 =	vshrl.u32 v27, $0x3  }
0x149: {  	v28 =	vmul.u32 $0x30, v54  }
0x14a: {  	v27 =	vand.u32 $0x7, v27  }
0x14b: {  	v27 =	vor.u32 v27, v28  }
0x14c: {  	v28 =	vperm.xlane v27, v22;
	_ =	sdelay $0x1  }
0x14d: {  	v28 =	vadd.s32 v23, v28;
	_ =	sdelay $0x3  }
0x14e: {  	s4 =	simm.s32 $0x14D00;
	v27 =	vperm.xlane v27, v24  }
0x14f: {  	[tilespmem:s4], [sflag:$0x1] =	stream.indirect_vreg.gather [hbm4b:s18+s3], $0x80, v28, vm2, $0xb8;
	[tilespmem:$0x1AD80] =	vst v63  }
0x150: {  	s17 =	simm.s32 $0x15500;
	v27 =	vadd.s32 v23, v27  }
0x151: {  	[tilespmem:s17], [sflag:$0x1] =	stream.indirect_vreg.gather [hbm4b:s8+s3], $0x80, v28, vm2, $0xb8;
	[tilespmem:$0x1AD80] =	vst v63  }
0x152: {  	s4 =	simm.s32 $0x15D00  }
0x153: {  	[tilespmem:s4], [sflag:$0x1] =	stream.indirect_vreg.gather [hbm4b:s9+s3], $0x80, v28, vm2, $0xb8;
	[tilespmem:$0x1AD80] =	vst v63  }
0x154: {  	s17 =	simm.s32 $0x16500  }
0x155: {  	[tilespmem:s17], [sflag:$0x1] =	stream.indirect_vreg.gather [hbm4b:s18+s3], $0x80, v27, vm2, $0xb8;
	[tilespmem:$0x1AD80] =	vst v63  }
0x156: {  	s4 =	simm.s32 $0x16D00  }
0x157: {  	[tilespmem:s4], [sflag:$0x1] =	stream.indirect_vreg.gather [hbm4b:s8+s3], $0x80, v27, vm2, $0xb8;
	[tilespmem:$0x1AD80] =	vst v63  }
0x158: {  	s17 =	simm.s32 $0x17500  }
0x159: {  	[tilespmem:s17], [sflag:$0x1] =	stream.indirect_vreg.gather [hbm4b:s9+s3], $0x80, v27, vm2, $0xb8;
	[tilespmem:$0x1AD80] =	vst v63  }
0x15a: {  	v27 =	vld [tilespmem:$0x28F0];
	_ =	sdelay $0x4  }
0x15b: {  	v55 =	vshrl.u32 v27, $0x3  }
0x15c: {  	v28 =	vmul.u32 $0x30, v55  }
0x15d: {  	v27 =	vand.u32 $0x7, v27  }
0x15e: {  	v27 =	vor.u32 v27, v28  }
0x15f: {  	v28 =	vperm.xlane v27, v22;
	_ =	sdelay $0x1  }
0x160: {  	v28 =	vadd.s32 v23, v28;
	_ =	sdelay $0x3  }
0x161: {  	s4 =	simm.s32 $0x17D00;
	v27 =	vperm.xlane v27, v24  }
0x162: {  	[tilespmem:s4], [sflag:$0x1] =	stream.indirect_vreg.gather [hbm4b:s18+s3], $0x80, v28, vm2, $0xb8;
	[tilespmem:$0x1AD80] =	vst v63  }
0x163: {  	s17 =	simm.s32 $0x18500;
	v27 =	vadd.s32 v23, v27  }
0x164: {  	[tilespmem:s17], [sflag:$0x1] =	stream.indirect_vreg.gather [hbm4b:s8+s3], $0x80, v28, vm2, $0xb8;
	[tilespmem:$0x1AD80] =	vst v63  }
0x165: {  	s4 =	simm.s32 $0x18D00  }
0x166: {  	[tilespmem:s4], [sflag:$0x1] =	stream.indirect_vreg.gather [hbm4b:s9+s3], $0x80, v28, vm2, $0xb8;
	[tilespmem:$0x1AD80] =	vst v63  }
0x167: {  	s17 =	simm.s32 $0x19500  }
0x168: {  	[tilespmem:s17], [sflag:$0x1] =	stream.indirect_vreg.gather [hbm4b:s18+s3], $0x80, v27, vm2, $0xb8;
	[tilespmem:$0x1AD80] =	vst v63  }
0x169: {  	s4 =	simm.s32 $0x19D00  }
0x16a: {  	[tilespmem:s4], [sflag:$0x1] =	stream.indirect_vreg.gather [hbm4b:s8+s3], $0x80, v27, vm2, $0xb8;
	[tilespmem:$0x1AD80] =	vst v63  }
0x16b: {  	s17 =	simm.s32 $0x1A500  }
0x16c: {  	[tilespmem:s17], [sflag:$0x1] =	stream.indirect_vreg.gather [hbm4b:s9+s3], $0x80, v27, vm2, $0xb8;
	[tilespmem:$0x1AD80] =	vst v63  }
0x16d: {  	s12 =	simm.s32 $0x80;
	s1 =	simm.s32 $0x2800;
	s4 =	rddreg [dreg:$0x4]  }
0x16e: {  	[hbm4b:s4+s12] =	stream.indirect.scatter [tilespmem:s2], [sflag:$0x2], $0x1, s1, s12, $0xb8;
	[tilespmem:$0x1AD80] =	vst v63  }
0x16f: {  	s30 =	simm.s32 $0x2;
	s17 =	rddreg [dreg:$0x5]  }
0x170: {  	[hbm4b:s17+s12] =	stream.indirect.scatter [tilespmem:s1], [sflag:$0x2], $0x1, s6, s12, $0xb8;
	[tilespmem:$0x1AD80] =	vst v63  }
0x171: {  	_ =	swait.ge [sflag:s30], $0x80  }
0x172: {  	[sflag:s30] =	ssyncset.done $0x0  }
0x173: {  	s31 =	simm.s32 $0x1;
	[sflag:s30] =	ssyncadd.s32 $0xFFFFFF80  }
0x174: {  	_ =	swait.ge [sflag:s31], $0x18000  }
0x175: {  	[sflag:s31] =	ssyncset.done $0x0  }
0x176: {  	[sflag:s31] =	ssyncadd.s32 $0xFFFE8000  }
0x177: {  	_ =	swait.ge [sflag:s30], $0x80  }
0x178: {  	[sflag:s30] =	ssyncset.done $0x0  }
0x179: {  	[sflag:s30] =	ssyncadd.s32 $0xFFFFFF80  }
0x17a: {  	v27 =	vld [tilespmem:$0x2800];
	_ =	sdelay $0x4  }
0x17b: {  	v56 =	vshrl.u32 v27, $0x3  }
0x17c: {  	v28 =	vmul.u32 $0x30, v56  }
0x17d: {  	v27 =	vand.u32 $0x7, v27  }
0x17e: {  	v27 =	vor.u32 v27, v28  }
0x17f: {  	v28 =	vperm.xlane v27, v22;
	_ =	sdelay $0x1  }
0x180: {  	v28 =	vadd.s32 v23, v28;
	_ =	sdelay $0x3  }
0x181: {  	s17 =	simm.s32 $0x2D00;
	v27 =	vperm.xlane v27, v24  }
0x182: {  	[hbm4b:s5+s3] =	stream.indirect_vreg.scatter [tilespmem:s17], [sflag:$0x1], $0x80, v28, vm2, $0xb8;
	[tilespmem:$0x1AD80] =	vst v63  }
0x183: {  	s26 =	simm.s32 $0x3500;
	v27 =	vadd.s32 v23, v27  }
0x184: {  	[hbm4b:s10+s3] =	stream.indirect_vreg.scatter [tilespmem:s26], [sflag:$0x1], $0x80, v28, vm2, $0xb8;
	[tilespmem:$0x1AD80] =	vst v63  }
0x185: {  	s1 =	simm.s32 $0x3D00  }
0x186: {  	[hbm4b:s11+s3] =	stream.indirect_vreg.scatter [tilespmem:s1], [sflag:$0x1], $0x80, v28, vm2, $0xb8;
	[tilespmem:$0x1AD80] =	vst v63  }
0x187: {  	s30 =	simm.s32 $0x4500  }
0x188: {  	[hbm4b:s5+s3] =	stream.indirect_vreg.scatter [tilespmem:s30], [sflag:$0x1], $0x80, v27, vm2, $0xb8;
	[tilespmem:$0x1AD80] =	vst v63  }
0x189: {  	s1 =	simm.s32 $0x4D00  }
0x18a: {  	[hbm4b:s10+s3] =	stream.indirect_vreg.scatter [tilespmem:s1], [sflag:$0x1], $0x80, v27, vm2, $0xb8;
	[tilespmem:$0x1AD80] =	vst v63  }
0x18b: {  	_ = 	snop  }
0x18c: {  	[hbm4b:s11+s3] =	stream.indirect_vreg.scatter [tilespmem:s28], [sflag:$0x1], $0x80, v27, vm2, $0xb8;
	[tilespmem:$0x1AD80] =	vst v63  }
0x18d: {  	v27 =	vld [tilespmem:$0x2810];
	_ =	sdelay $0x4  }
0x18e: {  	v57 =	vshrl.u32 v27, $0x3  }
0x18f: {  	v28 =	vmul.u32 $0x30, v57  }
0x190: {  	v27 =	vand.u32 $0x7, v27  }
0x191: {  	v27 =	vor.u32 v27, v28  }
0x192: {  	v28 =	vperm.xlane v27, v22;
	_ =	sdelay $0x1  }
0x193: {  	v28 =	vadd.s32 v23, v28;
	_ =	sdelay $0x3  }
0x194: {  	s30 =	simm.s32 $0x5D00;
	v27 =	vperm.xlane v27, v24  }
0x195: {  	[hbm4b:s5+s3] =	stream.indirect_vreg.scatter [tilespmem:s30], [sflag:$0x1], $0x80, v28, vm2, $0xb8;
	[tilespmem:$0x1AD80] =	vst v63  }
0x196: {  	v27 =	vadd.s32 v23, v27  }
0x197: {  	[hbm4b:s10+s3] =	stream.indirect_vreg.scatter [tilespmem:s29], [sflag:$0x1], $0x80, v28, vm2, $0xb8;
	[tilespmem:$0x1AD80] =	vst v63  }
0x198: {  	s28 =	simm.s32 $0x6D00  }
0x199: {  	[hbm4b:s11+s3] =	stream.indirect_vreg.scatter [tilespmem:s28], [sflag:$0x1], $0x80, v28, vm2, $0xb8;
	[tilespmem:$0x1AD80] =	vst v63  }
0x19a: {  	_ = 	snop  }
0x19b: {  	[hbm4b:s5+s3] =	stream.indirect_vreg.scatter [tilespmem:s7], [sflag:$0x1], $0x80, v27, vm2, $0xb8;
	[tilespmem:$0x1AD80] =	vst v63  }
0x19c: {  	s1 =	simm.s32 $0x7D00  }
0x19d: {  	[hbm4b:s10+s3] =	stream.indirect_vreg.scatter [tilespmem:s1], [sflag:$0x1], $0x80, v27, vm2, $0xb8;
	[tilespmem:$0x1AD80] =	vst v63  }
0x19e: {  	_ = 	snop  }
0x19f: {  	[hbm4b:s11+s3] =	stream.indirect_vreg.scatter [tilespmem:s15], [sflag:$0x1], $0x80, v27, vm2, $0xb8;
	[tilespmem:$0x1AD80] =	vst v63  }
0x1a0: {  	v27 =	vld [tilespmem:$0x2820];
	_ =	sdelay $0x4  }
0x1a1: {  	v58 =	vshrl.u32 v27, $0x3  }
0x1a2: {  	v28 =	vmul.u32 $0x30, v58  }
0x1a3: {  	v27 =	vand.u32 $0x7, v27  }
0x1a4: {  	v27 =	vor.u32 v27, v28  }
0x1a5: {  	v28 =	vperm.xlane v27, v22;
	_ =	sdelay $0x1  }
0x1a6: {  	v28 =	vadd.s32 v23, v28;
	_ =	sdelay $0x3  }
0x1a7: {  	s30 =	simm.s32 $0x8D00;
	v27 =	vperm.xlane v27, v24  }
0x1a8: {  	[hbm4b:s5+s3] =	stream.indirect_vreg.scatter [tilespmem:s30], [sflag:$0x1], $0x80, v28, vm2, $0xb8;
	[tilespmem:$0x1AD80] =	vst v63  }
0x1a9: {  	s29 =	simm.s32 $0x9500;
	v27 =	vadd.s32 v23, v27  }
0x1aa: {  	[hbm4b:s10+s3] =	stream.indirect_vreg.scatter [tilespmem:s29], [sflag:$0x1], $0x80, v28, vm2, $0xb8;
	[tilespmem:$0x1AD80] =	vst v63  }
0x1ab: {  	s28 =	simm.s32 $0x9D00  }
0x1ac: {  	[hbm4b:s11+s3] =	stream.indirect_vreg.scatter [tilespmem:s28], [sflag:$0x1], $0x80, v28, vm2, $0xb8;
	[tilespmem:$0x1AD80] =	vst v63  }
0x1ad: {  	_ = 	snop  }
0x1ae: {  	[hbm4b:s5+s3] =	stream.indirect_vreg.scatter [tilespmem:s13], [sflag:$0x1], $0x80, v27, vm2, $0xb8;
	[tilespmem:$0x1AD80] =	vst v63  }
0x1af: {  	s26 =	simm.s32 $0xAD00  }
0x1b0: {  	[hbm4b:s10+s3] =	stream.indirect_vreg.scatter [tilespmem:s26], [sflag:$0x1], $0x80, v27, vm2, $0xb8;
	[tilespmem:$0x1AD80] =	vst v63  }
0x1b1: {  	_ = 	snop  }
0x1b2: {  	[hbm4b:s11+s3] =	stream.indirect_vreg.scatter [tilespmem:s19], [sflag:$0x1], $0x80, v27, vm2, $0xb8;
	[tilespmem:$0x1AD80] =	vst v63  }
0x1b3: {  	v27 =	vld [tilespmem:$0x2830];
	_ =	sdelay $0x4  }
0x1b4: {  	v59 =	vshrl.u32 v27, $0x3  }
0x1b5: {  	v28 =	vmul.u32 $0x30, v59  }
0x1b6: {  	v27 =	vand.u32 $0x7, v27  }
0x1b7: {  	v27 =	vor.u32 v27, v28  }
0x1b8: {  	v28 =	vperm.xlane v27, v22;
	_ =	sdelay $0x1  }
0x1b9: {  	v28 =	vadd.s32 v23, v28;
	_ =	sdelay $0x3  }
0x1ba: {  	s1 =	simm.s32 $0xBD00;
	v27 =	vperm.xlane v27, v24  }
0x1bb: {  	[hbm4b:s5+s3] =	stream.indirect_vreg.scatter [tilespmem:s1], [sflag:$0x1], $0x80, v28, vm2, $0xb8;
	[tilespmem:$0x1AD80] =	vst v63  }
0x1bc: {  	v27 =	vadd.s32 v23, v27  }
0x1bd: {  	[hbm4b:s10+s3] =	stream.indirect_vreg.scatter [tilespmem:s16], [sflag:$0x1], $0x80, v28, vm2, $0xb8;
	[tilespmem:$0x1AD80] =	vst v63  }
0x1be: {  	s30 =	simm.s32 $0xCD00  }
0x1bf: {  	[hbm4b:s11+s3] =	stream.indirect_vreg.scatter [tilespmem:s30], [sflag:$0x1], $0x80, v28, vm2, $0xb8;
	[tilespmem:$0x1AD80] =	vst v63  }
0x1c0: {  	_ = 	snop  }
0x1c1: {  	[hbm4b:s5+s3] =	stream.indirect_vreg.scatter [tilespmem:s23], [sflag:$0x1], $0x80, v27, vm2, $0xb8;
	[tilespmem:$0x1AD80] =	vst v63  }
0x1c2: {  	s15 =	simm.s32 $0xDD00  }
0x1c3: {  	[hbm4b:s10+s3] =	stream.indirect_vreg.scatter [tilespmem:s15], [sflag:$0x1], $0x80, v27, vm2, $0xb8;
	[tilespmem:$0x1AD80] =	vst v63  }
0x1c4: {  	_ = 	snop  }
0x1c5: {  	[hbm4b:s11+s3] =	stream.indirect_vreg.scatter [tilespmem:s24], [sflag:$0x1], $0x80, v27, vm2, $0xb8;
	[tilespmem:$0x1AD80] =	vst v63  }
0x1c6: {  	v27 =	vld [tilespmem:$0x2840];
	_ =	sdelay $0x4  }
0x1c7: {  	v60 =	vshrl.u32 v27, $0x3  }
0x1c8: {  	v28 =	vmul.u32 $0x30, v60  }
0x1c9: {  	v27 =	vand.u32 $0x7, v27  }
0x1ca: {  	v27 =	vor.u32 v27, v28  }
0x1cb: {  	v28 =	vperm.xlane v27, v22;
	_ =	sdelay $0x1  }
0x1cc: {  	v28 =	vadd.s32 v23, v28;
	_ =	sdelay $0x3  }
0x1cd: {  	s13 =	simm.s32 $0xED00;
	v27 =	vperm.xlane v27, v24  }
0x1ce: {  	[hbm4b:s5+s3] =	stream.indirect_vreg.scatter [tilespmem:s13], [sflag:$0x1], $0x80, v28, vm2, $0xb8;
	[tilespmem:$0x1AD80] =	vst v63  }
0x1cf: {  	v27 =	vadd.s32 v23, v27  }
0x1d0: {  	[hbm4b:s10+s3] =	stream.indirect_vreg.scatter [tilespmem:s14], [sflag:$0x1], $0x80, v28, vm2, $0xb8;
	[tilespmem:$0x1AD80] =	vst v63  }
0x1d1: {  	s19 =	simm.s32 $0xFD00  }
0x1d2: {  	[hbm4b:s11+s3] =	stream.indirect_vreg.scatter [tilespmem:s19], [sflag:$0x1], $0x80, v28, vm2, $0xb8;
	[tilespmem:$0x1AD80] =	vst v63  }
0x1d3: {  	_ = 	snop  }
0x1d4: {  	[hbm4b:s5+s3] =	stream.indirect_vreg.scatter [tilespmem:s25], [sflag:$0x1], $0x80, v27, vm2, $0xb8;
	[tilespmem:$0x1AD80] =	vst v63  }
0x1d5: {  	s16 =	simm.s32 $0x10D00  }
0x1d6: {  	[hbm4b:s10+s3] =	stream.indirect_vreg.scatter [tilespmem:s16], [sflag:$0x1], $0x80, v27, vm2, $0xb8;
	[tilespmem:$0x1AD80] =	vst v63  }
0x1d7: {  	s24 =	simm.s32 $0x11500  }
0x1d8: {  	[hbm4b:s11+s3] =	stream.indirect_vreg.scatter [tilespmem:s24], [sflag:$0x1], $0x80, v27, vm2, $0xb8;
	[tilespmem:$0x1AD80] =	vst v63  }
0x1d9: {  	v27 =	vld [tilespmem:$0x2850];
	_ =	sdelay $0x4  }
0x1da: {  	v61 =	vshrl.u32 v27, $0x3  }
0x1db: {  	v28 =	vmul.u32 $0x30, v61  }
0x1dc: {  	v27 =	vand.u32 $0x7, v27  }
0x1dd: {  	v27 =	vor.u32 v27, v28  }
0x1de: {  	v28 =	vperm.xlane v27, v22;
	_ =	sdelay $0x1  }
0x1df: {  	v28 =	vadd.s32 v23, v28;
	_ =	sdelay $0x3  }
0x1e0: {  	s23 =	simm.s32 $0x11D00;
	v27 =	vperm.xlane v27, v24  }
0x1e1: {  	[hbm4b:s5+s3] =	stream.indirect_vreg.scatter [tilespmem:s23], [sflag:$0x1], $0x80, v28, vm2, $0xb8;
	[tilespmem:$0x1AD80] =	vst v63  }
0x1e2: {  	s28 =	simm.s32 $0x12500;
	v27 =	vadd.s32 v23, v27  }
0x1e3: {  	[hbm4b:s10+s3] =	stream.indirect_vreg.scatter [tilespmem:s28], [sflag:$0x1], $0x80, v28, vm2, $0xb8;
	[tilespmem:$0x1AD80] =	vst v63  }
0x1e4: {  	s26 =	simm.s32 $0x12D00  }
0x1e5: {  	[hbm4b:s11+s3] =	stream.indirect_vreg.scatter [tilespmem:s26], [sflag:$0x1], $0x80, v28, vm2, $0xb8;
	[tilespmem:$0x1AD80] =	vst v63  }
0x1e6: {  	s25 =	simm.s32 $0x13500  }
0x1e7: {  	[hbm4b:s5+s3] =	stream.indirect_vreg.scatter [tilespmem:s25], [sflag:$0x1], $0x80, v27, vm2, $0xb8;
	[tilespmem:$0x1AD80] =	vst v63  }
0x1e8: {  	s13 =	simm.s32 $0x13D00  }
0x1e9: {  	[hbm4b:s10+s3] =	stream.indirect_vreg.scatter [tilespmem:s13], [sflag:$0x1], $0x80, v27, vm2, $0xb8;
	[tilespmem:$0x1AD80] =	vst v63  }
0x1ea: {  	s30 =	simm.s32 $0x14500  }
0x1eb: {  	[hbm4b:s11+s3] =	stream.indirect_vreg.scatter [tilespmem:s30], [sflag:$0x1], $0x80, v27, vm2, $0xb8;
	[tilespmem:$0x1AD80] =	vst v63  }
0x1ec: {  	v27 =	vld [tilespmem:$0x2860];
	_ =	sdelay $0x4  }
0x1ed: {  	v62 =	vshrl.u32 v27, $0x3  }
0x1ee: {  	v28 =	vmul.u32 $0x30, v62  }
0x1ef: {  	v27 =	vand.u32 $0x7, v27  }
0x1f0: {  	v27 =	vor.u32 v27, v28  }
0x1f1: {  	v28 =	vperm.xlane v27, v22;
	_ =	sdelay $0x1  }
0x1f2: {  	v28 =	vadd.s32 v23, v28;
	_ =	sdelay $0x3  }
0x1f3: {  	s29 =	simm.s32 $0x14D00;
	v27 =	vperm.xlane v27, v24  }
0x1f4: {  	[hbm4b:s5+s3] =	stream.indirect_vreg.scatter [tilespmem:s29], [sflag:$0x1], $0x80, v28, vm2, $0xb8;
	[tilespmem:$0x1AD80] =	vst v63  }
0x1f5: {  	s16 =	simm.s32 $0x15500;
	v27 =	vadd.s32 v23, v27  }
0x1f6: {  	[hbm4b:s10+s3] =	stream.indirect_vreg.scatter [tilespmem:s16], [sflag:$0x1], $0x80, v28, vm2, $0xb8;
	[tilespmem:$0x1AD80] =	vst v63  }
0x1f7: {  	s15 =	simm.s32 $0x15D00  }
0x1f8: {  	[hbm4b:s11+s3] =	stream.indirect_vreg.scatter [tilespmem:s15], [sflag:$0x1], $0x80, v28, vm2, $0xb8;
	[tilespmem:$0x1AD80] =	vst v63  }
0x1f9: {  	s14 =	simm.s32 $0x16500  }
0x1fa: {  	[hbm4b:s5+s3] =	stream.indirect_vreg.scatter [tilespmem:s14], [sflag:$0x1], $0x80, v27, vm2, $0xb8;
	[tilespmem:$0x1AD80] =	vst v63  }
0x1fb: {  	s24 =	simm.s32 $0x16D00  }
0x1fc: {  	[hbm4b:s10+s3] =	stream.indirect_vreg.scatter [tilespmem:s24], [sflag:$0x1], $0x80, v27, vm2, $0xb8;
	[tilespmem:$0x1AD80] =	vst v63  }
0x1fd: {  	s23 =	simm.s32 $0x17500  }
0x1fe: {  	[hbm4b:s11+s3] =	stream.indirect_vreg.scatter [tilespmem:s23], [sflag:$0x1], $0x80, v27, vm2, $0xb8;
	[tilespmem:$0x1AD80] =	vst v63  }
0x1ff: {  	v27 =	vld [tilespmem:$0x2870];
	_ =	sdelay $0x4  }
0x200: {  	v63 =	vshrl.u32 v27, $0x3  }
0x201: {  	v28 =	vmul.u32 $0x30, v63  }
0x202: {  	v27 =	vand.u32 $0x7, v27  }
0x203: {  	v27 =	vor.u32 v27, v28  }
0x204: {  	v28 =	vperm.xlane v27, v22;
	_ =	sdelay $0x1  }
0x205: {  	v28 =	vadd.s32 v23, v28;
	_ =	sdelay $0x3  }
0x206: {  	s19 =	simm.s32 $0x17D00;
	v27 =	vperm.xlane v27, v24  }
0x207: {  	[hbm4b:s5+s3] =	stream.indirect_vreg.scatter [tilespmem:s19], [sflag:$0x1], $0x80, v28, vm2, $0xb8;
	[tilespmem:$0x1AD80] =	vst v63  }
0x208: {  	s28 =	simm.s32 $0x18500;
	v27 =	vadd.s32 v23, v27  }
0x209: {  	[hbm4b:s10+s3] =	stream.indirect_vreg.scatter [tilespmem:s28], [sflag:$0x1], $0x80, v28, vm2, $0xb8;
	[tilespmem:$0x1AD80] =	vst v63  }
0x20a: {  	s26 =	simm.s32 $0x18D00  }
0x20b: {  	[hbm4b:s11+s3] =	stream.indirect_vreg.scatter [tilespmem:s26], [sflag:$0x1], $0x80, v28, vm2, $0xb8;
	[tilespmem:$0x1AD80] =	vst v63  }
0x20c: {  	s25 =	simm.s32 $0x19500  }
0x20d: {  	[hbm4b:s5+s3] =	stream.indirect_vreg.scatter [tilespmem:s25], [sflag:$0x1], $0x80, v27, vm2, $0xb8;
	[tilespmem:$0x1AD80] =	vst v63  }
0x20e: {  	p4 =	sne.s32 s0, $0x1;
	s30 =	simm.s32 $0x19D00  }
0x20f: {  	[hbm4b:s10+s3] =	stream.indirect_vreg.scatter [tilespmem:s30], [sflag:$0x1], $0x80, v27, vm2, $0xb8;
	[tilespmem:$0x1AD80] =	vst v63  }
.Ltmp6:
0x210: {  	s29 =	simm.s32 $0x1A500;
	(pc) =	sbr.rel @p4 .LBB2_8-.Ltmp6, $4  }
0x211: {  	[hbm4b:s11+s3] =	stream.indirect_vreg.scatter [tilespmem:s29], [sflag:$0x1], $0x80, v27, vm2, $0xb8;
	[tilespmem:$0x1AD80] =	vst v63  }
0x212: {  	_ =	swait.ge [sflag:s31], $0x18000  }
0x213: {  	s22 =	sadd.s32 $0x80, s22;
	s0 =	sadd.s32 $0xFFFFFFFF, s0;
	[sflag:s31] =	ssyncset.done $0x0  }
0x214: {  	s2 =	sadd.s32 $0x80, s2;
	s6 =	sadd.s32 $0x80, s6;
	[sflag:s31] =	ssyncadd.s32 $0xFFFE8000  }
.LBB2_9:
.Ltmp7:
0x215: {  	(pc) =	sbr.rel @p1 .LBB2_11-.Ltmp7, $2  }
0x216: {  	_ =	sdelay $0x2  }
0x217: {  	s7 =	rddreg [dreg:$0xc]  }
0x218: {  	v25 =	vld [tilespmem:$0x2900]  }
0x219: {  	v26 =	vld [tilespmem:$0x2980]  }
0x21a: {  	v27 =	vld [tilespmem:$0x2A00];
	_ =	sdelay $0x1  }
0x21b: {  	v28 =	vld [tilespmem:$0x2A80]  }
0x21c: {  	v25 =	vsel vm1, $0x0, v25  }
0x21d: {  	v29 =	vld [tilespmem:$0x2B00];
	v26 =	vsel vm1, $0x0, v26;
	v25 =	vxor.u32 $0x80000000, v25  }
0x21e: {  	(xrf0) =	vmax.scan.msk.u32 $0xffff, v25;
	v25 =	vxor.u32 $0x80000000, v26;
	v26 =	vsel vm1, $0x0, v27;
	v27 =	vld [tilespmem:$0x2B80]  }
0x21f: {  	v48 =	vld [tilespmem:$0x2C00]  }
0x220: {  	(xrf0) =	vmax.scan.msk.u32 $0xffff, v25;
	v25 =	vxor.u32 $0x80000000, v26;
	v26 =	vsel vm1, $0x0, v28  }
0x221: {  	(xrf0) =	vmax.scan.msk.u32 $0xffff, v25;
	v25 =	vxor.u32 $0x80000000, v26  }
0x222: {  	(xrf0) =	vmax.scan.msk.u32 $0xffff, v25;
	v25 =	vsel vm1, $0x0, v29  }
0x223: {  	v25 =	vxor.u32 $0x80000000, v25;
	v26 =	vsel vm1, $0x0, v27  }
0x224: {  	v27, _, _ =	vpop (xrf0);
	(xrf0) =	vmax.scan.msk.u32 $0xffff, v25;
	v25 =	vxor.u32 $0x80000000, v26;
	v26 =	vsel vm1, $0x0, v48;
	_ =	sdelay $0x1  }
0x225: {  	(v2sf) =	vpush v27, $0xF;
	v27, _, _ =	vpop (xrf0);
	(xrf0) =	vmax.scan.msk.u32 $0xffff, v25;
	v25 =	vxor.u32 $0x80000000, v26  }
0x226: {  	v26, _, _ =	vpop (xrf0);
	(xrf0) =	vmax.scan.msk.u32 $0xffff, v25  }
0x227: {  	(v2sf) =	vpush v27, $0xF  }
0x228: {  	v25, _, _ =	vpop (xrf0);
	(v2sf) =	vpush v26, $0xF  }
0x229: {  	(v2sf) =	vpush v25, $0xF  }
0x22a: {  	v25, _, _ =	vpop (xrf0)  }
0x22b: {  	v26, _, _ =	vpop (xrf0);
	(v2sf) =	vpush v25, $0xF  }
0x22c: {  	(v2sf) =	vpush v26, $0xF;
	v25, _, _ =	vpop (xrf0)  }
0x22d: {  	(v2sf) =	vpush v25, $0xF;
	_ =	sdelay $0x7  }
0x22e: {  	s0 =	spop (v2sf)  }
0x22f: {  	s2 =	spop (v2sf);
	s0 =	sadd.s32 $0x8000007F, s0  }
0x230: {  	s2 =	sadd.s32 $0x8000007F, s2;
	s0 =	sshrl.u32 s0, $0x7;
	s4 =	spop (v2sf)  }
0x231: {  	s2 =	sshrl.u32 s2, $0x7;
	s6 =	spop (v2sf);
	s4 =	sadd.s32 $0x8000007F, s4  }
0x232: {  	s2 =	sadd.s32 s0, s2;
	s4 =	sshrl.u32 s4, $0x7;
	s6 =	sadd.s32 $0x8000007F, s6  }
0x233: {  	v25 =	vmov s0;
	s17 =	spop (v2sf);
	s4 =	sadd.s32 s4, s2;
	s6 =	sshrl.u32 s6, $0x7  }
0x234: {  	vm3 =	vlt.u32 v25, v11;
	v26 =	vmov s2;
	s23 =	spop (v2sf);
	s6 =	sadd.s32 s6, s4;
	s17 =	sadd.s32 $0x8000007F, s17  }
0x235: {  	v27 =	vsel vm3, $0x1, v10;
	vm3 =	vlt.u32 v26, v11;
	v49 =	vmov s4;
	s24 =	sshrl.u32 s17, $0x7;
	s0 =	sadd.s32 $0x8000007F, s23;
	s25 =	spop (v2sf)  }
0x236: {  	v50 =	vsel vm3, $0x1, v10;
	vm3 =	vlt.u32 v49, v11;
	v30 =	vmov s6;
	s2 =	sadd.s32 s24, s6;
	s0 =	sshrl.u32 s0, $0x7;
	s26 =	sadd.s32 $0x8000007F, s25  }
0x237: {  	v31 =	vsel vm3, $0x1, v10;
	vm3 =	vlt.u32 v30, v11;
	s0 =	sadd.s32 s0, s2;
	v32 =	vmov s2;
	s4 =	sshrl.u32 s26, $0x7  }
0x238: {  	v33 =	vsel vm3, $0x1, v10;
	vm3 =	vlt.u32 v32, v11;
	v34 =	vmov s0;
	s28 =	sadd.s32 s4, s0  }
0x239: {  	v35 =	vsel vm3, $0x1, v10;
	vm3 =	vlt.s32 v34, v11;
	v36 =	vmov s28  }
0x23a: {  	v27 =	vadd.s32 v27, v50;
	v51 =	vsel vm3, $0x1, v10;
	vm3 =	vlt.s32 v36, v11  }
0x23b: {  	v27 =	vadd.s32 v31, v27;
	v52 =	vsel vm3, $0x1, v10;
	vm3 =	vlt.u32 v25, v12  }
0x23c: {  	v27 =	vadd.s32 v33, v27;
	v53 =	vsel vm3, $0x1, v10;
	vm3 =	vlt.u32 v26, v12  }
0x23d: {  	v27 =	vadd.s32 v35, v27;
	v54 =	vsel vm3, $0x1, v10;
	vm3 =	vlt.u32 v49, v12  }
0x23e: {  	v27 =	vadd.s32 v51, v27;
	v55 =	vsel vm3, $0x1, v10;
	vm3 =	vlt.u32 v30, v12  }
0x23f: {  	v27 =	vadd.s32 v52, v27;
	v56 =	vsel vm3, $0x1, v10;
	vm3 =	vlt.u32 v32, v12  }
0x240: {  	v33 =	vadd.s32 v53, v54;
	v57 =	vsel vm3, $0x1, v10;
	vm3 =	vlt.s32 v34, v12  }
0x241: {  	v29 =	vadd.s32 v55, v33;
	v58 =	vsel vm3, $0x1, v10;
	vm3 =	vlt.s32 v36, v12  }
0x242: {  	v29 =	vadd.s32 v56, v29;
	v59 =	vsel vm3, $0x1, v10;
	vm3 =	vlt.u32 v25, v13  }
0x243: {  	v25 =	vadd.s32 v57, v29;
	v60 =	vsel vm3, $0x1, v10;
	vm3 =	vlt.u32 v26, v13  }
0x244: {  	v25 =	vadd.s32 v58, v25;
	v26 =	vsel vm3, $0x1, v10;
	vm3 =	vlt.u32 v49, v13  }
0x245: {  	v26 =	vadd.s32 v60, v26;
	v28 =	vsel vm3, $0x1, v10;
	vm3 =	vlt.u32 v30, v13  }
0x246: {  	v26 =	vadd.s32 v28, v26;
	v61 =	vsel vm3, $0x1, v10;
	vm3 =	vlt.u32 v32, v13  }
0x247: {  	v26 =	vadd.s32 v61, v26;
	v62 =	vsel vm3, $0x1, v10;
	vm3 =	vlt.s32 v34, v13  }
0x248: {  	v26 =	vadd.s32 v62, v26;
	v63 =	vsel vm3, $0x1, v10;
	vm3 =	vlt.s32 v36, v13  }
0x249: {  	[tilespmem:$0x1AD00] =	vst v27;
	v25 =	vadd.s32 v59, v25;
	v26 =	vadd.s32 v63, v26;
	v27 =	vsel vm3, $0x1, v10  }
0x24a: {  	s29 =	rddreg [dreg:$0x7];
	[tilespmem:$0x1AD10] =	vst v25;
	v25 =	vadd.s32 v27, v26  }
.Ltmp8:
0x24b: {  	s30 =	simm.s32 $0x1AD00;
	s31 =	simm.s32 $0x3;
	[tilespmem:$0x1AD20] =	vst v25;
	(pc) =	sbr.rel .LBB2_11-.Ltmp8, $4  }
0x24c: {  	[hbm4b:s29+s3] =	stream.linear.scatter [tilespmem:s30], [sflag:$0x3], $0x80, $0x38;
	[tilespmem:$0x1AD80] =	vst v63  }
0x24d: {  	_ =	swait.ge [sflag:s31], $0x80  }
0x24e: {  	[sflag:s31] =	ssyncset.done $0x0  }
0x24f: {  	[sflag:s31] =	ssyncadd.s32 $0xFFFFFF80  }
.LBB2_12:
0x250: {  	_ =	sfence.sel $0x180000  }
0x251: {  	[bflag:$0x0] =	sbarrier.arrive $0xFFFF  }
0x252: {  	_ =	strace $0x90000047  }
0x253: {  	s0 =	stileid.u32;
	[bflag:$0x2] =	sbarrier.arrive $0xFFFF  }
0x254: {  	p0 =	sne.s32 s0, $0x0;
	s0 =	rddreg [dreg:$0x3]  }
0x255: {  	s0 =	sadd.s32 @!p0 $0x100000, s0  }
0x256: {  	[sflag:s0] =	ssyncadd.tile.s32 @!p0 $0x1;
	_ =	shalt  }
.Lfunc_end2:
_tile_overlayer_lowered:
.L_overlay_start_2:
0x257: {  	(tag) =	ssettag $0x2  }
0x258: {  	s0 =	rddreg [dreg:$0x0];
	s2 =	stileid.u32  }
0x259: {  	s1 =	rddreg [dreg:$0x1];
	p0 =	sne.s32 s2, $0x0  }
0x25a: {  	s3 =	rddreg [dreg:$0x2];
	[bflag:$0x3] =	sbarrier.arrive $0xFFFF;
	s2 =	simm.s32 @!p0 $0x1C03  }
0x25b: {  	[timem:s3], [sflag:s2] =	dma.local @!p0 [hbm:s0], s1  }
0x25c: {  	s0 =	simm.s32 @!p0 $0x3  }
0x25d: {  	_ =	swait.ge @!p0 [sflag:s0], s1  }
0x25e: {  	s1 =	ssub.s32 @!p0 $0x0, s1;
	[sflag:s0] =	ssyncset.done @!p0 $0x0  }
0x25f: {  	[sflag:s0] =	ssyncadd.s32 @!p0 s1  }
0x260: {  	[bflag:$0x3] =	sbarrier.arrive $0xFFFF  }
0x261: {  	_ =	shalt  }

</sc_bundles>
